<compile_context>
chip_gen: v7x
topology: tpu7x:2x2x1
jax: 0.10.2.dev20260603
libtpu: 0.0.44.dev20260713+nightly
codegen_flags: <defaults>
</compile_context>

<pallas_src>
import functools

import numpy as np

import jax
import jax.numpy as jnp
from jax import lax
from jax.experimental import pallas as pl
from jax.experimental.pallas import tpu as pltpu
from jax.experimental.pallas import tpu_sc as plsc

ACC = 256
LBAG = 50
NC, NS = 2, 16
NW = NC * NS
BAGS_W = 512
GB = 2
NCH = BAGS_W // GB
IDXC = GB * LBAG
IDXP = 104
NB = 4
FL_CH = 32
FL_ROWS = FL_CH * GB
NG = ACC // 32

_PERM = (np.arange(NG)[:, None, None] * 16
         + np.arange(2)[None, :, None] * 128
         + np.arange(16)[None, None, :]).reshape(ACC)


def _crelu(x, leak=0.05):
    c = jnp.clip(x, -1.0, 127.0 / 128.0)
    return c + leak * (x - c)


def _tc_pack(table):
    V = table.shape[0]
    RP = 1920
    grid = V // RP

    def body(t_ref, o_ref):
        def rne(x):
            u = pltpu.bitcast(x, jnp.uint32)
            r = (u + jnp.uint32(0x7FFF)
                 + ((u >> jnp.uint32(16)) & jnp.uint32(1))) >> jnp.uint32(16)
            return r

        lo = rne(t_ref[:, pl.ds(0, 128)])
        hi = rne(t_ref[:, pl.ds(128, 128)])
        o_ref[...] = pltpu.bitcast(lo | (hi << jnp.uint32(16)), jnp.int32)

    return pl.pallas_call(
        body,
        grid=(grid,),
        in_specs=[pl.BlockSpec((RP, table.shape[1]), lambda i: (i, 0))],
        out_specs=pl.BlockSpec((RP, 128), lambda i: (i, 0)),
        out_shape=jax.ShapeDtypeStruct((V, 128), jnp.int32),
    )(table)


def _sc_embed_sum(table_i32, idx3):
    mesh = plsc.VectorSubcoreMesh(core_axis_name="c", subcore_axis_name="s",
                                  num_cores=NC, num_subcores=NS)

    @functools.partial(
        pl.kernel,
        out_type=jax.ShapeDtypeStruct((NW * BAGS_W, ACC), jnp.float32),
        mesh=mesh,
        compiler_params=pltpu.CompilerParams(needs_layout_passes=False),
        scratch_types=[
            pltpu.VMEM((NCH, IDXP), jnp.int32),
            *[pltpu.VMEM((IDXP, 128), jnp.int32) for _ in range(NB)],
            pltpu.VMEM((FL_ROWS, ACC), jnp.float32),
            *[pltpu.SemaphoreType.DMA for _ in range(NB)],
        ],
    )
    def sc_kernel(table_hbm, idx_hbm, out_hbm, idx_v,
                  b0, b1, b2, b3, stage, s0, s1, s2, s3):
        wid = lax.axis_index("s") * NC + lax.axis_index("c")
        pltpu.sync_copy(idx_hbm.at[wid], idx_v)
        bufs = (b0, b1, b2, b3)
        sems = (s0, s1, s2, s3)

        def start(ch, b):
            pltpu.async_copy(table_hbm.at[idx_v.at[ch]], bufs[b], sems[b])

        def wait(b):
            pltpu.make_async_copy(
                table_hbm.at[idx_v.at[0]], bufs[b], sems[b]).wait()

        hi_mask = jnp.full((16,), np.int32(-65536), jnp.int32)

        def accum(b, slot):
            buf = bufs[b]
            for k in range(GB):
                def body(l, acc, _k=k):
                    out = list(acc)
                    for g in range(NG):
                        w = buf[_k * LBAG + l, pl.ds(16 * g, 16)]
                        lo = plsc.bitcast(
                            jnp.left_shift(w, 16), jnp.float32)
                        hi = plsc.bitcast(
                            jnp.bitwise_and(w, hi_mask), jnp.float32)
                        out[2 * g] = out[2 * g] + lo
                        out[2 * g + 1] = out[2 * g + 1] + hi
                    return tuple(out)

                acc = lax.fori_loop(
                    0, LBAG, body,
                    tuple(jnp.zeros((16,), jnp.float32)
                          for _ in range(2 * NG)))
                for g in range(NG):
                    stage[slot + k, pl.ds(32 * g, 16)] = acc[2 * g]
                    stage[slot + k, pl.ds(32 * g + 16, 16)] = acc[2 * g + 1]

        for b in range(NB):
            start(b, b)

        def step(to, carry):
            tl = lax.rem(to, FL_CH // NB)
            for b in range(NB):
                ch = NB * to + b
                wait(b)
                accum(b, 2 * (NB * tl + b))

                @pl.when(ch + NB < NCH)
                def _():
                    start(ch + NB, b)

            @pl.when(tl == FL_CH // NB - 1)
            def _():
                row0 = wid * BAGS_W + (to // (FL_CH // NB)) * FL_ROWS
                pltpu.sync_copy(stage, out_hbm.at[pl.ds(row0, FL_ROWS)])
            return carry

        lax.fori_loop(0, NCH // NB, step, 0)

    return sc_kernel(table_i32, idx3)


def _tc_mlp(sums, which2d, w1cat, b1cat, w2blk, b2cat, w3, b3):
    R = 2048
    Bb = sums.shape[0] // R

    def body(s_ref, wm_ref, w1_ref, b1_ref, w2_ref, b2_ref, w3_ref, b3_ref,
             o_ref):
        x = _crelu(s_ref[...] * (1.0 / LBAG))
        wm = wm_ref[0, 0, :]
        h1 = _crelu(
            lax.dot_general(x, w1_ref[...], (((1,), (1,)), ((), ())),
                            preferred_element_type=jnp.float32)
            + b1_ref[...])
        h2 = _crelu(
            lax.dot_general(h1, w2_ref[...], (((1,), (0,)), ((), ())),
                            preferred_element_type=jnp.float32)
            + b2_ref[...])
        outs = lax.dot_general(h2, w3_ref[...],
                               (((1,), (0,)), ((), ())),
                               preferred_element_type=jnp.float32)
        outs = outs + b3_ref[...]
        onehot = (wm[:, None]
                  == lax.broadcasted_iota(jnp.int32, (1, 4), 1)
                  ).astype(jnp.float32)
        val = jnp.sum(outs * onehot, axis=1)
        o_ref[0, 0, :] = jnp.tanh(val)

    zero = lambda i: (0, 0)
    return pl.pallas_call(
        body,
        grid=(Bb,),
        in_specs=[
            pl.BlockSpec((R, ACC), lambda i: (i, 0)),
            pl.BlockSpec((1, 1, R), lambda i: (i, 0, 0)),
            pl.BlockSpec((64, ACC), zero),
            pl.BlockSpec((1, 64), zero),
            pl.BlockSpec((64, 128), zero),
            pl.BlockSpec((1, 128), zero),
            pl.BlockSpec((128, 4), zero),
            pl.BlockSpec((1, 4), zero),
        ],
        out_specs=pl.BlockSpec((1, 1, R), lambda i: (i, 0, 0)),
        out_shape=jax.ShapeDtypeStruct((Bb, 1, R), jnp.float32),
    )(sums, which2d, w1cat, b1cat, w2blk, b2cat, w3, b3)


_HEADS = ['white_main', 'black_main', 'white_duck', 'black_duck']


def kernel(inputs, which_model, table, params):
    B = inputs.shape[0]
    def _rne(x):
        u = jax.lax.bitcast_convert_type(x, jnp.uint32)
        return (u + jnp.uint32(0x7FFF)
                + ((u >> jnp.uint32(16)) & jnp.uint32(1))) >> jnp.uint32(16)

    lo = _rne(table[:, :128])
    hi = _rne(table[:, 128:ACC])
    table_i32 = jax.lax.bitcast_convert_type(lo | (hi << jnp.uint32(16)),
                                             jnp.int32)
    npad = IDXP - IDXC
    pads = jnp.asarray(
        np.arange(NW * NCH * npad, dtype=np.int32).reshape(NW, NCH, npad))
    idx3 = jnp.concatenate([inputs.reshape(NW, NCH, IDXC), pads], axis=2)
    sums = _sc_embed_sum(table_i32, idx3)

    eye4 = jnp.eye(4, dtype=jnp.float32)
    w1 = jnp.stack([params[n]['W1'] for n in _HEADS])
    w1cat = w1[:, :, _PERM].reshape(64, ACC)
    b1cat = jnp.stack([params[n]['b1'] for n in _HEADS]).reshape(1, 64)
    w2 = jnp.stack([params[n]['W2'] for n in _HEADS])
    w2t = w2.transpose(0, 2, 1)
    w2blk = (w2t[:, :, None, :] * eye4[:, None, :, None]).reshape(64, 128)
    b2cat = jnp.stack([params[n]['b2'] for n in _HEADS]).reshape(1, 128)
    w3cat = jnp.stack([params[n]['W3'][0] for n in _HEADS])
    w3 = (w3cat[:, :, None] * eye4[:, None, :]).reshape(128, 4)
    b3 = jnp.stack([params[n]['b3'][0] for n in _HEADS])[None]

    R = 2048
    which2d = which_model.reshape(B // R, 1, R)
    vals = _tc_mlp(sums, which2d, w1cat, b1cat, w2blk, b2cat, w3, b3)
    return vals.reshape(B, 1)

# --- scband reference (transcript-rebuilt; emitter-appended) ---
"""Pipeline reference for scband-nnue-90357521973576 (READ-ONLY COPY).

The authoritative reference and input builder live on the scoring server;
editing this copy changes nothing except your own understanding.
"""

import jax, jax.numpy as jnp
import numpy as np

FEATURE_COUNT = 2 * 64 * ((5 + 5 + 1) * 64) + 64 + 64  # 90240
ACCUM_SIZE = 256
NET_NAMES = ['white_main', 'black_main', 'white_duck', 'black_duck']


def crelu(x, leak=0.05):
    c = jnp.clip(x, -1.0, 127.0 / 128.0)
    return c + leak * (x - c)


def mlp(p, x):
    h = crelu(x @ p['W1'].T + p['b1'])
    h = crelu(h @ p['W2'].T + p['b2'])
    return h @ p['W3'].T + p['b3']


def setup_inputs(seed: int = 0) -> dict:
    key = jax.random.key(seed)
    ks = jax.random.split(key, 32)
    B, L = 16384, 50
    inputs = jax.random.randint(ks[0], (B, L), 0, FEATURE_COUNT, dtype=jnp.int64 if jax.config.jax_enable_x64 else jnp.int32).astype(jnp.int32)
    which_model = jax.random.randint(ks[1], (B,), 0, 4).astype(jnp.int32)
    table = jax.random.normal(ks[2], (FEATURE_COUNT, ACCUM_SIZE + 1), dtype=jnp.float32) * 0.05
    params = {}
    i = 3
    for name in NET_NAMES:
        params[name] = {
            'W1': jax.random.normal(ks[i + 0], (16, ACCUM_SIZE), dtype=jnp.float32) * 0.06,
            'b1': jnp.zeros((16,), dtype=jnp.float32),
            'W2': jax.random.normal(ks[i + 1], (32, 16), dtype=jnp.float32) * 0.25,
            'b2': jnp.zeros((32,), dtype=jnp.float32),
            'W3': jax.random.normal(ks[i + 2], (1, 32), dtype=jnp.float32) * 0.17,
            'b3': jnp.zeros((1,), dtype=jnp.float32),
        }
        i += 3
    return {'inputs': inputs, 'which_model': which_model, 'table': table, 'params': params}


def reference(inputs, which_model, table, params):
    # EmbeddingBag default mode='mean': gather rows then mean over bag dim
    emb = jnp.take(table, inputs, axis=0).mean(axis=1)  # [B, 257]
    emb = crelu(emb)
    feat = emb[:, :ACCUM_SIZE]  # reconcile 257 -> 256 for Linear(256, 16)
    outs = jnp.stack([mlp(params[n], feat) for n in NET_NAMES])  # [4, B, 1]
    value = outs[which_model, jnp.arange(which_model.shape[0])]  # [B, 1]
    return jnp.tanh(value)

if __name__ == "__main__":
    import jax
    _d = setup_inputs()
    print(jax.jit(kernel)(*tuple(_d.values())))

</pallas_src>

<mosaic_0001>
#map = affine_map<(d0, d1) -> (0, 0)>
#map1 = affine_map<(d0, d1) -> (0, 0, 0)>
module attributes {stable_mosaic.version = 14 : i64} {
  func.func @sc_kernel(%arg0: i32, %arg1: i32, %arg2: memref<90240x128xi32, #tpu.memory_space<hbm>>, %arg3: memref<32x256x104xi32, #tpu.memory_space<hbm>>, %arg4: memref<16384x256xf32, #tpu.memory_space<hbm>>, %arg5: memref<256x104xi32, #tpu.memory_space<vmem>>, %arg6: memref<104x128xi32, #tpu.memory_space<vmem>>, %arg7: memref<104x128xi32, #tpu.memory_space<vmem>>, %arg8: memref<104x128xi32, #tpu.memory_space<vmem>>, %arg9: memref<104x128xi32, #tpu.memory_space<vmem>>, %arg10: memref<64x256xf32, #tpu.memory_space<vmem>>, %arg11: memref<!tpu.dma_semaphore, #tpu.memory_space<semaphore_mem>>, %arg12: memref<!tpu.dma_semaphore, #tpu.memory_space<semaphore_mem>>, %arg13: memref<!tpu.dma_semaphore, #tpu.memory_space<semaphore_mem>>, %arg14: memref<!tpu.dma_semaphore, #tpu.memory_space<semaphore_mem>>) attributes {dimension_semantics = [#tpu.dimension_semantics<core_parallel>, #tpu.dimension_semantics<subcore_parallel>], iteration_bounds = array<i64: 2, 16>, scalar_prefetch = 0 : i64, scratch_operands = 10 : i64, tpu.core_type = #tpu.core_type<sc_vector_subcore>, window_params = [{transform_indices = #map}, {transform_indices = #map1}, {transform_indices = #map}]} {
    %mul3A = arith.constant 2 : i32
    %mul3A_0 = arith.muli %arg1, %mul3A : i32
    %add3A = arith.addi %mul3A_0, %arg0 : i32
    "tpu.region"() ({
      %run_scoped3A = tpu.sem_alloc : memref<!tpu.dma_semaphore, #tpu.memory_space<semaphore_mem>>
      %dma_start3A_34 = arith.constant 0 : i32
      %dma_start3A_35 = arith.constant 0 : i32
      %dma_start3A_36 = tpu.memref_slice %arg3[%add3A, %dma_start3A_34, %dma_start3A_35] : memref<32x256x104xi32, #tpu.memory_space<hbm>> -> memref<1x256x104xi32, #tpu.memory_space<hbm>>
      %dma_start3A_37 = tpu.memref_squeeze %dma_start3A_36 : memref<1x256x104xi32, #tpu.memory_space<hbm>> -> memref<256x104xi32, #tpu.memory_space<hbm>>
      %dma_start3A_38 = arith.constant 0 : i32
      %dma_start3A_39 = arith.constant 0 : i32
      %dma_start3A_40 = tpu.memref_slice %arg3[%add3A, %dma_start3A_38, %dma_start3A_39] : memref<32x256x104xi32, #tpu.memory_space<hbm>> -> memref<1x256x104xi32, #tpu.memory_space<hbm>>
      %dma_start3A_41 = tpu.memref_squeeze %dma_start3A_40 : memref<1x256x104xi32, #tpu.memory_space<hbm>> -> memref<256x104xi32, #tpu.memory_space<hbm>>
      tpu.enqueue_dma source(%dma_start3A_41 : memref<256x104xi32, #tpu.memory_space<hbm>>) target(%arg5 : memref<256x104xi32, #tpu.memory_space<vmem>>) target_semaphore(%run_scoped3A : memref<!tpu.dma_semaphore, #tpu.memory_space<semaphore_mem>>)
      %dma_wait3A = arith.constant 0 : i32
      %dma_wait3A_42 = arith.constant 0 : i32
      %dma_wait3A_43 = tpu.memref_slice %arg3[%add3A, %dma_wait3A, %dma_wait3A_42] : memref<32x256x104xi32, #tpu.memory_space<hbm>> -> memref<1x256x104xi32, #tpu.memory_space<hbm>>
      %dma_wait3A_44 = tpu.memref_squeeze %dma_wait3A_43 : memref<1x256x104xi32, #tpu.memory_space<hbm>> -> memref<256x104xi32, #tpu.memory_space<hbm>>
      %dma_wait3A_45 = arith.constant 0 : i32
      %dma_wait3A_46 = arith.constant 0 : i32
      %dma_wait3A_47 = tpu.memref_slice %arg3[%add3A, %dma_wait3A_45, %dma_wait3A_46] : memref<32x256x104xi32, #tpu.memory_space<hbm>> -> memref<1x256x104xi32, #tpu.memory_space<hbm>>
      %dma_wait3A_48 = tpu.memref_squeeze %dma_wait3A_47 : memref<1x256x104xi32, #tpu.memory_space<hbm>> -> memref<256x104xi32, #tpu.memory_space<hbm>>
      tpu.wait_dma2 semaphore(%run_scoped3A : memref<!tpu.dma_semaphore, #tpu.memory_space<semaphore_mem>>) src(%dma_wait3A_48 : memref<256x104xi32, #tpu.memory_space<hbm>>) dst(%arg5 : memref<256x104xi32, #tpu.memory_space<vmem>>)
      tpu.yield
    }) : () -> ()
    %broadcast_in_dim3A = arith.constant -65536 : i32
    %broadcast_in_dim3A_1 = vector.broadcast %broadcast_in_dim3A : i32 to vector<16xi32>
    %dma_start3A = arith.constant 0 : i32
    %dma_start3A_2 = arith.constant 0 : i32
    %dma_start3A_3 = tpu.memref_slice %arg5[%dma_start3A, %dma_start3A_2] : memref<256x104xi32, #tpu.memory_space<vmem>> -> memref<1x104xi32, #tpu.memory_space<vmem>>
    %dma_start3A_4 = tpu.memref_squeeze %dma_start3A_3 : memref<1x104xi32, #tpu.memory_space<vmem>> -> memref<104xi32, #tpu.memory_space<vmem>>
    %dma_start3A_5 = arith.constant 0 : i32
    %dma_start3A_6 = arith.constant 0 : i32
    %dma_start3A_7 = tpu.memref_slice %arg2[%dma_start3A_5, %dma_start3A_6] : memref<90240x128xi32, #tpu.memory_space<hbm>> -> memref<90240x128xi32, #tpu.memory_space<hbm>>
    tpu.enqueue_indirect_dma source(%dma_start3A_7 : memref<90240x128xi32, #tpu.memory_space<hbm>>) target(%arg6 : memref<104x128xi32, #tpu.memory_space<vmem>>) offsets(%dma_start3A_4 : memref<104xi32, #tpu.memory_space<vmem>>) semaphore(%arg11 : memref<!tpu.dma_semaphore, #tpu.memory_space<semaphore_mem>>)
    %dma_start3A_8 = arith.constant 1 : i32
    %dma_start3A_9 = arith.constant 0 : i32
    %dma_start3A_10 = tpu.memref_slice %arg5[%dma_start3A_8, %dma_start3A_9] : memref<256x104xi32, #tpu.memory_space<vmem>> -> memref<1x104xi32, #tpu.memory_space<vmem>>
    %dma_start3A_11 = tpu.memref_squeeze %dma_start3A_10 : memref<1x104xi32, #tpu.memory_space<vmem>> -> memref<104xi32, #tpu.memory_space<vmem>>
    %dma_start3A_12 = arith.constant 0 : i32
    %dma_start3A_13 = arith.constant 0 : i32
    %dma_start3A_14 = tpu.memref_slice %arg2[%dma_start3A_12, %dma_start3A_13] : memref<90240x128xi32, #tpu.memory_space<hbm>> -> memref<90240x128xi32, #tpu.memory_space<hbm>>
    tpu.enqueue_indirect_dma source(%dma_start3A_14 : memref<90240x128xi32, #tpu.memory_space<hbm>>) target(%arg7 : memref<104x128xi32, #tpu.memory_space<vmem>>) offsets(%dma_start3A_11 : memref<104xi32, #tpu.memory_space<vmem>>) semaphore(%arg12 : memref<!tpu.dma_semaphore, #tpu.memory_space<semaphore_mem>>)
    %dma_start3A_15 = arith.constant 2 : i32
    %dma_start3A_16 = arith.constant 0 : i32
    %dma_start3A_17 = tpu.memref_slice %arg5[%dma_start3A_15, %dma_start3A_16] : memref<256x104xi32, #tpu.memory_space<vmem>> -> memref<1x104xi32, #tpu.memory_space<vmem>>
    %dma_start3A_18 = tpu.memref_squeeze %dma_start3A_17 : memref<1x104xi32, #tpu.memory_space<vmem>> -> memref<104xi32, #tpu.memory_space<vmem>>
    %dma_start3A_19 = arith.constant 0 : i32
    %dma_start3A_20 = arith.constant 0 : i32
    %dma_start3A_21 = tpu.memref_slice %arg2[%dma_start3A_19, %dma_start3A_20] : memref<90240x128xi32, #tpu.memory_space<hbm>> -> memref<90240x128xi32, #tpu.memory_space<hbm>>
    tpu.enqueue_indirect_dma source(%dma_start3A_21 : memref<90240x128xi32, #tpu.memory_space<hbm>>) target(%arg8 : memref<104x128xi32, #tpu.memory_space<vmem>>) offsets(%dma_start3A_18 : memref<104xi32, #tpu.memory_space<vmem>>) semaphore(%arg13 : memref<!tpu.dma_semaphore, #tpu.memory_space<semaphore_mem>>)
    %dma_start3A_22 = arith.constant 3 : i32
    %dma_start3A_23 = arith.constant 0 : i32
    %dma_start3A_24 = tpu.memref_slice %arg5[%dma_start3A_22, %dma_start3A_23] : memref<256x104xi32, #tpu.memory_space<vmem>> -> memref<1x104xi32, #tpu.memory_space<vmem>>
    %dma_start3A_25 = tpu.memref_squeeze %dma_start3A_24 : memref<1x104xi32, #tpu.memory_space<vmem>> -> memref<104xi32, #tpu.memory_space<vmem>>
    %dma_start3A_26 = arith.constant 0 : i32
    %dma_start3A_27 = arith.constant 0 : i32
    %dma_start3A_28 = tpu.memref_slice %arg2[%dma_start3A_26, %dma_start3A_27] : memref<90240x128xi32, #tpu.memory_space<hbm>> -> memref<90240x128xi32, #tpu.memory_space<hbm>>
    tpu.enqueue_indirect_dma source(%dma_start3A_28 : memref<90240x128xi32, #tpu.memory_space<hbm>>) target(%arg9 : memref<104x128xi32, #tpu.memory_space<vmem>>) offsets(%dma_start3A_25 : memref<104xi32, #tpu.memory_space<vmem>>) semaphore(%arg14 : memref<!tpu.dma_semaphore, #tpu.memory_space<semaphore_mem>>)
    %scan3A = arith.constant 0 : i32
    %scan3A_29 = arith.constant 0 : i32
    %scan3A_30 = arith.constant 64 : i32
    %scan3A_31 = arith.addi %scan3A_29, %scan3A_30 : i32
    %scan3A_32 = arith.constant 1 : i32
    scf.for %scan3A_34 = %scan3A_29 to %scan3A_31 step %scan3A_32  : i32 {
      %rem3A = arith.constant 8 : i32
      %rem3A_35 = arith.remsi %scan3A_34, %rem3A : i32
      %mul3A_36 = arith.constant 4 : i32
      %mul3A_37 = arith.muli %mul3A_36, %scan3A_34 : i32
      %add3A_38 = arith.constant 0 : i32
      %add3A_39 = arith.addi %mul3A_37, %add3A_38 : i32
      %dma_wait3A = arith.constant 0 : i32
      %dma_wait3A_40 = arith.constant 0 : i32
      %dma_wait3A_41 = tpu.memref_slice %arg5[%dma_wait3A, %dma_wait3A_40] : memref<256x104xi32, #tpu.memory_space<vmem>> -> memref<1x104xi32, #tpu.memory_space<vmem>>
      %dma_wait3A_42 = tpu.memref_squeeze %dma_wait3A_41 : memref<1x104xi32, #tpu.memory_space<vmem>> -> memref<104xi32, #tpu.memory_space<vmem>>
      %dma_wait3A_43 = arith.constant 0 : i32
      %dma_wait3A_44 = arith.constant 0 : i32
      %dma_wait3A_45 = tpu.memref_slice %arg2[%dma_wait3A_43, %dma_wait3A_44] : memref<90240x128xi32, #tpu.memory_space<hbm>> -> memref<90240x128xi32, #tpu.memory_space<hbm>>
      tpu.wait_indirect_dma semaphore(%arg11 : memref<!tpu.dma_semaphore, #tpu.memory_space<semaphore_mem>>) src(%dma_wait3A_45 : memref<90240x128xi32, #tpu.memory_space<hbm>>) dst(%arg6 : memref<104x128xi32, #tpu.memory_space<vmem>>)
      %mul3A_46 = arith.constant 4 : i32
      %mul3A_47 = arith.muli %mul3A_46, %rem3A_35 : i32
      %add3A_48 = arith.constant 0 : i32
      %add3A_49 = arith.addi %mul3A_47, %add3A_48 : i32
      %mul3A_50 = arith.constant 2 : i32
      %mul3A_51 = arith.muli %mul3A_50, %add3A_49 : i32
      %broadcast_in_dim3A_52 = arith.constant 0.000000e+00 : f32
      %broadcast_in_dim3A_53 = vector.broadcast %broadcast_in_dim3A_52 : f32 to vector<16xf32>
      %broadcast_in_dim3A_54 = arith.constant 0.000000e+00 : f32
      %broadcast_in_dim3A_55 = vector.broadcast %broadcast_in_dim3A_54 : f32 to vector<16xf32>
      %broadcast_in_dim3A_56 = arith.constant 0.000000e+00 : f32
      %broadcast_in_dim3A_57 = vector.broadcast %broadcast_in_dim3A_56 : f32 to vector<16xf32>
      %broadcast_in_dim3A_58 = arith.constant 0.000000e+00 : f32
      %broadcast_in_dim3A_59 = vector.broadcast %broadcast_in_dim3A_58 : f32 to vector<16xf32>
      %broadcast_in_dim3A_60 = arith.constant 0.000000e+00 : f32
      %broadcast_in_dim3A_61 = vector.broadcast %broadcast_in_dim3A_60 : f32 to vector<16xf32>
      %broadcast_in_dim3A_62 = arith.constant 0.000000e+00 : f32
      %broadcast_in_dim3A_63 = vector.broadcast %broadcast_in_dim3A_62 : f32 to vector<16xf32>
      %broadcast_in_dim3A_64 = arith.constant 0.000000e+00 : f32
      %broadcast_in_dim3A_65 = vector.broadcast %broadcast_in_dim3A_64 : f32 to vector<16xf32>
      %broadcast_in_dim3A_66 = arith.constant 0.000000e+00 : f32
      %broadcast_in_dim3A_67 = vector.broadcast %broadcast_in_dim3A_66 : f32 to vector<16xf32>
      %broadcast_in_dim3A_68 = arith.constant 0.000000e+00 : f32
      %broadcast_in_dim3A_69 = vector.broadcast %broadcast_in_dim3A_68 : f32 to vector<16xf32>
      %broadcast_in_dim3A_70 = arith.constant 0.000000e+00 : f32
      %broadcast_in_dim3A_71 = vector.broadcast %broadcast_in_dim3A_70 : f32 to vector<16xf32>
      %broadcast_in_dim3A_72 = arith.constant 0.000000e+00 : f32
      %broadcast_in_dim3A_73 = vector.broadcast %broadcast_in_dim3A_72 : f32 to vector<16xf32>
      %broadcast_in_dim3A_74 = arith.constant 0.000000e+00 : f32
      %broadcast_in_dim3A_75 = vector.broadcast %broadcast_in_dim3A_74 : f32 to vector<16xf32>
      %broadcast_in_dim3A_76 = arith.constant 0.000000e+00 : f32
      %broadcast_in_dim3A_77 = vector.broadcast %broadcast_in_dim3A_76 : f32 to vector<16xf32>
      %broadcast_in_dim3A_78 = arith.constant 0.000000e+00 : f32
      %broadcast_in_dim3A_79 = vector.broadcast %broadcast_in_dim3A_78 : f32 to vector<16xf32>
      %broadcast_in_dim3A_80 = arith.constant 0.000000e+00 : f32
      %broadcast_in_dim3A_81 = vector.broadcast %broadcast_in_dim3A_80 : f32 to vector<16xf32>
      %broadcast_in_dim3A_82 = arith.constant 0.000000e+00 : f32
      %broadcast_in_dim3A_83 = vector.broadcast %broadcast_in_dim3A_82 : f32 to vector<16xf32>
      %scan3A_84 = arith.constant 0 : i32
      %scan3A_85 = arith.constant 50 : i32
      %scan3A_86 = arith.addi %scan3A_84, %scan3A_85 : i32
      %scan3A_87 = arith.constant 1 : i32
      %scan3A_88:16 = scf.for %scan3A_1075 = %scan3A_84 to %scan3A_86 step %scan3A_87 iter_args(%scan3A_1076 = %broadcast_in_dim3A_53, %scan3A_1077 = %broadcast_in_dim3A_55, %scan3A_1078 = %broadcast_in_dim3A_57, %scan3A_1079 = %broadcast_in_dim3A_59, %scan3A_1080 = %broadcast_in_dim3A_61, %scan3A_1081 = %broadcast_in_dim3A_63, %scan3A_1082 = %broadcast_in_dim3A_65, %scan3A_1083 = %broadcast_in_dim3A_67, %scan3A_1084 = %broadcast_in_dim3A_69, %scan3A_1085 = %broadcast_in_dim3A_71, %scan3A_1086 = %broadcast_in_dim3A_73, %scan3A_1087 = %broadcast_in_dim3A_75, %scan3A_1088 = %broadcast_in_dim3A_77, %scan3A_1089 = %broadcast_in_dim3A_79, %scan3A_1090 = %broadcast_in_dim3A_81, %scan3A_1091 = %broadcast_in_dim3A_83) -> (vector<16xf32>, vector<16xf32>, vector<16xf32>, vector<16xf32>, vector<16xf32>, vector<16xf32>, vector<16xf32>, vector<16xf32>, vector<16xf32>, vector<16xf32>, vector<16xf32>, vector<16xf32>, vector<16xf32>, vector<16xf32>, vector<16xf32>, vector<16xf32>)  : i32 {
        %add3A_1092 = arith.constant 0 : i32
        %add3A_1093 = arith.addi %add3A_1092, %scan3A_1075 : i32
        %get3A = arith.index_cast %add3A_1093 : i32 to index
        %get3A_1094 = arith.constant 0 : index
        %get3A_1095 = tpu.vector_load %arg6[%get3A, %get3A_1094] {strides = array<i32>} : memref<104x128xi32, #tpu.memory_space<vmem>>, vector<16xi32>,
        %shift_left3A = arith.constant 16 : i32
        %shift_left3A_1096 = vector.broadcast %shift_left3A : i32 to vector<16xi32>
        %shift_left3A_1097 = arith.shli %get3A_1095, %shift_left3A_1096 : vector<16xi32>
        %bitcast3A = vector.bitcast %shift_left3A_1097 : vector<16xi32> to vector<16xf32>
        %and3A = arith.andi %get3A_1095, %broadcast_in_dim3A_1 : vector<16xi32>
        %bitcast3A_1098 = vector.bitcast %and3A : vector<16xi32> to vector<16xf32>
        %add3A_1099 = arith.addf %scan3A_1076, %bitcast3A : vector<16xf32>
        %add3A_1100 = arith.addf %scan3A_1077, %bitcast3A_1098 : vector<16xf32>
        %add3A_1101 = arith.constant 0 : i32
        %add3A_1102 = arith.addi %add3A_1101, %scan3A_1075 : i32
        %get3A_1103 = arith.index_cast %add3A_1102 : i32 to index
        %get3A_1104 = arith.constant 16 : index
        %get3A_1105 = tpu.vector_load %arg6[%get3A_1103, %get3A_1104] {strides = array<i32>} : memref<104x128xi32, #tpu.memory_space<vmem>>, vector<16xi32>,
        %shift_left3A_1106 = arith.constant 16 : i32
        %shift_left3A_1107 = vector.broadcast %shift_left3A_1106 : i32 to vector<16xi32>
        %shift_left3A_1108 = arith.shli %get3A_1105, %shift_left3A_1107 : vector<16xi32>
        %bitcast3A_1109 = vector.bitcast %shift_left3A_1108 : vector<16xi32> to vector<16xf32>
        %and3A_1110 = arith.andi %get3A_1105, %broadcast_in_dim3A_1 : vector<16xi32>
        %bitcast3A_1111 = vector.bitcast %and3A_1110 : vector<16xi32> to vector<16xf32>
        %add3A_1112 = arith.addf %scan3A_1078, %bitcast3A_1109 : vector<16xf32>
        %add3A_1113 = arith.addf %scan3A_1079, %bitcast3A_1111 : vector<16xf32>
        %add3A_1114 = arith.constant 0 : i32
        %add3A_1115 = arith.addi %add3A_1114, %scan3A_1075 : i32
        %get3A_1116 = arith.index_cast %add3A_1115 : i32 to index
        %get3A_1117 = arith.constant 32 : index
        %get3A_1118 = tpu.vector_load %arg6[%get3A_1116, %get3A_1117] {strides = array<i32>} : memref<104x128xi32, #tpu.memory_space<vmem>>, vector<16xi32>,
        %shift_left3A_1119 = arith.constant 16 : i32
        %shift_left3A_1120 = vector.broadcast %shift_left3A_1119 : i32 to vector<16xi32>
        %shift_left3A_1121 = arith.shli %get3A_1118, %shift_left3A_1120 : vector<16xi32>
        %bitcast3A_1122 = vector.bitcast %shift_left3A_1121 : vector<16xi32> to vector<16xf32>
        %and3A_1123 = arith.andi %get3A_1118, %broadcast_in_dim3A_1 : vector<16xi32>
        %bitcast3A_1124 = vector.bitcast %and3A_1123 : vector<16xi32> to vector<16xf32>
        %add3A_1125 = arith.addf %scan3A_1080, %bitcast3A_1122 : vector<16xf32>
        %add3A_1126 = arith.addf %scan3A_1081, %bitcast3A_1124 : vector<16xf32>
        %add3A_1127 = arith.constant 0 : i32
        %add3A_1128 = arith.addi %add3A_1127, %scan3A_1075 : i32
        %get3A_1129 = arith.index_cast %add3A_1128 : i32 to index
        %get3A_1130 = arith.constant 48 : index
        %get3A_1131 = tpu.vector_load %arg6[%get3A_1129, %get3A_1130] {strides = array<i32>} : memref<104x128xi32, #tpu.memory_space<vmem>>, vector<16xi32>,
        %shift_left3A_1132 = arith.constant 16 : i32
        %shift_left3A_1133 = vector.broadcast %shift_left3A_1132 : i32 to vector<16xi32>
        %shift_left3A_1134 = arith.shli %get3A_1131, %shift_left3A_1133 : vector<16xi32>
        %bitcast3A_1135 = vector.bitcast %shift_left3A_1134 : vector<16xi32> to vector<16xf32>
        %and3A_1136 = arith.andi %get3A_1131, %broadcast_in_dim3A_1 : vector<16xi32>
        %bitcast3A_1137 = vector.bitcast %and3A_1136 : vector<16xi32> to vector<16xf32>
        %add3A_1138 = arith.addf %scan3A_1082, %bitcast3A_1135 : vector<16xf32>
        %add3A_1139 = arith.addf %scan3A_1083, %bitcast3A_1137 : vector<16xf32>
        %add3A_1140 = arith.constant 0 : i32
        %add3A_1141 = arith.addi %add3A_1140, %scan3A_1075 : i32
        %get3A_1142 = arith.index_cast %add3A_1141 : i32 to index
        %get3A_1143 = arith.constant 64 : index
        %get3A_1144 = tpu.vector_load %arg6[%get3A_1142, %get3A_1143] {strides = array<i32>} : memref<104x128xi32, #tpu.memory_space<vmem>>, vector<16xi32>,
        %shift_left3A_1145 = arith.constant 16 : i32
        %shift_left3A_1146 = vector.broadcast %shift_left3A_1145 : i32 to vector<16xi32>
        %shift_left3A_1147 = arith.shli %get3A_1144, %shift_left3A_1146 : vector<16xi32>
        %bitcast3A_1148 = vector.bitcast %shift_left3A_1147 : vector<16xi32> to vector<16xf32>
        %and3A_1149 = arith.andi %get3A_1144, %broadcast_in_dim3A_1 : vector<16xi32>
        %bitcast3A_1150 = vector.bitcast %and3A_1149 : vector<16xi32> to vector<16xf32>
        %add3A_1151 = arith.addf %scan3A_1084, %bitcast3A_1148 : vector<16xf32>
        %add3A_1152 = arith.addf %scan3A_1085, %bitcast3A_1150 : vector<16xf32>
        %add3A_1153 = arith.constant 0 : i32
        %add3A_1154 = arith.addi %add3A_1153, %scan3A_1075 : i32
        %get3A_1155 = arith.index_cast %add3A_1154 : i32 to index
        %get3A_1156 = arith.constant 80 : index
        %get3A_1157 = tpu.vector_load %arg6[%get3A_1155, %get3A_1156] {strides = array<i32>} : memref<104x128xi32, #tpu.memory_space<vmem>>, vector<16xi32>,
        %shift_left3A_1158 = arith.constant 16 : i32
        %shift_left3A_1159 = vector.broadcast %shift_left3A_1158 : i32 to vector<16xi32>
        %shift_left3A_1160 = arith.shli %get3A_1157, %shift_left3A_1159 : vector<16xi32>
        %bitcast3A_1161 = vector.bitcast %shift_left3A_1160 : vector<16xi32> to vector<16xf32>
        %and3A_1162 = arith.andi %get3A_1157, %broadcast_in_dim3A_1 : vector<16xi32>
        %bitcast3A_1163 = vector.bitcast %and3A_1162 : vector<16xi32> to vector<16xf32>
        %add3A_1164 = arith.addf %scan3A_1086, %bitcast3A_1161 : vector<16xf32>
        %add3A_1165 = arith.addf %scan3A_1087, %bitcast3A_1163 : vector<16xf32>
        %add3A_1166 = arith.constant 0 : i32
        %add3A_1167 = arith.addi %add3A_1166, %scan3A_1075 : i32
        %get3A_1168 = arith.index_cast %add3A_1167 : i32 to index
        %get3A_1169 = arith.constant 96 : index
        %get3A_1170 = tpu.vector_load %arg6[%get3A_1168, %get3A_1169] {strides = array<i32>} : memref<104x128xi32, #tpu.memory_space<vmem>>, vector<16xi32>,
        %shift_left3A_1171 = arith.constant 16 : i32
        %shift_left3A_1172 = vector.broadcast %shift_left3A_1171 : i32 to vector<16xi32>
        %shift_left3A_1173 = arith.shli %get3A_1170, %shift_left3A_1172 : vector<16xi32>
        %bitcast3A_1174 = vector.bitcast %shift_left3A_1173 : vector<16xi32> to vector<16xf32>
        %and3A_1175 = arith.andi %get3A_1170, %broadcast_in_dim3A_1 : vector<16xi32>
        %bitcast3A_1176 = vector.bitcast %and3A_1175 : vector<16xi32> to vector<16xf32>
        %add3A_1177 = arith.addf %scan3A_1088, %bitcast3A_1174 : vector<16xf32>
        %add3A_1178 = arith.addf %scan3A_1089, %bitcast3A_1176 : vector<16xf32>
        %add3A_1179 = arith.constant 0 : i32
        %add3A_1180 = arith.addi %add3A_1179, %scan3A_1075 : i32
        %get3A_1181 = arith.index_cast %add3A_1180 : i32 to index
        %get3A_1182 = arith.constant 112 : index
        %get3A_1183 = tpu.vector_load %arg6[%get3A_1181, %get3A_1182] {strides = array<i32>} : memref<104x128xi32, #tpu.memory_space<vmem>>, vector<16xi32>,
        %shift_left3A_1184 = arith.constant 16 : i32
        %shift_left3A_1185 = vector.broadcast %shift_left3A_1184 : i32 to vector<16xi32>
        %shift_left3A_1186 = arith.shli %get3A_1183, %shift_left3A_1185 : vector<16xi32>
        %bitcast3A_1187 = vector.bitcast %shift_left3A_1186 : vector<16xi32> to vector<16xf32>
        %and3A_1188 = arith.andi %get3A_1183, %broadcast_in_dim3A_1 : vector<16xi32>
        %bitcast3A_1189 = vector.bitcast %and3A_1188 : vector<16xi32> to vector<16xf32>
        %add3A_1190 = arith.addf %scan3A_1090, %bitcast3A_1187 : vector<16xf32>
        %add3A_1191 = arith.addf %scan3A_1091, %bitcast3A_1189 : vector<16xf32>
        scf.yield %add3A_1099, %add3A_1100, %add3A_1112, %add3A_1113, %add3A_1125, %add3A_1126, %add3A_1138, %add3A_1139, %add3A_1151, %add3A_1152, %add3A_1164, %add3A_1165, %add3A_1177, %add3A_1178, %add3A_1190, %add3A_1191 : vector<16xf32>, vector<16xf32>, vector<16xf32>, vector<16xf32>, vector<16xf32>, vector<16xf32>, vector<16xf32>, vector<16xf32>, vector<16xf32>, vector<16xf32>, vector<16xf32>, vector<16xf32>, vector<16xf32>, vector<16xf32>, vector<16xf32>, vector<16xf32>
      }
      %scan3A_89 = arith.constant 50 : i32
      %add3A_90 = arith.constant 0 : i32
      %add3A_91 = arith.addi %mul3A_51, %add3A_90 : i32
      %swap3A = arith.index_cast %add3A_91 : i32 to index
      %swap3A_92 = arith.constant 0 : index
      %swap3A_93 = tpu.vector_load %arg10[%swap3A, %swap3A_92] {strides = array<i32>} : memref<64x256xf32, #tpu.memory_space<vmem>>, vector<16xf32>,
      tpu.vector_store %arg10[%swap3A, %swap3A_92], %scan3A_88#0 {strides = array<i32>} : memref<64x256xf32, #tpu.memory_space<vmem>>, vector<16xf32>,
      %add3A_94 = arith.constant 0 : i32
      %add3A_95 = arith.addi %mul3A_51, %add3A_94 : i32
      %swap3A_96 = arith.index_cast %add3A_95 : i32 to index
      %swap3A_97 = arith.constant 16 : index
      %swap3A_98 = tpu.vector_load %arg10[%swap3A_96, %swap3A_97] {strides = array<i32>} : memref<64x256xf32, #tpu.memory_space<vmem>>, vector<16xf32>,
      tpu.vector_store %arg10[%swap3A_96, %swap3A_97], %scan3A_88#1 {strides = array<i32>} : memref<64x256xf32, #tpu.memory_space<vmem>>, vector<16xf32>,
      %add3A_99 = arith.constant 0 : i32
      %add3A_100 = arith.addi %mul3A_51, %add3A_99 : i32
      %swap3A_101 = arith.index_cast %add3A_100 : i32 to index
      %swap3A_102 = arith.constant 32 : index
      %swap3A_103 = tpu.vector_load %arg10[%swap3A_101, %swap3A_102] {strides = array<i32>} : memref<64x256xf32, #tpu.memory_space<vmem>>, vector<16xf32>,
      tpu.vector_store %arg10[%swap3A_101, %swap3A_102], %scan3A_88#2 {strides = array<i32>} : memref<64x256xf32, #tpu.memory_space<vmem>>, vector<16xf32>,
      %add3A_104 = arith.constant 0 : i32
      %add3A_105 = arith.addi %mul3A_51, %add3A_104 : i32
      %swap3A_106 = arith.index_cast %add3A_105 : i32 to index
      %swap3A_107 = arith.constant 48 : index
      %swap3A_108 = tpu.vector_load %arg10[%swap3A_106, %swap3A_107] {strides = array<i32>} : memref<64x256xf32, #tpu.memory_space<vmem>>, vector<16xf32>,
      tpu.vector_store %arg10[%swap3A_106, %swap3A_107], %scan3A_88#3 {strides = array<i32>} : memref<64x256xf32, #tpu.memory_space<vmem>>, vector<16xf32>,
      %add3A_109 = arith.constant 0 : i32
      %add3A_110 = arith.addi %mul3A_51, %add3A_109 : i32
      %swap3A_111 = arith.index_cast %add3A_110 : i32 to index
      %swap3A_112 = arith.constant 64 : index
      %swap3A_113 = tpu.vector_load %arg10[%swap3A_111, %swap3A_112] {strides = array<i32>} : memref<64x256xf32, #tpu.memory_space<vmem>>, vector<16xf32>,
      tpu.vector_store %arg10[%swap3A_111, %swap3A_112], %scan3A_88#4 {strides = array<i32>} : memref<64x256xf32, #tpu.memory_space<vmem>>, vector<16xf32>,
      %add3A_114 = arith.constant 0 : i32
      %add3A_115 = arith.addi %mul3A_51, %add3A_114 : i32
      %swap3A_116 = arith.index_cast %add3A_115 : i32 to index
      %swap3A_117 = arith.constant 80 : index
      %swap3A_118 = tpu.vector_load %arg10[%swap3A_116, %swap3A_117] {strides = array<i32>} : memref<64x256xf32, #tpu.memory_space<vmem>>, vector<16xf32>,
      tpu.vector_store %arg10[%swap3A_116, %swap3A_117], %scan3A_88#5 {strides = array<i32>} : memref<64x256xf32, #tpu.memory_space<vmem>>, vector<16xf32>,
      %add3A_119 = arith.constant 0 : i32
      %add3A_120 = arith.addi %mul3A_51, %add3A_119 : i32
      %swap3A_121 = arith.index_cast %add3A_120 : i32 to index
      %swap3A_122 = arith.constant 96 : index
      %swap3A_123 = tpu.vector_load %arg10[%swap3A_121, %swap3A_122] {strides = array<i32>} : memref<64x256xf32, #tpu.memory_space<vmem>>, vector<16xf32>,
      tpu.vector_store %arg10[%swap3A_121, %swap3A_122], %scan3A_88#6 {strides = array<i32>} : memref<64x256xf32, #tpu.memory_space<vmem>>, vector<16xf32>,
      %add3A_124 = arith.constant 0 : i32
      %add3A_125 = arith.addi %mul3A_51, %add3A_124 : i32
      %swap3A_126 = arith.index_cast %add3A_125 : i32 to index
      %swap3A_127 = arith.constant 112 : index
      %swap3A_128 = tpu.vector_load %arg10[%swap3A_126, %swap3A_127] {strides = array<i32>} : memref<64x256xf32, #tpu.memory_space<vmem>>, vector<16xf32>,
      tpu.vector_store %arg10[%swap3A_126, %swap3A_127], %scan3A_88#7 {strides = array<i32>} : memref<64x256xf32, #tpu.memory_space<vmem>>, vector<16xf32>,
      %add3A_129 = arith.constant 0 : i32
      %add3A_130 = arith.addi %mul3A_51, %add3A_129 : i32
      %swap3A_131 = arith.index_cast %add3A_130 : i32 to index
      %swap3A_132 = arith.constant 128 : index
      %swap3A_133 = tpu.vector_load %arg10[%swap3A_131, %swap3A_132] {strides = array<i32>} : memref<64x256xf32, #tpu.memory_space<vmem>>, vector<16xf32>,
      tpu.vector_store %arg10[%swap3A_131, %swap3A_132], %scan3A_88#8 {strides = array<i32>} : memref<64x256xf32, #tpu.memory_space<vmem>>, vector<16xf32>,
      %add3A_134 = arith.constant 0 : i32
      %add3A_135 = arith.addi %mul3A_51, %add3A_134 : i32
      %swap3A_136 = arith.index_cast %add3A_135 : i32 to index
      %swap3A_137 = arith.constant 144 : index
      %swap3A_138 = tpu.vector_load %arg10[%swap3A_136, %swap3A_137] {strides = array<i32>} : memref<64x256xf32, #tpu.memory_space<vmem>>, vector<16xf32>,
      tpu.vector_store %arg10[%swap3A_136, %swap3A_137], %scan3A_88#9 {strides = array<i32>} : memref<64x256xf32, #tpu.memory_space<vmem>>, vector<16xf32>,
      %add3A_139 = arith.constant 0 : i32
      %add3A_140 = arith.addi %mul3A_51, %add3A_139 : i32
      %swap3A_141 = arith.index_cast %add3A_140 : i32 to index
      %swap3A_142 = arith.constant 160 : index
      %swap3A_143 = tpu.vector_load %arg10[%swap3A_141, %swap3A_142] {strides = array<i32>} : memref<64x256xf32, #tpu.memory_space<vmem>>, vector<16xf32>,
      tpu.vector_store %arg10[%swap3A_141, %swap3A_142], %scan3A_88#10 {strides = array<i32>} : memref<64x256xf32, #tpu.memory_space<vmem>>, vector<16xf32>,
      %add3A_144 = arith.constant 0 : i32
      %add3A_145 = arith.addi %mul3A_51, %add3A_144 : i32
      %swap3A_146 = arith.index_cast %add3A_145 : i32 to index
      %swap3A_147 = arith.constant 176 : index
      %swap3A_148 = tpu.vector_load %arg10[%swap3A_146, %swap3A_147] {strides = array<i32>} : memref<64x256xf32, #tpu.memory_space<vmem>>, vector<16xf32>,
      tpu.vector_store %arg10[%swap3A_146, %swap3A_147], %scan3A_88#11 {strides = array<i32>} : memref<64x256xf32, #tpu.memory_space<vmem>>, vector<16xf32>,
      %add3A_149 = arith.constant 0 : i32
      %add3A_150 = arith.addi %mul3A_51, %add3A_149 : i32
      %swap3A_151 = arith.index_cast %add3A_150 : i32 to index
      %swap3A_152 = arith.constant 192 : index
      %swap3A_153 = tpu.vector_load %arg10[%swap3A_151, %swap3A_152] {strides = array<i32>} : memref<64x256xf32, #tpu.memory_space<vmem>>, vector<16xf32>,
      tpu.vector_store %arg10[%swap3A_151, %swap3A_152], %scan3A_88#12 {strides = array<i32>} : memref<64x256xf32, #tpu.memory_space<vmem>>, vector<16xf32>,
      %add3A_154 = arith.constant 0 : i32
      %add3A_155 = arith.addi %mul3A_51, %add3A_154 : i32
      %swap3A_156 = arith.index_cast %add3A_155 : i32 to index
      %swap3A_157 = arith.constant 208 : index
      %swap3A_158 = tpu.vector_load %arg10[%swap3A_156, %swap3A_157] {strides = array<i32>} : memref<64x256xf32, #tpu.memory_space<vmem>>, vector<16xf32>,
      tpu.vector_store %arg10[%swap3A_156, %swap3A_157], %scan3A_88#13 {strides = array<i32>} : memref<64x256xf32, #tpu.memory_space<vmem>>, vector<16xf32>,
      %add3A_159 = arith.constant 0 : i32
      %add3A_160 = arith.addi %mul3A_51, %add3A_159 : i32
      %swap3A_161 = arith.index_cast %add3A_160 : i32 to index
      %swap3A_162 = arith.constant 224 : index
      %swap3A_163 = tpu.vector_load %arg10[%swap3A_161, %swap3A_162] {strides = array<i32>} : memref<64x256xf32, #tpu.memory_space<vmem>>, vector<16xf32>,
      tpu.vector_store %arg10[%swap3A_161, %swap3A_162], %scan3A_88#14 {strides = array<i32>} : memref<64x256xf32, #tpu.memory_space<vmem>>, vector<16xf32>,
      %add3A_164 = arith.constant 0 : i32
      %add3A_165 = arith.addi %mul3A_51, %add3A_164 : i32
      %swap3A_166 = arith.index_cast %add3A_165 : i32 to index
      %swap3A_167 = arith.constant 240 : index
      %swap3A_168 = tpu.vector_load %arg10[%swap3A_166, %swap3A_167] {strides = array<i32>} : memref<64x256xf32, #tpu.memory_space<vmem>>, vector<16xf32>,
      tpu.vector_store %arg10[%swap3A_166, %swap3A_167], %scan3A_88#15 {strides = array<i32>} : memref<64x256xf32, #tpu.memory_space<vmem>>, vector<16xf32>,
      %broadcast_in_dim3A_169 = arith.constant 0.000000e+00 : f32
      %broadcast_in_dim3A_170 = vector.broadcast %broadcast_in_dim3A_169 : f32 to vector<16xf32>
      %broadcast_in_dim3A_171 = arith.constant 0.000000e+00 : f32
      %broadcast_in_dim3A_172 = vector.broadcast %broadcast_in_dim3A_171 : f32 to vector<16xf32>
      %broadcast_in_dim3A_173 = arith.constant 0.000000e+00 : f32
      %broadcast_in_dim3A_174 = vector.broadcast %broadcast_in_dim3A_173 : f32 to vector<16xf32>
      %broadcast_in_dim3A_175 = arith.constant 0.000000e+00 : f32
      %broadcast_in_dim3A_176 = vector.broadcast %broadcast_in_dim3A_175 : f32 to vector<16xf32>
      %broadcast_in_dim3A_177 = arith.constant 0.000000e+00 : f32
      %broadcast_in_dim3A_178 = vector.broadcast %broadcast_in_dim3A_177 : f32 to vector<16xf32>
      %broadcast_in_dim3A_179 = arith.constant 0.000000e+00 : f32
      %broadcast_in_dim3A_180 = vector.broadcast %broadcast_in_dim3A_179 : f32 to vector<16xf32>
      %broadcast_in_dim3A_181 = arith.constant 0.000000e+00 : f32
      %broadcast_in_dim3A_182 = vector.broadcast %broadcast_in_dim3A_181 : f32 to vector<16xf32>
      %broadcast_in_dim3A_183 = arith.constant 0.000000e+00 : f32
      %broadcast_in_dim3A_184 = vector.broadcast %broadcast_in_dim3A_183 : f32 to vector<16xf32>
      %broadcast_in_dim3A_185 = arith.constant 0.000000e+00 : f32
      %broadcast_in_dim3A_186 = vector.broadcast %broadcast_in_dim3A_185 : f32 to vector<16xf32>
      %broadcast_in_dim3A_187 = arith.constant 0.000000e+00 : f32
      %broadcast_in_dim3A_188 = vector.broadcast %broadcast_in_dim3A_187 : f32 to vector<16xf32>
      %broadcast_in_dim3A_189 = arith.constant 0.000000e+00 : f32
      %broadcast_in_dim3A_190 = vector.broadcast %broadcast_in_dim3A_189 : f32 to vector<16xf32>
      %broadcast_in_dim3A_191 = arith.constant 0.000000e+00 : f32
      %broadcast_in_dim3A_192 = vector.broadcast %broadcast_in_dim3A_191 : f32 to vector<16xf32>
      %broadcast_in_dim3A_193 = arith.constant 0.000000e+00 : f32
      %broadcast_in_dim3A_194 = vector.broadcast %broadcast_in_dim3A_193 : f32 to vector<16xf32>
      %broadcast_in_dim3A_195 = arith.constant 0.000000e+00 : f32
      %broadcast_in_dim3A_196 = vector.broadcast %broadcast_in_dim3A_195 : f32 to vector<16xf32>
      %broadcast_in_dim3A_197 = arith.constant 0.000000e+00 : f32
      %broadcast_in_dim3A_198 = vector.broadcast %broadcast_in_dim3A_197 : f32 to vector<16xf32>
      %broadcast_in_dim3A_199 = arith.constant 0.000000e+00 : f32
      %broadcast_in_dim3A_200 = vector.broadcast %broadcast_in_dim3A_199 : f32 to vector<16xf32>
      %scan3A_201 = arith.constant 0 : i32
      %scan3A_202 = arith.constant 50 : i32
      %scan3A_203 = arith.addi %scan3A_201, %scan3A_202 : i32
      %scan3A_204 = arith.constant 1 : i32
      %scan3A_205:16 = scf.for %scan3A_1075 = %scan3A_201 to %scan3A_203 step %scan3A_204 iter_args(%scan3A_1076 = %broadcast_in_dim3A_170, %scan3A_1077 = %broadcast_in_dim3A_172, %scan3A_1078 = %broadcast_in_dim3A_174, %scan3A_1079 = %broadcast_in_dim3A_176, %scan3A_1080 = %broadcast_in_dim3A_178, %scan3A_1081 = %broadcast_in_dim3A_180, %scan3A_1082 = %broadcast_in_dim3A_182, %scan3A_1083 = %broadcast_in_dim3A_184, %scan3A_1084 = %broadcast_in_dim3A_186, %scan3A_1085 = %broadcast_in_dim3A_188, %scan3A_1086 = %broadcast_in_dim3A_190, %scan3A_1087 = %broadcast_in_dim3A_192, %scan3A_1088 = %broadcast_in_dim3A_194, %scan3A_1089 = %broadcast_in_dim3A_196, %scan3A_1090 = %broadcast_in_dim3A_198, %scan3A_1091 = %broadcast_in_dim3A_200) -> (vector<16xf32>, vector<16xf32>, vector<16xf32>, vector<16xf32>, vector<16xf32>, vector<16xf32>, vector<16xf32>, vector<16xf32>, vector<16xf32>, vector<16xf32>, vector<16xf32>, vector<16xf32>, vector<16xf32>, vector<16xf32>, vector<16xf32>, vector<16xf32>)  : i32 {
        %add3A_1092 = arith.constant 50 : i32
        %add3A_1093 = arith.addi %add3A_1092, %scan3A_1075 : i32
        %get3A = arith.index_cast %add3A_1093 : i32 to index
        %get3A_1094 = arith.constant 0 : index
        %get3A_1095 = tpu.vector_load %arg6[%get3A, %get3A_1094] {strides = array<i32>} : memref<104x128xi32, #tpu.memory_space<vmem>>, vector<16xi32>,
        %shift_left3A = arith.constant 16 : i32
        %shift_left3A_1096 = vector.broadcast %shift_left3A : i32 to vector<16xi32>
        %shift_left3A_1097 = arith.shli %get3A_1095, %shift_left3A_1096 : vector<16xi32>
        %bitcast3A = vector.bitcast %shift_left3A_1097 : vector<16xi32> to vector<16xf32>
        %and3A = arith.andi %get3A_1095, %broadcast_in_dim3A_1 : vector<16xi32>
        %bitcast3A_1098 = vector.bitcast %and3A : vector<16xi32> to vector<16xf32>
        %add3A_1099 = arith.addf %scan3A_1076, %bitcast3A : vector<16xf32>
        %add3A_1100 = arith.addf %scan3A_1077, %bitcast3A_1098 : vector<16xf32>
        %add3A_1101 = arith.constant 50 : i32
        %add3A_1102 = arith.addi %add3A_1101, %scan3A_1075 : i32
        %get3A_1103 = arith.index_cast %add3A_1102 : i32 to index
        %get3A_1104 = arith.constant 16 : index
        %get3A_1105 = tpu.vector_load %arg6[%get3A_1103, %get3A_1104] {strides = array<i32>} : memref<104x128xi32, #tpu.memory_space<vmem>>, vector<16xi32>,
        %shift_left3A_1106 = arith.constant 16 : i32
        %shift_left3A_1107 = vector.broadcast %shift_left3A_1106 : i32 to vector<16xi32>
        %shift_left3A_1108 = arith.shli %get3A_1105, %shift_left3A_1107 : vector<16xi32>
        %bitcast3A_1109 = vector.bitcast %shift_left3A_1108 : vector<16xi32> to vector<16xf32>
        %and3A_1110 = arith.andi %get3A_1105, %broadcast_in_dim3A_1 : vector<16xi32>
        %bitcast3A_1111 = vector.bitcast %and3A_1110 : vector<16xi32> to vector<16xf32>
        %add3A_1112 = arith.addf %scan3A_1078, %bitcast3A_1109 : vector<16xf32>
        %add3A_1113 = arith.addf %scan3A_1079, %bitcast3A_1111 : vector<16xf32>
        %add3A_1114 = arith.constant 50 : i32
        %add3A_1115 = arith.addi %add3A_1114, %scan3A_1075 : i32
        %get3A_1116 = arith.index_cast %add3A_1115 : i32 to index
        %get3A_1117 = arith.constant 32 : index
        %get3A_1118 = tpu.vector_load %arg6[%get3A_1116, %get3A_1117] {strides = array<i32>} : memref<104x128xi32, #tpu.memory_space<vmem>>, vector<16xi32>,
        %shift_left3A_1119 = arith.constant 16 : i32
        %shift_left3A_1120 = vector.broadcast %shift_left3A_1119 : i32 to vector<16xi32>
        %shift_left3A_1121 = arith.shli %get3A_1118, %shift_left3A_1120 : vector<16xi32>
        %bitcast3A_1122 = vector.bitcast %shift_left3A_1121 : vector<16xi32> to vector<16xf32>
        %and3A_1123 = arith.andi %get3A_1118, %broadcast_in_dim3A_1 : vector<16xi32>
        %bitcast3A_1124 = vector.bitcast %and3A_1123 : vector<16xi32> to vector<16xf32>
        %add3A_1125 = arith.addf %scan3A_1080, %bitcast3A_1122 : vector<16xf32>
        %add3A_1126 = arith.addf %scan3A_1081, %bitcast3A_1124 : vector<16xf32>
        %add3A_1127 = arith.constant 50 : i32
        %add3A_1128 = arith.addi %add3A_1127, %scan3A_1075 : i32
        %get3A_1129 = arith.index_cast %add3A_1128 : i32 to index
        %get3A_1130 = arith.constant 48 : index
        %get3A_1131 = tpu.vector_load %arg6[%get3A_1129, %get3A_1130] {strides = array<i32>} : memref<104x128xi32, #tpu.memory_space<vmem>>, vector<16xi32>,
        %shift_left3A_1132 = arith.constant 16 : i32
        %shift_left3A_1133 = vector.broadcast %shift_left3A_1132 : i32 to vector<16xi32>
        %shift_left3A_1134 = arith.shli %get3A_1131, %shift_left3A_1133 : vector<16xi32>
        %bitcast3A_1135 = vector.bitcast %shift_left3A_1134 : vector<16xi32> to vector<16xf32>
        %and3A_1136 = arith.andi %get3A_1131, %broadcast_in_dim3A_1 : vector<16xi32>
        %bitcast3A_1137 = vector.bitcast %and3A_1136 : vector<16xi32> to vector<16xf32>
        %add3A_1138 = arith.addf %scan3A_1082, %bitcast3A_1135 : vector<16xf32>
        %add3A_1139 = arith.addf %scan3A_1083, %bitcast3A_1137 : vector<16xf32>
        %add3A_1140 = arith.constant 50 : i32
        %add3A_1141 = arith.addi %add3A_1140, %scan3A_1075 : i32
        %get3A_1142 = arith.index_cast %add3A_1141 : i32 to index
        %get3A_1143 = arith.constant 64 : index
        %get3A_1144 = tpu.vector_load %arg6[%get3A_1142, %get3A_1143] {strides = array<i32>} : memref<104x128xi32, #tpu.memory_space<vmem>>, vector<16xi32>,
        %shift_left3A_1145 = arith.constant 16 : i32
        %shift_left3A_1146 = vector.broadcast %shift_left3A_1145 : i32 to vector<16xi32>
        %shift_left3A_1147 = arith.shli %get3A_1144, %shift_left3A_1146 : vector<16xi32>
        %bitcast3A_1148 = vector.bitcast %shift_left3A_1147 : vector<16xi32> to vector<16xf32>
        %and3A_1149 = arith.andi %get3A_1144, %broadcast_in_dim3A_1 : vector<16xi32>
        %bitcast3A_1150 = vector.bitcast %and3A_1149 : vector<16xi32> to vector<16xf32>
        %add3A_1151 = arith.addf %scan3A_1084, %bitcast3A_1148 : vector<16xf32>
        %add3A_1152 = arith.addf %scan3A_1085, %bitcast3A_1150 : vector<16xf32>
        %add3A_1153 = arith.constant 50 : i32
        %add3A_1154 = arith.addi %add3A_1153, %scan3A_1075 : i32
        %get3A_1155 = arith.index_cast %add3A_1154 : i32 to index
        %get3A_1156 = arith.constant 80 : index
        %get3A_1157 = tpu.vector_load %arg6[%get3A_1155, %get3A_1156] {strides = array<i32>} : memref<104x128xi32, #tpu.memory_space<vmem>>, vector<16xi32>,
        %shift_left3A_1158 = arith.constant 16 : i32
        %shift_left3A_1159 = vector.broadcast %shift_left3A_1158 : i32 to vector<16xi32>
        %shift_left3A_1160 = arith.shli %get3A_1157, %shift_left3A_1159 : vector<16xi32>
        %bitcast3A_1161 = vector.bitcast %shift_left3A_1160 : vector<16xi32> to vector<16xf32>
        %and3A_1162 = arith.andi %get3A_1157, %broadcast_in_dim3A_1 : vector<16xi32>
        %bitcast3A_1163 = vector.bitcast %and3A_1162 : vector<16xi32> to vector<16xf32>
        %add3A_1164 = arith.addf %scan3A_1086, %bitcast3A_1161 : vector<16xf32>
        %add3A_1165 = arith.addf %scan3A_1087, %bitcast3A_1163 : vector<16xf32>
        %add3A_1166 = arith.constant 50 : i32
        %add3A_1167 = arith.addi %add3A_1166, %scan3A_1075 : i32
        %get3A_1168 = arith.index_cast %add3A_1167 : i32 to index
        %get3A_1169 = arith.constant 96 : index
        %get3A_1170 = tpu.vector_load %arg6[%get3A_1168, %get3A_1169] {strides = array<i32>} : memref<104x128xi32, #tpu.memory_space<vmem>>, vector<16xi32>,
        %shift_left3A_1171 = arith.constant 16 : i32
        %shift_left3A_1172 = vector.broadcast %shift_left3A_1171 : i32 to vector<16xi32>
        %shift_left3A_1173 = arith.shli %get3A_1170, %shift_left3A_1172 : vector<16xi32>
        %bitcast3A_1174 = vector.bitcast %shift_left3A_1173 : vector<16xi32> to vector<16xf32>
        %and3A_1175 = arith.andi %get3A_1170, %broadcast_in_dim3A_1 : vector<16xi32>
        %bitcast3A_1176 = vector.bitcast %and3A_1175 : vector<16xi32> to vector<16xf32>
        %add3A_1177 = arith.addf %scan3A_1088, %bitcast3A_1174 : vector<16xf32>
        %add3A_1178 = arith.addf %scan3A_1089, %bitcast3A_1176 : vector<16xf32>
        %add3A_1179 = arith.constant 50 : i32
        %add3A_1180 = arith.addi %add3A_1179, %scan3A_1075 : i32
        %get3A_1181 = arith.index_cast %add3A_1180 : i32 to index
        %get3A_1182 = arith.constant 112 : index
        %get3A_1183 = tpu.vector_load %arg6[%get3A_1181, %get3A_1182] {strides = array<i32>} : memref<104x128xi32, #tpu.memory_space<vmem>>, vector<16xi32>,
        %shift_left3A_1184 = arith.constant 16 : i32
        %shift_left3A_1185 = vector.broadcast %shift_left3A_1184 : i32 to vector<16xi32>
        %shift_left3A_1186 = arith.shli %get3A_1183, %shift_left3A_1185 : vector<16xi32>
        %bitcast3A_1187 = vector.bitcast %shift_left3A_1186 : vector<16xi32> to vector<16xf32>
        %and3A_1188 = arith.andi %get3A_1183, %broadcast_in_dim3A_1 : vector<16xi32>
        %bitcast3A_1189 = vector.bitcast %and3A_1188 : vector<16xi32> to vector<16xf32>
        %add3A_1190 = arith.addf %scan3A_1090, %bitcast3A_1187 : vector<16xf32>
        %add3A_1191 = arith.addf %scan3A_1091, %bitcast3A_1189 : vector<16xf32>
        scf.yield %add3A_1099, %add3A_1100, %add3A_1112, %add3A_1113, %add3A_1125, %add3A_1126, %add3A_1138, %add3A_1139, %add3A_1151, %add3A_1152, %add3A_1164, %add3A_1165, %add3A_1177, %add3A_1178, %add3A_1190, %add3A_1191 : vector<16xf32>, vector<16xf32>, vector<16xf32>, vector<16xf32>, vector<16xf32>, vector<16xf32>, vector<16xf32>, vector<16xf32>, vector<16xf32>, vector<16xf32>, vector<16xf32>, vector<16xf32>, vector<16xf32>, vector<16xf32>, vector<16xf32>, vector<16xf32>
      }
      %scan3A_206 = arith.constant 50 : i32
      %add3A_207 = arith.constant 1 : i32
      %add3A_208 = arith.addi %mul3A_51, %add3A_207 : i32
      %swap3A_209 = arith.index_cast %add3A_208 : i32 to index
      %swap3A_210 = arith.constant 0 : index
      %swap3A_211 = tpu.vector_load %arg10[%swap3A_209, %swap3A_210] {strides = array<i32>} : memref<64x256xf32, #tpu.memory_space<vmem>>, vector<16xf32>,
      tpu.vector_store %arg10[%swap3A_209, %swap3A_210], %scan3A_205#0 {strides = array<i32>} : memref<64x256xf32, #tpu.memory_space<vmem>>, vector<16xf32>,
      %add3A_212 = arith.constant 1 : i32
      %add3A_213 = arith.addi %mul3A_51, %add3A_212 : i32
      %swap3A_214 = arith.index_cast %add3A_213 : i32 to index
      %swap3A_215 = arith.constant 16 : index
      %swap3A_216 = tpu.vector_load %arg10[%swap3A_214, %swap3A_215] {strides = array<i32>} : memref<64x256xf32, #tpu.memory_space<vmem>>, vector<16xf32>,
      tpu.vector_store %arg10[%swap3A_214, %swap3A_215], %scan3A_205#1 {strides = array<i32>} : memref<64x256xf32, #tpu.memory_space<vmem>>, vector<16xf32>,
      %add3A_217 = arith.constant 1 : i32
      %add3A_218 = arith.addi %mul3A_51, %add3A_217 : i32
      %swap3A_219 = arith.index_cast %add3A_218 : i32 to index
      %swap3A_220 = arith.constant 32 : index
      %swap3A_221 = tpu.vector_load %arg10[%swap3A_219, %swap3A_220] {strides = array<i32>} : memref<64x256xf32, #tpu.memory_space<vmem>>, vector<16xf32>,
      tpu.vector_store %arg10[%swap3A_219, %swap3A_220], %scan3A_205#2 {strides = array<i32>} : memref<64x256xf32, #tpu.memory_space<vmem>>, vector<16xf32>,
      %add3A_222 = arith.constant 1 : i32
      %add3A_223 = arith.addi %mul3A_51, %add3A_222 : i32
      %swap3A_224 = arith.index_cast %add3A_223 : i32 to index
      %swap3A_225 = arith.constant 48 : index
      %swap3A_226 = tpu.vector_load %arg10[%swap3A_224, %swap3A_225] {strides = array<i32>} : memref<64x256xf32, #tpu.memory_space<vmem>>, vector<16xf32>,
      tpu.vector_store %arg10[%swap3A_224, %swap3A_225], %scan3A_205#3 {strides = array<i32>} : memref<64x256xf32, #tpu.memory_space<vmem>>, vector<16xf32>,
      %add3A_227 = arith.constant 1 : i32
      %add3A_228 = arith.addi %mul3A_51, %add3A_227 : i32
      %swap3A_229 = arith.index_cast %add3A_228 : i32 to index
      %swap3A_230 = arith.constant 64 : index
      %swap3A_231 = tpu.vector_load %arg10[%swap3A_229, %swap3A_230] {strides = array<i32>} : memref<64x256xf32, #tpu.memory_space<vmem>>, vector<16xf32>,
      tpu.vector_store %arg10[%swap3A_229, %swap3A_230], %scan3A_205#4 {strides = array<i32>} : memref<64x256xf32, #tpu.memory_space<vmem>>, vector<16xf32>,
      %add3A_232 = arith.constant 1 : i32
      %add3A_233 = arith.addi %mul3A_51, %add3A_232 : i32
      %swap3A_234 = arith.index_cast %add3A_233 : i32 to index
      %swap3A_235 = arith.constant 80 : index
      %swap3A_236 = tpu.vector_load %arg10[%swap3A_234, %swap3A_235] {strides = array<i32>} : memref<64x256xf32, #tpu.memory_space<vmem>>, vector<16xf32>,
      tpu.vector_store %arg10[%swap3A_234, %swap3A_235], %scan3A_205#5 {strides = array<i32>} : memref<64x256xf32, #tpu.memory_space<vmem>>, vector<16xf32>,
      %add3A_237 = arith.constant 1 : i32
      %add3A_238 = arith.addi %mul3A_51, %add3A_237 : i32
      %swap3A_239 = arith.index_cast %add3A_238 : i32 to index
      %swap3A_240 = arith.constant 96 : index
      %swap3A_241 = tpu.vector_load %arg10[%swap3A_239, %swap3A_240] {strides = array<i32>} : memref<64x256xf32, #tpu.memory_space<vmem>>, vector<16xf32>,
      tpu.vector_store %arg10[%swap3A_239, %swap3A_240], %scan3A_205#6 {strides = array<i32>} : memref<64x256xf32, #tpu.memory_space<vmem>>, vector<16xf32>,
      %add3A_242 = arith.constant 1 : i32
      %add3A_243 = arith.addi %mul3A_51, %add3A_242 : i32
      %swap3A_244 = arith.index_cast %add3A_243 : i32 to index
      %swap3A_245 = arith.constant 112 : index
      %swap3A_246 = tpu.vector_load %arg10[%swap3A_244, %swap3A_245] {strides = array<i32>} : memref<64x256xf32, #tpu.memory_space<vmem>>, vector<16xf32>,
      tpu.vector_store %arg10[%swap3A_244, %swap3A_245], %scan3A_205#7 {strides = array<i32>} : memref<64x256xf32, #tpu.memory_space<vmem>>, vector<16xf32>,
      %add3A_247 = arith.constant 1 : i32
      %add3A_248 = arith.addi %mul3A_51, %add3A_247 : i32
      %swap3A_249 = arith.index_cast %add3A_248 : i32 to index
      %swap3A_250 = arith.constant 128 : index
      %swap3A_251 = tpu.vector_load %arg10[%swap3A_249, %swap3A_250] {strides = array<i32>} : memref<64x256xf32, #tpu.memory_space<vmem>>, vector<16xf32>,
      tpu.vector_store %arg10[%swap3A_249, %swap3A_250], %scan3A_205#8 {strides = array<i32>} : memref<64x256xf32, #tpu.memory_space<vmem>>, vector<16xf32>,
      %add3A_252 = arith.constant 1 : i32
      %add3A_253 = arith.addi %mul3A_51, %add3A_252 : i32
      %swap3A_254 = arith.index_cast %add3A_253 : i32 to index
      %swap3A_255 = arith.constant 144 : index
      %swap3A_256 = tpu.vector_load %arg10[%swap3A_254, %swap3A_255] {strides = array<i32>} : memref<64x256xf32, #tpu.memory_space<vmem>>, vector<16xf32>,
      tpu.vector_store %arg10[%swap3A_254, %swap3A_255], %scan3A_205#9 {strides = array<i32>} : memref<64x256xf32, #tpu.memory_space<vmem>>, vector<16xf32>,
      %add3A_257 = arith.constant 1 : i32
      %add3A_258 = arith.addi %mul3A_51, %add3A_257 : i32
      %swap3A_259 = arith.index_cast %add3A_258 : i32 to index
      %swap3A_260 = arith.constant 160 : index
      %swap3A_261 = tpu.vector_load %arg10[%swap3A_259, %swap3A_260] {strides = array<i32>} : memref<64x256xf32, #tpu.memory_space<vmem>>, vector<16xf32>,
      tpu.vector_store %arg10[%swap3A_259, %swap3A_260], %scan3A_205#10 {strides = array<i32>} : memref<64x256xf32, #tpu.memory_space<vmem>>, vector<16xf32>,
      %add3A_262 = arith.constant 1 : i32
      %add3A_263 = arith.addi %mul3A_51, %add3A_262 : i32
      %swap3A_264 = arith.index_cast %add3A_263 : i32 to index
      %swap3A_265 = arith.constant 176 : index
      %swap3A_266 = tpu.vector_load %arg10[%swap3A_264, %swap3A_265] {strides = array<i32>} : memref<64x256xf32, #tpu.memory_space<vmem>>, vector<16xf32>,
      tpu.vector_store %arg10[%swap3A_264, %swap3A_265], %scan3A_205#11 {strides = array<i32>} : memref<64x256xf32, #tpu.memory_space<vmem>>, vector<16xf32>,
      %add3A_267 = arith.constant 1 : i32
      %add3A_268 = arith.addi %mul3A_51, %add3A_267 : i32
      %swap3A_269 = arith.index_cast %add3A_268 : i32 to index
      %swap3A_270 = arith.constant 192 : index
      %swap3A_271 = tpu.vector_load %arg10[%swap3A_269, %swap3A_270] {strides = array<i32>} : memref<64x256xf32, #tpu.memory_space<vmem>>, vector<16xf32>,
      tpu.vector_store %arg10[%swap3A_269, %swap3A_270], %scan3A_205#12 {strides = array<i32>} : memref<64x256xf32, #tpu.memory_space<vmem>>, vector<16xf32>,
      %add3A_272 = arith.constant 1 : i32
      %add3A_273 = arith.addi %mul3A_51, %add3A_272 : i32
      %swap3A_274 = arith.index_cast %add3A_273 : i32 to index
      %swap3A_275 = arith.constant 208 : index
      %swap3A_276 = tpu.vector_load %arg10[%swap3A_274, %swap3A_275] {strides = array<i32>} : memref<64x256xf32, #tpu.memory_space<vmem>>, vector<16xf32>,
      tpu.vector_store %arg10[%swap3A_274, %swap3A_275], %scan3A_205#13 {strides = array<i32>} : memref<64x256xf32, #tpu.memory_space<vmem>>, vector<16xf32>,
      %add3A_277 = arith.constant 1 : i32
      %add3A_278 = arith.addi %mul3A_51, %add3A_277 : i32
      %swap3A_279 = arith.index_cast %add3A_278 : i32 to index
      %swap3A_280 = arith.constant 224 : index
      %swap3A_281 = tpu.vector_load %arg10[%swap3A_279, %swap3A_280] {strides = array<i32>} : memref<64x256xf32, #tpu.memory_space<vmem>>, vector<16xf32>,
      tpu.vector_store %arg10[%swap3A_279, %swap3A_280], %scan3A_205#14 {strides = array<i32>} : memref<64x256xf32, #tpu.memory_space<vmem>>, vector<16xf32>,
      %add3A_282 = arith.constant 1 : i32
      %add3A_283 = arith.addi %mul3A_51, %add3A_282 : i32
      %swap3A_284 = arith.index_cast %add3A_283 : i32 to index
      %swap3A_285 = arith.constant 240 : index
      %swap3A_286 = tpu.vector_load %arg10[%swap3A_284, %swap3A_285] {strides = array<i32>} : memref<64x256xf32, #tpu.memory_space<vmem>>, vector<16xf32>,
      tpu.vector_store %arg10[%swap3A_284, %swap3A_285], %scan3A_205#15 {strides = array<i32>} : memref<64x256xf32, #tpu.memory_space<vmem>>, vector<16xf32>,
      %add3A_287 = arith.constant 4 : i32
      %add3A_288 = arith.addi %add3A_39, %add3A_287 : i32
      %lt3A = arith.constant 256 : i32
      %lt3A_289 = arith.cmpi slt, %add3A_288, %lt3A : i32
      %convert_element_type3A = arith.extui %lt3A_289 : i1 to i32
      %cond3A = arith.constant 0 : i32
      %cond3A_290 = arith.cmpi ne, %convert_element_type3A, %cond3A : i32
      scf.if %cond3A_290 {
        %add3A_1075 = arith.constant 4 : i32
        %add3A_1076 = arith.addi %add3A_39, %add3A_1075 : i32
        %dma_start3A_1077 = arith.constant 0 : i32
        %dma_start3A_1078 = tpu.memref_slice %arg5[%add3A_1076, %dma_start3A_1077] : memref<256x104xi32, #tpu.memory_space<vmem>> -> memref<1x104xi32, #tpu.memory_space<vmem>>
        %dma_start3A_1079 = tpu.memref_squeeze %dma_start3A_1078 : memref<1x104xi32, #tpu.memory_space<vmem>> -> memref<104xi32, #tpu.memory_space<vmem>>
        %dma_start3A_1080 = arith.constant 0 : i32
        %dma_start3A_1081 = arith.constant 0 : i32
        %dma_start3A_1082 = tpu.memref_slice %arg2[%dma_start3A_1080, %dma_start3A_1081] : memref<90240x128xi32, #tpu.memory_space<hbm>> -> memref<90240x128xi32, #tpu.memory_space<hbm>>
        tpu.enqueue_indirect_dma source(%dma_start3A_1082 : memref<90240x128xi32, #tpu.memory_space<hbm>>) target(%arg6 : memref<104x128xi32, #tpu.memory_space<vmem>>) offsets(%dma_start3A_1079 : memref<104xi32, #tpu.memory_space<vmem>>) semaphore(%arg11 : memref<!tpu.dma_semaphore, #tpu.memory_space<semaphore_mem>>)
      } else {
      }
      %mul3A_291 = arith.constant 4 : i32
      %mul3A_292 = arith.muli %mul3A_291, %scan3A_34 : i32
      %add3A_293 = arith.constant 1 : i32
      %add3A_294 = arith.addi %mul3A_292, %add3A_293 : i32
      %dma_wait3A_295 = arith.constant 0 : i32
      %dma_wait3A_296 = arith.constant 0 : i32
      %dma_wait3A_297 = tpu.memref_slice %arg5[%dma_wait3A_295, %dma_wait3A_296] : memref<256x104xi32, #tpu.memory_space<vmem>> -> memref<1x104xi32, #tpu.memory_space<vmem>>
      %dma_wait3A_298 = tpu.memref_squeeze %dma_wait3A_297 : memref<1x104xi32, #tpu.memory_space<vmem>> -> memref<104xi32, #tpu.memory_space<vmem>>
      %dma_wait3A_299 = arith.constant 0 : i32
      %dma_wait3A_300 = arith.constant 0 : i32
      %dma_wait3A_301 = tpu.memref_slice %arg2[%dma_wait3A_299, %dma_wait3A_300] : memref<90240x128xi32, #tpu.memory_space<hbm>> -> memref<90240x128xi32, #tpu.memory_space<hbm>>
      tpu.wait_indirect_dma semaphore(%arg12 : memref<!tpu.dma_semaphore, #tpu.memory_space<semaphore_mem>>) src(%dma_wait3A_301 : memref<90240x128xi32, #tpu.memory_space<hbm>>) dst(%arg7 : memref<104x128xi32, #tpu.memory_space<vmem>>)
      %mul3A_302 = arith.constant 4 : i32
      %mul3A_303 = arith.muli %mul3A_302, %rem3A_35 : i32
      %add3A_304 = arith.constant 1 : i32
      %add3A_305 = arith.addi %mul3A_303, %add3A_304 : i32
      %mul3A_306 = arith.constant 2 : i32
      %mul3A_307 = arith.muli %mul3A_306, %add3A_305 : i32
      %broadcast_in_dim3A_308 = arith.constant 0.000000e+00 : f32
      %broadcast_in_dim3A_309 = vector.broadcast %broadcast_in_dim3A_308 : f32 to vector<16xf32>
      %broadcast_in_dim3A_310 = arith.constant 0.000000e+00 : f32
      %broadcast_in_dim3A_311 = vector.broadcast %broadcast_in_dim3A_310 : f32 to vector<16xf32>
      %broadcast_in_dim3A_312 = arith.constant 0.000000e+00 : f32
      %broadcast_in_dim3A_313 = vector.broadcast %broadcast_in_dim3A_312 : f32 to vector<16xf32>
      %broadcast_in_dim3A_314 = arith.constant 0.000000e+00 : f32
      %broadcast_in_dim3A_315 = vector.broadcast %broadcast_in_dim3A_314 : f32 to vector<16xf32>
      %broadcast_in_dim3A_316 = arith.constant 0.000000e+00 : f32
      %broadcast_in_dim3A_317 = vector.broadcast %broadcast_in_dim3A_316 : f32 to vector<16xf32>
      %broadcast_in_dim3A_318 = arith.constant 0.000000e+00 : f32
      %broadcast_in_dim3A_319 = vector.broadcast %broadcast_in_dim3A_318 : f32 to vector<16xf32>
      %broadcast_in_dim3A_320 = arith.constant 0.000000e+00 : f32
      %broadcast_in_dim3A_321 = vector.broadcast %broadcast_in_dim3A_320 : f32 to vector<16xf32>
      %broadcast_in_dim3A_322 = arith.constant 0.000000e+00 : f32
      %broadcast_in_dim3A_323 = vector.broadcast %broadcast_in_dim3A_322 : f32 to vector<16xf32>
      %broadcast_in_dim3A_324 = arith.constant 0.000000e+00 : f32
      %broadcast_in_dim3A_325 = vector.broadcast %broadcast_in_dim3A_324 : f32 to vector<16xf32>
      %broadcast_in_dim3A_326 = arith.constant 0.000000e+00 : f32
      %broadcast_in_dim3A_327 = vector.broadcast %broadcast_in_dim3A_326 : f32 to vector<16xf32>
      %broadcast_in_dim3A_328 = arith.constant 0.000000e+00 : f32
      %broadcast_in_dim3A_329 = vector.broadcast %broadcast_in_dim3A_328 : f32 to vector<16xf32>
      %broadcast_in_dim3A_330 = arith.constant 0.000000e+00 : f32
      %broadcast_in_dim3A_331 = vector.broadcast %broadcast_in_dim3A_330 : f32 to vector<16xf32>
      %broadcast_in_dim3A_332 = arith.constant 0.000000e+00 : f32
      %broadcast_in_dim3A_333 = vector.broadcast %broadcast_in_dim3A_332 : f32 to vector<16xf32>
      %broadcast_in_dim3A_334 = arith.constant 0.000000e+00 : f32
      %broadcast_in_dim3A_335 = vector.broadcast %broadcast_in_dim3A_334 : f32 to vector<16xf32>
      %broadcast_in_dim3A_336 = arith.constant 0.000000e+00 : f32
      %broadcast_in_dim3A_337 = vector.broadcast %broadcast_in_dim3A_336 : f32 to vector<16xf32>
      %broadcast_in_dim3A_338 = arith.constant 0.000000e+00 : f32
      %broadcast_in_dim3A_339 = vector.broadcast %broadcast_in_dim3A_338 : f32 to vector<16xf32>
      %scan3A_340 = arith.constant 0 : i32
      %scan3A_341 = arith.constant 50 : i32
      %scan3A_342 = arith.addi %scan3A_340, %scan3A_341 : i32
      %scan3A_343 = arith.constant 1 : i32
      %scan3A_344:16 = scf.for %scan3A_1075 = %scan3A_340 to %scan3A_342 step %scan3A_343 iter_args(%scan3A_1076 = %broadcast_in_dim3A_309, %scan3A_1077 = %broadcast_in_dim3A_311, %scan3A_1078 = %broadcast_in_dim3A_313, %scan3A_1079 = %broadcast_in_dim3A_315, %scan3A_1080 = %broadcast_in_dim3A_317, %scan3A_1081 = %broadcast_in_dim3A_319, %scan3A_1082 = %broadcast_in_dim3A_321, %scan3A_1083 = %broadcast_in_dim3A_323, %scan3A_1084 = %broadcast_in_dim3A_325, %scan3A_1085 = %broadcast_in_dim3A_327, %scan3A_1086 = %broadcast_in_dim3A_329, %scan3A_1087 = %broadcast_in_dim3A_331, %scan3A_1088 = %broadcast_in_dim3A_333, %scan3A_1089 = %broadcast_in_dim3A_335, %scan3A_1090 = %broadcast_in_dim3A_337, %scan3A_1091 = %broadcast_in_dim3A_339) -> (vector<16xf32>, vector<16xf32>, vector<16xf32>, vector<16xf32>, vector<16xf32>, vector<16xf32>, vector<16xf32>, vector<16xf32>, vector<16xf32>, vector<16xf32>, vector<16xf32>, vector<16xf32>, vector<16xf32>, vector<16xf32>, vector<16xf32>, vector<16xf32>)  : i32 {
        %add3A_1092 = arith.constant 0 : i32
        %add3A_1093 = arith.addi %add3A_1092, %scan3A_1075 : i32
        %get3A = arith.index_cast %add3A_1093 : i32 to index
        %get3A_1094 = arith.constant 0 : index
        %get3A_1095 = tpu.vector_load %arg7[%get3A, %get3A_1094] {strides = array<i32>} : memref<104x128xi32, #tpu.memory_space<vmem>>, vector<16xi32>,
        %shift_left3A = arith.constant 16 : i32
        %shift_left3A_1096 = vector.broadcast %shift_left3A : i32 to vector<16xi32>
        %shift_left3A_1097 = arith.shli %get3A_1095, %shift_left3A_1096 : vector<16xi32>
        %bitcast3A = vector.bitcast %shift_left3A_1097 : vector<16xi32> to vector<16xf32>
        %and3A = arith.andi %get3A_1095, %broadcast_in_dim3A_1 : vector<16xi32>
        %bitcast3A_1098 = vector.bitcast %and3A : vector<16xi32> to vector<16xf32>
        %add3A_1099 = arith.addf %scan3A_1076, %bitcast3A : vector<16xf32>
        %add3A_1100 = arith.addf %scan3A_1077, %bitcast3A_1098 : vector<16xf32>
        %add3A_1101 = arith.constant 0 : i32
        %add3A_1102 = arith.addi %add3A_1101, %scan3A_1075 : i32
        %get3A_1103 = arith.index_cast %add3A_1102 : i32 to index
        %get3A_1104 = arith.constant 16 : index
        %get3A_1105 = tpu.vector_load %arg7[%get3A_1103, %get3A_1104] {strides = array<i32>} : memref<104x128xi32, #tpu.memory_space<vmem>>, vector<16xi32>,
        %shift_left3A_1106 = arith.constant 16 : i32
        %shift_left3A_1107 = vector.broadcast %shift_left3A_1106 : i32 to vector<16xi32>
        %shift_left3A_1108 = arith.shli %get3A_1105, %shift_left3A_1107 : vector<16xi32>
        %bitcast3A_1109 = vector.bitcast %shift_left3A_1108 : vector<16xi32> to vector<16xf32>
        %and3A_1110 = arith.andi %get3A_1105, %broadcast_in_dim3A_1 : vector<16xi32>
        %bitcast3A_1111 = vector.bitcast %and3A_1110 : vector<16xi32> to vector<16xf32>
        %add3A_1112 = arith.addf %scan3A_1078, %bitcast3A_1109 : vector<16xf32>
        %add3A_1113 = arith.addf %scan3A_1079, %bitcast3A_1111 : vector<16xf32>
        %add3A_1114 = arith.constant 0 : i32
        %add3A_1115 = arith.addi %add3A_1114, %scan3A_1075 : i32
        %get3A_1116 = arith.index_cast %add3A_1115 : i32 to index
        %get3A_1117 = arith.constant 32 : index
        %get3A_1118 = tpu.vector_load %arg7[%get3A_1116, %get3A_1117] {strides = array<i32>} : memref<104x128xi32, #tpu.memory_space<vmem>>, vector<16xi32>,
        %shift_left3A_1119 = arith.constant 16 : i32
        %shift_left3A_1120 = vector.broadcast %shift_left3A_1119 : i32 to vector<16xi32>
        %shift_left3A_1121 = arith.shli %get3A_1118, %shift_left3A_1120 : vector<16xi32>
        %bitcast3A_1122 = vector.bitcast %shift_left3A_1121 : vector<16xi32> to vector<16xf32>
        %and3A_1123 = arith.andi %get3A_1118, %broadcast_in_dim3A_1 : vector<16xi32>
        %bitcast3A_1124 = vector.bitcast %and3A_1123 : vector<16xi32> to vector<16xf32>
        %add3A_1125 = arith.addf %scan3A_1080, %bitcast3A_1122 : vector<16xf32>
        %add3A_1126 = arith.addf %scan3A_1081, %bitcast3A_1124 : vector<16xf32>
        %add3A_1127 = arith.constant 0 : i32
        %add3A_1128 = arith.addi %add3A_1127, %scan3A_1075 : i32
        %get3A_1129 = arith.index_cast %add3A_1128 : i32 to index
        %get3A_1130 = arith.constant 48 : index
        %get3A_1131 = tpu.vector_load %arg7[%get3A_1129, %get3A_1130] {strides = array<i32>} : memref<104x128xi32, #tpu.memory_space<vmem>>, vector<16xi32>,
        %shift_left3A_1132 = arith.constant 16 : i32
        %shift_left3A_1133 = vector.broadcast %shift_left3A_1132 : i32 to vector<16xi32>
        %shift_left3A_1134 = arith.shli %get3A_1131, %shift_left3A_1133 : vector<16xi32>
        %bitcast3A_1135 = vector.bitcast %shift_left3A_1134 : vector<16xi32> to vector<16xf32>
        %and3A_1136 = arith.andi %get3A_1131, %broadcast_in_dim3A_1 : vector<16xi32>
        %bitcast3A_1137 = vector.bitcast %and3A_1136 : vector<16xi32> to vector<16xf32>
        %add3A_1138 = arith.addf %scan3A_1082, %bitcast3A_1135 : vector<16xf32>
        %add3A_1139 = arith.addf %scan3A_1083, %bitcast3A_1137 : vector<16xf32>
        %add3A_1140 = arith.constant 0 : i32
        %add3A_1141 = arith.addi %add3A_1140, %scan3A_1075 : i32
        %get3A_1142 = arith.index_cast %add3A_1141 : i32 to index
        %get3A_1143 = arith.constant 64 : index
        %get3A_1144 = tpu.vector_load %arg7[%get3A_1142, %get3A_1143] {strides = array<i32>} : memref<104x128xi32, #tpu.memory_space<vmem>>, vector<16xi32>,
        %shift_left3A_1145 = arith.constant 16 : i32
        %shift_left3A_1146 = vector.broadcast %shift_left3A_1145 : i32 to vector<16xi32>
        %shift_left3A_1147 = arith.shli %get3A_1144, %shift_left3A_1146 : vector<16xi32>
        %bitcast3A_1148 = vector.bitcast %shift_left3A_1147 : vector<16xi32> to vector<16xf32>
        %and3A_1149 = arith.andi %get3A_1144, %broadcast_in_dim3A_1 : vector<16xi32>
        %bitcast3A_1150 = vector.bitcast %and3A_1149 : vector<16xi32> to vector<16xf32>
        %add3A_1151 = arith.addf %scan3A_1084, %bitcast3A_1148 : vector<16xf32>
        %add3A_1152 = arith.addf %scan3A_1085, %bitcast3A_1150 : vector<16xf32>
        %add3A_1153 = arith.constant 0 : i32
        %add3A_1154 = arith.addi %add3A_1153, %scan3A_1075 : i32
        %get3A_1155 = arith.index_cast %add3A_1154 : i32 to index
        %get3A_1156 = arith.constant 80 : index
        %get3A_1157 = tpu.vector_load %arg7[%get3A_1155, %get3A_1156] {strides = array<i32>} : memref<104x128xi32, #tpu.memory_space<vmem>>, vector<16xi32>,
        %shift_left3A_1158 = arith.constant 16 : i32
        %shift_left3A_1159 = vector.broadcast %shift_left3A_1158 : i32 to vector<16xi32>
        %shift_left3A_1160 = arith.shli %get3A_1157, %shift_left3A_1159 : vector<16xi32>
        %bitcast3A_1161 = vector.bitcast %shift_left3A_1160 : vector<16xi32> to vector<16xf32>
        %and3A_1162 = arith.andi %get3A_1157, %broadcast_in_dim3A_1 : vector<16xi32>
        %bitcast3A_1163 = vector.bitcast %and3A_1162 : vector<16xi32> to vector<16xf32>
        %add3A_1164 = arith.addf %scan3A_1086, %bitcast3A_1161 : vector<16xf32>
        %add3A_1165 = arith.addf %scan3A_1087, %bitcast3A_1163 : vector<16xf32>
        %add3A_1166 = arith.constant 0 : i32
        %add3A_1167 = arith.addi %add3A_1166, %scan3A_1075 : i32
        %get3A_1168 = arith.index_cast %add3A_1167 : i32 to index
        %get3A_1169 = arith.constant 96 : index
        %get3A_1170 = tpu.vector_load %arg7[%get3A_1168, %get3A_1169] {strides = array<i32>} : memref<104x128xi32, #tpu.memory_space<vmem>>, vector<16xi32>,
        %shift_left3A_1171 = arith.constant 16 : i32
        %shift_left3A_1172 = vector.broadcast %shift_left3A_1171 : i32 to vector<16xi32>
        %shift_left3A_1173 = arith.shli %get3A_1170, %shift_left3A_1172 : vector<16xi32>
        %bitcast3A_1174 = vector.bitcast %shift_left3A_1173 : vector<16xi32> to vector<16xf32>
        %and3A_1175 = arith.andi %get3A_1170, %broadcast_in_dim3A_1 : vector<16xi32>
        %bitcast3A_1176 = vector.bitcast %and3A_1175 : vector<16xi32> to vector<16xf32>
        %add3A_1177 = arith.addf %scan3A_1088, %bitcast3A_1174 : vector<16xf32>
        %add3A_1178 = arith.addf %scan3A_1089, %bitcast3A_1176 : vector<16xf32>
        %add3A_1179 = arith.constant 0 : i32
        %add3A_1180 = arith.addi %add3A_1179, %scan3A_1075 : i32
        %get3A_1181 = arith.index_cast %add3A_1180 : i32 to index
        %get3A_1182 = arith.constant 112 : index
        %get3A_1183 = tpu.vector_load %arg7[%get3A_1181, %get3A_1182] {strides = array<i32>} : memref<104x128xi32, #tpu.memory_space<vmem>>, vector<16xi32>,
        %shift_left3A_1184 = arith.constant 16 : i32
        %shift_left3A_1185 = vector.broadcast %shift_left3A_1184 : i32 to vector<16xi32>
        %shift_left3A_1186 = arith.shli %get3A_1183, %shift_left3A_1185 : vector<16xi32>
        %bitcast3A_1187 = vector.bitcast %shift_left3A_1186 : vector<16xi32> to vector<16xf32>
        %and3A_1188 = arith.andi %get3A_1183, %broadcast_in_dim3A_1 : vector<16xi32>
        %bitcast3A_1189 = vector.bitcast %and3A_1188 : vector<16xi32> to vector<16xf32>
        %add3A_1190 = arith.addf %scan3A_1090, %bitcast3A_1187 : vector<16xf32>
        %add3A_1191 = arith.addf %scan3A_1091, %bitcast3A_1189 : vector<16xf32>
        scf.yield %add3A_1099, %add3A_1100, %add3A_1112, %add3A_1113, %add3A_1125, %add3A_1126, %add3A_1138, %add3A_1139, %add3A_1151, %add3A_1152, %add3A_1164, %add3A_1165, %add3A_1177, %add3A_1178, %add3A_1190, %add3A_1191 : vector<16xf32>, vector<16xf32>, vector<16xf32>, vector<16xf32>, vector<16xf32>, vector<16xf32>, vector<16xf32>, vector<16xf32>, vector<16xf32>, vector<16xf32>, vector<16xf32>, vector<16xf32>, vector<16xf32>, vector<16xf32>, vector<16xf32>, vector<16xf32>
      }
      %scan3A_345 = arith.constant 50 : i32
      %add3A_346 = arith.constant 0 : i32
      %add3A_347 = arith.addi %mul3A_307, %add3A_346 : i32
      %swap3A_348 = arith.index_cast %add3A_347 : i32 to index
      %swap3A_349 = arith.constant 0 : index
      %swap3A_350 = tpu.vector_load %arg10[%swap3A_348, %swap3A_349] {strides = array<i32>} : memref<64x256xf32, #tpu.memory_space<vmem>>, vector<16xf32>,
      tpu.vector_store %arg10[%swap3A_348, %swap3A_349], %scan3A_344#0 {strides = array<i32>} : memref<64x256xf32, #tpu.memory_space<vmem>>, vector<16xf32>,
      %add3A_351 = arith.constant 0 : i32
      %add3A_352 = arith.addi %mul3A_307, %add3A_351 : i32
      %swap3A_353 = arith.index_cast %add3A_352 : i32 to index
      %swap3A_354 = arith.constant 16 : index
      %swap3A_355 = tpu.vector_load %arg10[%swap3A_353, %swap3A_354] {strides = array<i32>} : memref<64x256xf32, #tpu.memory_space<vmem>>, vector<16xf32>,
      tpu.vector_store %arg10[%swap3A_353, %swap3A_354], %scan3A_344#1 {strides = array<i32>} : memref<64x256xf32, #tpu.memory_space<vmem>>, vector<16xf32>,
      %add3A_356 = arith.constant 0 : i32
      %add3A_357 = arith.addi %mul3A_307, %add3A_356 : i32
      %swap3A_358 = arith.index_cast %add3A_357 : i32 to index
      %swap3A_359 = arith.constant 32 : index
      %swap3A_360 = tpu.vector_load %arg10[%swap3A_358, %swap3A_359] {strides = array<i32>} : memref<64x256xf32, #tpu.memory_space<vmem>>, vector<16xf32>,
      tpu.vector_store %arg10[%swap3A_358, %swap3A_359], %scan3A_344#2 {strides = array<i32>} : memref<64x256xf32, #tpu.memory_space<vmem>>, vector<16xf32>,
      %add3A_361 = arith.constant 0 : i32
      %add3A_362 = arith.addi %mul3A_307, %add3A_361 : i32
      %swap3A_363 = arith.index_cast %add3A_362 : i32 to index
      %swap3A_364 = arith.constant 48 : index
      %swap3A_365 = tpu.vector_load %arg10[%swap3A_363, %swap3A_364] {strides = array<i32>} : memref<64x256xf32, #tpu.memory_space<vmem>>, vector<16xf32>,
      tpu.vector_store %arg10[%swap3A_363, %swap3A_364], %scan3A_344#3 {strides = array<i32>} : memref<64x256xf32, #tpu.memory_space<vmem>>, vector<16xf32>,
      %add3A_366 = arith.constant 0 : i32
      %add3A_367 = arith.addi %mul3A_307, %add3A_366 : i32
      %swap3A_368 = arith.index_cast %add3A_367 : i32 to index
      %swap3A_369 = arith.constant 64 : index
      %swap3A_370 = tpu.vector_load %arg10[%swap3A_368, %swap3A_369] {strides = array<i32>} : memref<64x256xf32, #tpu.memory_space<vmem>>, vector<16xf32>,
      tpu.vector_store %arg10[%swap3A_368, %swap3A_369], %scan3A_344#4 {strides = array<i32>} : memref<64x256xf32, #tpu.memory_space<vmem>>, vector<16xf32>,
      %add3A_371 = arith.constant 0 : i32
      %add3A_372 = arith.addi %mul3A_307, %add3A_371 : i32
      %swap3A_373 = arith.index_cast %add3A_372 : i32 to index
      %swap3A_374 = arith.constant 80 : index
      %swap3A_375 = tpu.vector_load %arg10[%swap3A_373, %swap3A_374] {strides = array<i32>} : memref<64x256xf32, #tpu.memory_space<vmem>>, vector<16xf32>,
      tpu.vector_store %arg10[%swap3A_373, %swap3A_374], %scan3A_344#5 {strides = array<i32>} : memref<64x256xf32, #tpu.memory_space<vmem>>, vector<16xf32>,
      %add3A_376 = arith.constant 0 : i32
      %add3A_377 = arith.addi %mul3A_307, %add3A_376 : i32
      %swap3A_378 = arith.index_cast %add3A_377 : i32 to index
      %swap3A_379 = arith.constant 96 : index
      %swap3A_380 = tpu.vector_load %arg10[%swap3A_378, %swap3A_379] {strides = array<i32>} : memref<64x256xf32, #tpu.memory_space<vmem>>, vector<16xf32>,
      tpu.vector_store %arg10[%swap3A_378, %swap3A_379], %scan3A_344#6 {strides = array<i32>} : memref<64x256xf32, #tpu.memory_space<vmem>>, vector<16xf32>,
      %add3A_381 = arith.constant 0 : i32
      %add3A_382 = arith.addi %mul3A_307, %add3A_381 : i32
      %swap3A_383 = arith.index_cast %add3A_382 : i32 to index
      %swap3A_384 = arith.constant 112 : index
      %swap3A_385 = tpu.vector_load %arg10[%swap3A_383, %swap3A_384] {strides = array<i32>} : memref<64x256xf32, #tpu.memory_space<vmem>>, vector<16xf32>,
      tpu.vector_store %arg10[%swap3A_383, %swap3A_384], %scan3A_344#7 {strides = array<i32>} : memref<64x256xf32, #tpu.memory_space<vmem>>, vector<16xf32>,
      %add3A_386 = arith.constant 0 : i32
      %add3A_387 = arith.addi %mul3A_307, %add3A_386 : i32
      %swap3A_388 = arith.index_cast %add3A_387 : i32 to index
      %swap3A_389 = arith.constant 128 : index
      %swap3A_390 = tpu.vector_load %arg10[%swap3A_388, %swap3A_389] {strides = array<i32>} : memref<64x256xf32, #tpu.memory_space<vmem>>, vector<16xf32>,
      tpu.vector_store %arg10[%swap3A_388, %swap3A_389], %scan3A_344#8 {strides = array<i32>} : memref<64x256xf32, #tpu.memory_space<vmem>>, vector<16xf32>,
      %add3A_391 = arith.constant 0 : i32
      %add3A_392 = arith.addi %mul3A_307, %add3A_391 : i32
      %swap3A_393 = arith.index_cast %add3A_392 : i32 to index
      %swap3A_394 = arith.constant 144 : index
      %swap3A_395 = tpu.vector_load %arg10[%swap3A_393, %swap3A_394] {strides = array<i32>} : memref<64x256xf32, #tpu.memory_space<vmem>>, vector<16xf32>,
      tpu.vector_store %arg10[%swap3A_393, %swap3A_394], %scan3A_344#9 {strides = array<i32>} : memref<64x256xf32, #tpu.memory_space<vmem>>, vector<16xf32>,
      %add3A_396 = arith.constant 0 : i32
      %add3A_397 = arith.addi %mul3A_307, %add3A_396 : i32
      %swap3A_398 = arith.index_cast %add3A_397 : i32 to index
      %swap3A_399 = arith.constant 160 : index
      %swap3A_400 = tpu.vector_load %arg10[%swap3A_398, %swap3A_399] {strides = array<i32>} : memref<64x256xf32, #tpu.memory_space<vmem>>, vector<16xf32>,
      tpu.vector_store %arg10[%swap3A_398, %swap3A_399], %scan3A_344#10 {strides = array<i32>} : memref<64x256xf32, #tpu.memory_space<vmem>>, vector<16xf32>,
      %add3A_401 = arith.constant 0 : i32
      %add3A_402 = arith.addi %mul3A_307, %add3A_401 : i32
      %swap3A_403 = arith.index_cast %add3A_402 : i32 to index
      %swap3A_404 = arith.constant 176 : index
      %swap3A_405 = tpu.vector_load %arg10[%swap3A_403, %swap3A_404] {strides = array<i32>} : memref<64x256xf32, #tpu.memory_space<vmem>>, vector<16xf32>,
      tpu.vector_store %arg10[%swap3A_403, %swap3A_404], %scan3A_344#11 {strides = array<i32>} : memref<64x256xf32, #tpu.memory_space<vmem>>, vector<16xf32>,
      %add3A_406 = arith.constant 0 : i32
      %add3A_407 = arith.addi %mul3A_307, %add3A_406 : i32
      %swap3A_408 = arith.index_cast %add3A_407 : i32 to index
      %swap3A_409 = arith.constant 192 : index
      %swap3A_410 = tpu.vector_load %arg10[%swap3A_408, %swap3A_409] {strides = array<i32>} : memref<64x256xf32, #tpu.memory_space<vmem>>, vector<16xf32>,
      tpu.vector_store %arg10[%swap3A_408, %swap3A_409], %scan3A_344#12 {strides = array<i32>} : memref<64x256xf32, #tpu.memory_space<vmem>>, vector<16xf32>,
      %add3A_411 = arith.constant 0 : i32
      %add3A_412 = arith.addi %mul3A_307, %add3A_411 : i32
      %swap3A_413 = arith.index_cast %add3A_412 : i32 to index
      %swap3A_414 = arith.constant 208 : index
      %swap3A_415 = tpu.vector_load %arg10[%swap3A_413, %swap3A_414] {strides = array<i32>} : memref<64x256xf32, #tpu.memory_space<vmem>>, vector<16xf32>,
      tpu.vector_store %arg10[%swap3A_413, %swap3A_414], %scan3A_344#13 {strides = array<i32>} : memref<64x256xf32, #tpu.memory_space<vmem>>, vector<16xf32>,
      %add3A_416 = arith.constant 0 : i32
      %add3A_417 = arith.addi %mul3A_307, %add3A_416 : i32
      %swap3A_418 = arith.index_cast %add3A_417 : i32 to index
      %swap3A_419 = arith.constant 224 : index
      %swap3A_420 = tpu.vector_load %arg10[%swap3A_418, %swap3A_419] {strides = array<i32>} : memref<64x256xf32, #tpu.memory_space<vmem>>, vector<16xf32>,
      tpu.vector_store %arg10[%swap3A_418, %swap3A_419], %scan3A_344#14 {strides = array<i32>} : memref<64x256xf32, #tpu.memory_space<vmem>>, vector<16xf32>,
      %add3A_421 = arith.constant 0 : i32
      %add3A_422 = arith.addi %mul3A_307, %add3A_421 : i32
      %swap3A_423 = arith.index_cast %add3A_422 : i32 to index
      %swap3A_424 = arith.constant 240 : index
      %swap3A_425 = tpu.vector_load %arg10[%swap3A_423, %swap3A_424] {strides = array<i32>} : memref<64x256xf32, #tpu.memory_space<vmem>>, vector<16xf32>,
      tpu.vector_store %arg10[%swap3A_423, %swap3A_424], %scan3A_344#15 {strides = array<i32>} : memref<64x256xf32, #tpu.memory_space<vmem>>, vector<16xf32>,
      %broadcast_in_dim3A_426 = arith.constant 0.000000e+00 : f32
      %broadcast_in_dim3A_427 = vector.broadcast %broadcast_in_dim3A_426 : f32 to vector<16xf32>
      %broadcast_in_dim3A_428 = arith.constant 0.000000e+00 : f32
      %broadcast_in_dim3A_429 = vector.broadcast %broadcast_in_dim3A_428 : f32 to vector<16xf32>
      %broadcast_in_dim3A_430 = arith.constant 0.000000e+00 : f32
      %broadcast_in_dim3A_431 = vector.broadcast %broadcast_in_dim3A_430 : f32 to vector<16xf32>
      %broadcast_in_dim3A_432 = arith.constant 0.000000e+00 : f32
      %broadcast_in_dim3A_433 = vector.broadcast %broadcast_in_dim3A_432 : f32 to vector<16xf32>
      %broadcast_in_dim3A_434 = arith.constant 0.000000e+00 : f32
      %broadcast_in_dim3A_435 = vector.broadcast %broadcast_in_dim3A_434 : f32 to vector<16xf32>
      %broadcast_in_dim3A_436 = arith.constant 0.000000e+00 : f32
      %broadcast_in_dim3A_437 = vector.broadcast %broadcast_in_dim3A_436 : f32 to vector<16xf32>
      %broadcast_in_dim3A_438 = arith.constant 0.000000e+00 : f32
      %broadcast_in_dim3A_439 = vector.broadcast %broadcast_in_dim3A_438 : f32 to vector<16xf32>
      %broadcast_in_dim3A_440 = arith.constant 0.000000e+00 : f32
      %broadcast_in_dim3A_441 = vector.broadcast %broadcast_in_dim3A_440 : f32 to vector<16xf32>
      %broadcast_in_dim3A_442 = arith.constant 0.000000e+00 : f32
      %broadcast_in_dim3A_443 = vector.broadcast %broadcast_in_dim3A_442 : f32 to vector<16xf32>
      %broadcast_in_dim3A_444 = arith.constant 0.000000e+00 : f32
      %broadcast_in_dim3A_445 = vector.broadcast %broadcast_in_dim3A_444 : f32 to vector<16xf32>
      %broadcast_in_dim3A_446 = arith.constant 0.000000e+00 : f32
      %broadcast_in_dim3A_447 = vector.broadcast %broadcast_in_dim3A_446 : f32 to vector<16xf32>
      %broadcast_in_dim3A_448 = arith.constant 0.000000e+00 : f32
      %broadcast_in_dim3A_449 = vector.broadcast %broadcast_in_dim3A_448 : f32 to vector<16xf32>
      %broadcast_in_dim3A_450 = arith.constant 0.000000e+00 : f32
      %broadcast_in_dim3A_451 = vector.broadcast %broadcast_in_dim3A_450 : f32 to vector<16xf32>
      %broadcast_in_dim3A_452 = arith.constant 0.000000e+00 : f32
      %broadcast_in_dim3A_453 = vector.broadcast %broadcast_in_dim3A_452 : f32 to vector<16xf32>
      %broadcast_in_dim3A_454 = arith.constant 0.000000e+00 : f32
      %broadcast_in_dim3A_455 = vector.broadcast %broadcast_in_dim3A_454 : f32 to vector<16xf32>
      %broadcast_in_dim3A_456 = arith.constant 0.000000e+00 : f32
      %broadcast_in_dim3A_457 = vector.broadcast %broadcast_in_dim3A_456 : f32 to vector<16xf32>
      %scan3A_458 = arith.constant 0 : i32
      %scan3A_459 = arith.constant 50 : i32
      %scan3A_460 = arith.addi %scan3A_458, %scan3A_459 : i32
      %scan3A_461 = arith.constant 1 : i32
      %scan3A_462:16 = scf.for %scan3A_1075 = %scan3A_458 to %scan3A_460 step %scan3A_461 iter_args(%scan3A_1076 = %broadcast_in_dim3A_427, %scan3A_1077 = %broadcast_in_dim3A_429, %scan3A_1078 = %broadcast_in_dim3A_431, %scan3A_1079 = %broadcast_in_dim3A_433, %scan3A_1080 = %broadcast_in_dim3A_435, %scan3A_1081 = %broadcast_in_dim3A_437, %scan3A_1082 = %broadcast_in_dim3A_439, %scan3A_1083 = %broadcast_in_dim3A_441, %scan3A_1084 = %broadcast_in_dim3A_443, %scan3A_1085 = %broadcast_in_dim3A_445, %scan3A_1086 = %broadcast_in_dim3A_447, %scan3A_1087 = %broadcast_in_dim3A_449, %scan3A_1088 = %broadcast_in_dim3A_451, %scan3A_1089 = %broadcast_in_dim3A_453, %scan3A_1090 = %broadcast_in_dim3A_455, %scan3A_1091 = %broadcast_in_dim3A_457) -> (vector<16xf32>, vector<16xf32>, vector<16xf32>, vector<16xf32>, vector<16xf32>, vector<16xf32>, vector<16xf32>, vector<16xf32>, vector<16xf32>, vector<16xf32>, vector<16xf32>, vector<16xf32>, vector<16xf32>, vector<16xf32>, vector<16xf32>, vector<16xf32>)  : i32 {
        %add3A_1092 = arith.constant 50 : i32
        %add3A_1093 = arith.addi %add3A_1092, %scan3A_1075 : i32
        %get3A = arith.index_cast %add3A_1093 : i32 to index
        %get3A_1094 = arith.constant 0 : index
        %get3A_1095 = tpu.vector_load %arg7[%get3A, %get3A_1094] {strides = array<i32>} : memref<104x128xi32, #tpu.memory_space<vmem>>, vector<16xi32>,
        %shift_left3A = arith.constant 16 : i32
        %shift_left3A_1096 = vector.broadcast %shift_left3A : i32 to vector<16xi32>
        %shift_left3A_1097 = arith.shli %get3A_1095, %shift_left3A_1096 : vector<16xi32>
        %bitcast3A = vector.bitcast %shift_left3A_1097 : vector<16xi32> to vector<16xf32>
        %and3A = arith.andi %get3A_1095, %broadcast_in_dim3A_1 : vector<16xi32>
        %bitcast3A_1098 = vector.bitcast %and3A : vector<16xi32> to vector<16xf32>
        %add3A_1099 = arith.addf %scan3A_1076, %bitcast3A : vector<16xf32>
        %add3A_1100 = arith.addf %scan3A_1077, %bitcast3A_1098 : vector<16xf32>
        %add3A_1101 = arith.constant 50 : i32
        %add3A_1102 = arith.addi %add3A_1101, %scan3A_1075 : i32
        %get3A_1103 = arith.index_cast %add3A_1102 : i32 to index
        %get3A_1104 = arith.constant 16 : index
        %get3A_1105 = tpu.vector_load %arg7[%get3A_1103, %get3A_1104] {strides = array<i32>} : memref<104x128xi32, #tpu.memory_space<vmem>>, vector<16xi32>,
        %shift_left3A_1106 = arith.constant 16 : i32
        %shift_left3A_1107 = vector.broadcast %shift_left3A_1106 : i32 to vector<16xi32>
        %shift_left3A_1108 = arith.shli %get3A_1105, %shift_left3A_1107 : vector<16xi32>
        %bitcast3A_1109 = vector.bitcast %shift_left3A_1108 : vector<16xi32> to vector<16xf32>
        %and3A_1110 = arith.andi %get3A_1105, %broadcast_in_dim3A_1 : vector<16xi32>
        %bitcast3A_1111 = vector.bitcast %and3A_1110 : vector<16xi32> to vector<16xf32>
        %add3A_1112 = arith.addf %scan3A_1078, %bitcast3A_1109 : vector<16xf32>
        %add3A_1113 = arith.addf %scan3A_1079, %bitcast3A_1111 : vector<16xf32>
        %add3A_1114 = arith.constant 50 : i32
        %add3A_1115 = arith.addi %add3A_1114, %scan3A_1075 : i32
        %get3A_1116 = arith.index_cast %add3A_1115 : i32 to index
        %get3A_1117 = arith.constant 32 : index
        %get3A_1118 = tpu.vector_load %arg7[%get3A_1116, %get3A_1117] {strides = array<i32>} : memref<104x128xi32, #tpu.memory_space<vmem>>, vector<16xi32>,
        %shift_left3A_1119 = arith.constant 16 : i32
        %shift_left3A_1120 = vector.broadcast %shift_left3A_1119 : i32 to vector<16xi32>
        %shift_left3A_1121 = arith.shli %get3A_1118, %shift_left3A_1120 : vector<16xi32>
        %bitcast3A_1122 = vector.bitcast %shift_left3A_1121 : vector<16xi32> to vector<16xf32>
        %and3A_1123 = arith.andi %get3A_1118, %broadcast_in_dim3A_1 : vector<16xi32>
        %bitcast3A_1124 = vector.bitcast %and3A_1123 : vector<16xi32> to vector<16xf32>
        %add3A_1125 = arith.addf %scan3A_1080, %bitcast3A_1122 : vector<16xf32>
        %add3A_1126 = arith.addf %scan3A_1081, %bitcast3A_1124 : vector<16xf32>
        %add3A_1127 = arith.constant 50 : i32
        %add3A_1128 = arith.addi %add3A_1127, %scan3A_1075 : i32
        %get3A_1129 = arith.index_cast %add3A_1128 : i32 to index
        %get3A_1130 = arith.constant 48 : index
        %get3A_1131 = tpu.vector_load %arg7[%get3A_1129, %get3A_1130] {strides = array<i32>} : memref<104x128xi32, #tpu.memory_space<vmem>>, vector<16xi32>,
        %shift_left3A_1132 = arith.constant 16 : i32
        %shift_left3A_1133 = vector.broadcast %shift_left3A_1132 : i32 to vector<16xi32>
        %shift_left3A_1134 = arith.shli %get3A_1131, %shift_left3A_1133 : vector<16xi32>
        %bitcast3A_1135 = vector.bitcast %shift_left3A_1134 : vector<16xi32> to vector<16xf32>
        %and3A_1136 = arith.andi %get3A_1131, %broadcast_in_dim3A_1 : vector<16xi32>
        %bitcast3A_1137 = vector.bitcast %and3A_1136 : vector<16xi32> to vector<16xf32>
        %add3A_1138 = arith.addf %scan3A_1082, %bitcast3A_1135 : vector<16xf32>
        %add3A_1139 = arith.addf %scan3A_1083, %bitcast3A_1137 : vector<16xf32>
        %add3A_1140 = arith.constant 50 : i32
        %add3A_1141 = arith.addi %add3A_1140, %scan3A_1075 : i32
        %get3A_1142 = arith.index_cast %add3A_1141 : i32 to index
        %get3A_1143 = arith.constant 64 : index
        %get3A_1144 = tpu.vector_load %arg7[%get3A_1142, %get3A_1143] {strides = array<i32>} : memref<104x128xi32, #tpu.memory_space<vmem>>, vector<16xi32>,
        %shift_left3A_1145 = arith.constant 16 : i32
        %shift_left3A_1146 = vector.broadcast %shift_left3A_1145 : i32 to vector<16xi32>
        %shift_left3A_1147 = arith.shli %get3A_1144, %shift_left3A_1146 : vector<16xi32>
        %bitcast3A_1148 = vector.bitcast %shift_left3A_1147 : vector<16xi32> to vector<16xf32>
        %and3A_1149 = arith.andi %get3A_1144, %broadcast_in_dim3A_1 : vector<16xi32>
        %bitcast3A_1150 = vector.bitcast %and3A_1149 : vector<16xi32> to vector<16xf32>
        %add3A_1151 = arith.addf %scan3A_1084, %bitcast3A_1148 : vector<16xf32>
        %add3A_1152 = arith.addf %scan3A_1085, %bitcast3A_1150 : vector<16xf32>
        %add3A_1153 = arith.constant 50 : i32
        %add3A_1154 = arith.addi %add3A_1153, %scan3A_1075 : i32
        %get3A_1155 = arith.index_cast %add3A_1154 : i32 to index
        %get3A_1156 = arith.constant 80 : index
        %get3A_1157 = tpu.vector_load %arg7[%get3A_1155, %get3A_1156] {strides = array<i32>} : memref<104x128xi32, #tpu.memory_space<vmem>>, vector<16xi32>,
        %shift_left3A_1158 = arith.constant 16 : i32
        %shift_left3A_1159 = vector.broadcast %shift_left3A_1158 : i32 to vector<16xi32>
        %shift_left3A_1160 = arith.shli %get3A_1157, %shift_left3A_1159 : vector<16xi32>
        %bitcast3A_1161 = vector.bitcast %shift_left3A_1160 : vector<16xi32> to vector<16xf32>
        %and3A_1162 = arith.andi %get3A_1157, %broadcast_in_dim3A_1 : vector<16xi32>
        %bitcast3A_1163 = vector.bitcast %and3A_1162 : vector<16xi32> to vector<16xf32>
        %add3A_1164 = arith.addf %scan3A_1086, %bitcast3A_1161 : vector<16xf32>
        %add3A_1165 = arith.addf %scan3A_1087, %bitcast3A_1163 : vector<16xf32>
        %add3A_1166 = arith.constant 50 : i32
        %add3A_1167 = arith.addi %add3A_1166, %scan3A_1075 : i32
        %get3A_1168 = arith.index_cast %add3A_1167 : i32 to index
        %get3A_1169 = arith.constant 96 : index
        %get3A_1170 = tpu.vector_load %arg7[%get3A_1168, %get3A_1169] {strides = array<i32>} : memref<104x128xi32, #tpu.memory_space<vmem>>, vector<16xi32>,
        %shift_left3A_1171 = arith.constant 16 : i32
        %shift_left3A_1172 = vector.broadcast %shift_left3A_1171 : i32 to vector<16xi32>
        %shift_left3A_1173 = arith.shli %get3A_1170, %shift_left3A_1172 : vector<16xi32>
        %bitcast3A_1174 = vector.bitcast %shift_left3A_1173 : vector<16xi32> to vector<16xf32>
        %and3A_1175 = arith.andi %get3A_1170, %broadcast_in_dim3A_1 : vector<16xi32>
        %bitcast3A_1176 = vector.bitcast %and3A_1175 : vector<16xi32> to vector<16xf32>
        %add3A_1177 = arith.addf %scan3A_1088, %bitcast3A_1174 : vector<16xf32>
        %add3A_1178 = arith.addf %scan3A_1089, %bitcast3A_1176 : vector<16xf32>
        %add3A_1179 = arith.constant 50 : i32
        %add3A_1180 = arith.addi %add3A_1179, %scan3A_1075 : i32
        %get3A_1181 = arith.index_cast %add3A_1180 : i32 to index
        %get3A_1182 = arith.constant 112 : index
        %get3A_1183 = tpu.vector_load %arg7[%get3A_1181, %get3A_1182] {strides = array<i32>} : memref<104x128xi32, #tpu.memory_space<vmem>>, vector<16xi32>,
        %shift_left3A_1184 = arith.constant 16 : i32
        %shift_left3A_1185 = vector.broadcast %shift_left3A_1184 : i32 to vector<16xi32>
        %shift_left3A_1186 = arith.shli %get3A_1183, %shift_left3A_1185 : vector<16xi32>
        %bitcast3A_1187 = vector.bitcast %shift_left3A_1186 : vector<16xi32> to vector<16xf32>
        %and3A_1188 = arith.andi %get3A_1183, %broadcast_in_dim3A_1 : vector<16xi32>
        %bitcast3A_1189 = vector.bitcast %and3A_1188 : vector<16xi32> to vector<16xf32>
        %add3A_1190 = arith.addf %scan3A_1090, %bitcast3A_1187 : vector<16xf32>
        %add3A_1191 = arith.addf %scan3A_1091, %bitcast3A_1189 : vector<16xf32>
        scf.yield %add3A_1099, %add3A_1100, %add3A_1112, %add3A_1113, %add3A_1125, %add3A_1126, %add3A_1138, %add3A_1139, %add3A_1151, %add3A_1152, %add3A_1164, %add3A_1165, %add3A_1177, %add3A_1178, %add3A_1190, %add3A_1191 : vector<16xf32>, vector<16xf32>, vector<16xf32>, vector<16xf32>, vector<16xf32>, vector<16xf32>, vector<16xf32>, vector<16xf32>, vector<16xf32>, vector<16xf32>, vector<16xf32>, vector<16xf32>, vector<16xf32>, vector<16xf32>, vector<16xf32>, vector<16xf32>
      }
      %scan3A_463 = arith.constant 50 : i32
      %add3A_464 = arith.constant 1 : i32
      %add3A_465 = arith.addi %mul3A_307, %add3A_464 : i32
      %swap3A_466 = arith.index_cast %add3A_465 : i32 to index
      %swap3A_467 = arith.constant 0 : index
      %swap3A_468 = tpu.vector_load %arg10[%swap3A_466, %swap3A_467] {strides = array<i32>} : memref<64x256xf32, #tpu.memory_space<vmem>>, vector<16xf32>,
      tpu.vector_store %arg10[%swap3A_466, %swap3A_467], %scan3A_462#0 {strides = array<i32>} : memref<64x256xf32, #tpu.memory_space<vmem>>, vector<16xf32>,
      %add3A_469 = arith.constant 1 : i32
      %add3A_470 = arith.addi %mul3A_307, %add3A_469 : i32
      %swap3A_471 = arith.index_cast %add3A_470 : i32 to index
      %swap3A_472 = arith.constant 16 : index
      %swap3A_473 = tpu.vector_load %arg10[%swap3A_471, %swap3A_472] {strides = array<i32>} : memref<64x256xf32, #tpu.memory_space<vmem>>, vector<16xf32>,
      tpu.vector_store %arg10[%swap3A_471, %swap3A_472], %scan3A_462#1 {strides = array<i32>} : memref<64x256xf32, #tpu.memory_space<vmem>>, vector<16xf32>,
      %add3A_474 = arith.constant 1 : i32
      %add3A_475 = arith.addi %mul3A_307, %add3A_474 : i32
      %swap3A_476 = arith.index_cast %add3A_475 : i32 to index
      %swap3A_477 = arith.constant 32 : index
      %swap3A_478 = tpu.vector_load %arg10[%swap3A_476, %swap3A_477] {strides = array<i32>} : memref<64x256xf32, #tpu.memory_space<vmem>>, vector<16xf32>,
      tpu.vector_store %arg10[%swap3A_476, %swap3A_477], %scan3A_462#2 {strides = array<i32>} : memref<64x256xf32, #tpu.memory_space<vmem>>, vector<16xf32>,
      %add3A_479 = arith.constant 1 : i32
      %add3A_480 = arith.addi %mul3A_307, %add3A_479 : i32
      %swap3A_481 = arith.index_cast %add3A_480 : i32 to index
      %swap3A_482 = arith.constant 48 : index
      %swap3A_483 = tpu.vector_load %arg10[%swap3A_481, %swap3A_482] {strides = array<i32>} : memref<64x256xf32, #tpu.memory_space<vmem>>, vector<16xf32>,
      tpu.vector_store %arg10[%swap3A_481, %swap3A_482], %scan3A_462#3 {strides = array<i32>} : memref<64x256xf32, #tpu.memory_space<vmem>>, vector<16xf32>,
      %add3A_484 = arith.constant 1 : i32
      %add3A_485 = arith.addi %mul3A_307, %add3A_484 : i32
      %swap3A_486 = arith.index_cast %add3A_485 : i32 to index
      %swap3A_487 = arith.constant 64 : index
      %swap3A_488 = tpu.vector_load %arg10[%swap3A_486, %swap3A_487] {strides = array<i32>} : memref<64x256xf32, #tpu.memory_space<vmem>>, vector<16xf32>,
      tpu.vector_store %arg10[%swap3A_486, %swap3A_487], %scan3A_462#4 {strides = array<i32>} : memref<64x256xf32, #tpu.memory_space<vmem>>, vector<16xf32>,
      %add3A_489 = arith.constant 1 : i32
      %add3A_490 = arith.addi %mul3A_307, %add3A_489 : i32
      %swap3A_491 = arith.index_cast %add3A_490 : i32 to index
      %swap3A_492 = arith.constant 80 : index
      %swap3A_493 = tpu.vector_load %arg10[%swap3A_491, %swap3A_492] {strides = array<i32>} : memref<64x256xf32, #tpu.memory_space<vmem>>, vector<16xf32>,
      tpu.vector_store %arg10[%swap3A_491, %swap3A_492], %scan3A_462#5 {strides = array<i32>} : memref<64x256xf32, #tpu.memory_space<vmem>>, vector<16xf32>,
      %add3A_494 = arith.constant 1 : i32
      %add3A_495 = arith.addi %mul3A_307, %add3A_494 : i32
      %swap3A_496 = arith.index_cast %add3A_495 : i32 to index
      %swap3A_497 = arith.constant 96 : index
      %swap3A_498 = tpu.vector_load %arg10[%swap3A_496, %swap3A_497] {strides = array<i32>} : memref<64x256xf32, #tpu.memory_space<vmem>>, vector<16xf32>,
      tpu.vector_store %arg10[%swap3A_496, %swap3A_497], %scan3A_462#6 {strides = array<i32>} : memref<64x256xf32, #tpu.memory_space<vmem>>, vector<16xf32>,
      %add3A_499 = arith.constant 1 : i32
      %add3A_500 = arith.addi %mul3A_307, %add3A_499 : i32
      %swap3A_501 = arith.index_cast %add3A_500 : i32 to index
      %swap3A_502 = arith.constant 112 : index
      %swap3A_503 = tpu.vector_load %arg10[%swap3A_501, %swap3A_502] {strides = array<i32>} : memref<64x256xf32, #tpu.memory_space<vmem>>, vector<16xf32>,
      tpu.vector_store %arg10[%swap3A_501, %swap3A_502], %scan3A_462#7 {strides = array<i32>} : memref<64x256xf32, #tpu.memory_space<vmem>>, vector<16xf32>,
      %add3A_504 = arith.constant 1 : i32
      %add3A_505 = arith.addi %mul3A_307, %add3A_504 : i32
      %swap3A_506 = arith.index_cast %add3A_505 : i32 to index
      %swap3A_507 = arith.constant 128 : index
      %swap3A_508 = tpu.vector_load %arg10[%swap3A_506, %swap3A_507] {strides = array<i32>} : memref<64x256xf32, #tpu.memory_space<vmem>>, vector<16xf32>,
      tpu.vector_store %arg10[%swap3A_506, %swap3A_507], %scan3A_462#8 {strides = array<i32>} : memref<64x256xf32, #tpu.memory_space<vmem>>, vector<16xf32>,
      %add3A_509 = arith.constant 1 : i32
      %add3A_510 = arith.addi %mul3A_307, %add3A_509 : i32
      %swap3A_511 = arith.index_cast %add3A_510 : i32 to index
      %swap3A_512 = arith.constant 144 : index
      %swap3A_513 = tpu.vector_load %arg10[%swap3A_511, %swap3A_512] {strides = array<i32>} : memref<64x256xf32, #tpu.memory_space<vmem>>, vector<16xf32>,
      tpu.vector_store %arg10[%swap3A_511, %swap3A_512], %scan3A_462#9 {strides = array<i32>} : memref<64x256xf32, #tpu.memory_space<vmem>>, vector<16xf32>,
      %add3A_514 = arith.constant 1 : i32
      %add3A_515 = arith.addi %mul3A_307, %add3A_514 : i32
      %swap3A_516 = arith.index_cast %add3A_515 : i32 to index
      %swap3A_517 = arith.constant 160 : index
      %swap3A_518 = tpu.vector_load %arg10[%swap3A_516, %swap3A_517] {strides = array<i32>} : memref<64x256xf32, #tpu.memory_space<vmem>>, vector<16xf32>,
      tpu.vector_store %arg10[%swap3A_516, %swap3A_517], %scan3A_462#10 {strides = array<i32>} : memref<64x256xf32, #tpu.memory_space<vmem>>, vector<16xf32>,
      %add3A_519 = arith.constant 1 : i32
      %add3A_520 = arith.addi %mul3A_307, %add3A_519 : i32
      %swap3A_521 = arith.index_cast %add3A_520 : i32 to index
      %swap3A_522 = arith.constant 176 : index
      %swap3A_523 = tpu.vector_load %arg10[%swap3A_521, %swap3A_522] {strides = array<i32>} : memref<64x256xf32, #tpu.memory_space<vmem>>, vector<16xf32>,
      tpu.vector_store %arg10[%swap3A_521, %swap3A_522], %scan3A_462#11 {strides = array<i32>} : memref<64x256xf32, #tpu.memory_space<vmem>>, vector<16xf32>,
      %add3A_524 = arith.constant 1 : i32
      %add3A_525 = arith.addi %mul3A_307, %add3A_524 : i32
      %swap3A_526 = arith.index_cast %add3A_525 : i32 to index
      %swap3A_527 = arith.constant 192 : index
      %swap3A_528 = tpu.vector_load %arg10[%swap3A_526, %swap3A_527] {strides = array<i32>} : memref<64x256xf32, #tpu.memory_space<vmem>>, vector<16xf32>,
      tpu.vector_store %arg10[%swap3A_526, %swap3A_527], %scan3A_462#12 {strides = array<i32>} : memref<64x256xf32, #tpu.memory_space<vmem>>, vector<16xf32>,
      %add3A_529 = arith.constant 1 : i32
      %add3A_530 = arith.addi %mul3A_307, %add3A_529 : i32
      %swap3A_531 = arith.index_cast %add3A_530 : i32 to index
      %swap3A_532 = arith.constant 208 : index
      %swap3A_533 = tpu.vector_load %arg10[%swap3A_531, %swap3A_532] {strides = array<i32>} : memref<64x256xf32, #tpu.memory_space<vmem>>, vector<16xf32>,
      tpu.vector_store %arg10[%swap3A_531, %swap3A_532], %scan3A_462#13 {strides = array<i32>} : memref<64x256xf32, #tpu.memory_space<vmem>>, vector<16xf32>,
      %add3A_534 = arith.constant 1 : i32
      %add3A_535 = arith.addi %mul3A_307, %add3A_534 : i32
      %swap3A_536 = arith.index_cast %add3A_535 : i32 to index
      %swap3A_537 = arith.constant 224 : index
      %swap3A_538 = tpu.vector_load %arg10[%swap3A_536, %swap3A_537] {strides = array<i32>} : memref<64x256xf32, #tpu.memory_space<vmem>>, vector<16xf32>,
      tpu.vector_store %arg10[%swap3A_536, %swap3A_537], %scan3A_462#14 {strides = array<i32>} : memref<64x256xf32, #tpu.memory_space<vmem>>, vector<16xf32>,
      %add3A_539 = arith.constant 1 : i32
      %add3A_540 = arith.addi %mul3A_307, %add3A_539 : i32
      %swap3A_541 = arith.index_cast %add3A_540 : i32 to index
      %swap3A_542 = arith.constant 240 : index
      %swap3A_543 = tpu.vector_load %arg10[%swap3A_541, %swap3A_542] {strides = array<i32>} : memref<64x256xf32, #tpu.memory_space<vmem>>, vector<16xf32>,
      tpu.vector_store %arg10[%swap3A_541, %swap3A_542], %scan3A_462#15 {strides = array<i32>} : memref<64x256xf32, #tpu.memory_space<vmem>>, vector<16xf32>,
      %add3A_544 = arith.constant 4 : i32
      %add3A_545 = arith.addi %add3A_294, %add3A_544 : i32
      %lt3A_546 = arith.constant 256 : i32
      %lt3A_547 = arith.cmpi slt, %add3A_545, %lt3A_546 : i32
      %convert_element_type3A_548 = arith.extui %lt3A_547 : i1 to i32
      %cond3A_549 = arith.constant 0 : i32
      %cond3A_550 = arith.cmpi ne, %convert_element_type3A_548, %cond3A_549 : i32
      scf.if %cond3A_550 {
        %add3A_1075 = arith.constant 4 : i32
        %add3A_1076 = arith.addi %add3A_294, %add3A_1075 : i32
        %dma_start3A_1077 = arith.constant 0 : i32
        %dma_start3A_1078 = tpu.memref_slice %arg5[%add3A_1076, %dma_start3A_1077] : memref<256x104xi32, #tpu.memory_space<vmem>> -> memref<1x104xi32, #tpu.memory_space<vmem>>
        %dma_start3A_1079 = tpu.memref_squeeze %dma_start3A_1078 : memref<1x104xi32, #tpu.memory_space<vmem>> -> memref<104xi32, #tpu.memory_space<vmem>>
        %dma_start3A_1080 = arith.constant 0 : i32
        %dma_start3A_1081 = arith.constant 0 : i32
        %dma_start3A_1082 = tpu.memref_slice %arg2[%dma_start3A_1080, %dma_start3A_1081] : memref<90240x128xi32, #tpu.memory_space<hbm>> -> memref<90240x128xi32, #tpu.memory_space<hbm>>
        tpu.enqueue_indirect_dma source(%dma_start3A_1082 : memref<90240x128xi32, #tpu.memory_space<hbm>>) target(%arg7 : memref<104x128xi32, #tpu.memory_space<vmem>>) offsets(%dma_start3A_1079 : memref<104xi32, #tpu.memory_space<vmem>>) semaphore(%arg12 : memref<!tpu.dma_semaphore, #tpu.memory_space<semaphore_mem>>)
      } else {
      }
      %mul3A_551 = arith.constant 4 : i32
      %mul3A_552 = arith.muli %mul3A_551, %scan3A_34 : i32
      %add3A_553 = arith.constant 2 : i32
      %add3A_554 = arith.addi %mul3A_552, %add3A_553 : i32
      %dma_wait3A_555 = arith.constant 0 : i32
      %dma_wait3A_556 = arith.constant 0 : i32
      %dma_wait3A_557 = tpu.memref_slice %arg5[%dma_wait3A_555, %dma_wait3A_556] : memref<256x104xi32, #tpu.memory_space<vmem>> -> memref<1x104xi32, #tpu.memory_space<vmem>>
      %dma_wait3A_558 = tpu.memref_squeeze %dma_wait3A_557 : memref<1x104xi32, #tpu.memory_space<vmem>> -> memref<104xi32, #tpu.memory_space<vmem>>
      %dma_wait3A_559 = arith.constant 0 : i32
      %dma_wait3A_560 = arith.constant 0 : i32
      %dma_wait3A_561 = tpu.memref_slice %arg2[%dma_wait3A_559, %dma_wait3A_560] : memref<90240x128xi32, #tpu.memory_space<hbm>> -> memref<90240x128xi32, #tpu.memory_space<hbm>>
      tpu.wait_indirect_dma semaphore(%arg13 : memref<!tpu.dma_semaphore, #tpu.memory_space<semaphore_mem>>) src(%dma_wait3A_561 : memref<90240x128xi32, #tpu.memory_space<hbm>>) dst(%arg8 : memref<104x128xi32, #tpu.memory_space<vmem>>)
      %mul3A_562 = arith.constant 4 : i32
      %mul3A_563 = arith.muli %mul3A_562, %rem3A_35 : i32
      %add3A_564 = arith.constant 2 : i32
      %add3A_565 = arith.addi %mul3A_563, %add3A_564 : i32
      %mul3A_566 = arith.constant 2 : i32
      %mul3A_567 = arith.muli %mul3A_566, %add3A_565 : i32
      %broadcast_in_dim3A_568 = arith.constant 0.000000e+00 : f32
      %broadcast_in_dim3A_569 = vector.broadcast %broadcast_in_dim3A_568 : f32 to vector<16xf32>
      %broadcast_in_dim3A_570 = arith.constant 0.000000e+00 : f32
      %broadcast_in_dim3A_571 = vector.broadcast %broadcast_in_dim3A_570 : f32 to vector<16xf32>
      %broadcast_in_dim3A_572 = arith.constant 0.000000e+00 : f32
      %broadcast_in_dim3A_573 = vector.broadcast %broadcast_in_dim3A_572 : f32 to vector<16xf32>
      %broadcast_in_dim3A_574 = arith.constant 0.000000e+00 : f32
      %broadcast_in_dim3A_575 = vector.broadcast %broadcast_in_dim3A_574 : f32 to vector<16xf32>
      %broadcast_in_dim3A_576 = arith.constant 0.000000e+00 : f32
      %broadcast_in_dim3A_577 = vector.broadcast %broadcast_in_dim3A_576 : f32 to vector<16xf32>
      %broadcast_in_dim3A_578 = arith.constant 0.000000e+00 : f32
      %broadcast_in_dim3A_579 = vector.broadcast %broadcast_in_dim3A_578 : f32 to vector<16xf32>
      %broadcast_in_dim3A_580 = arith.constant 0.000000e+00 : f32
      %broadcast_in_dim3A_581 = vector.broadcast %broadcast_in_dim3A_580 : f32 to vector<16xf32>
      %broadcast_in_dim3A_582 = arith.constant 0.000000e+00 : f32
      %broadcast_in_dim3A_583 = vector.broadcast %broadcast_in_dim3A_582 : f32 to vector<16xf32>
      %broadcast_in_dim3A_584 = arith.constant 0.000000e+00 : f32
      %broadcast_in_dim3A_585 = vector.broadcast %broadcast_in_dim3A_584 : f32 to vector<16xf32>
      %broadcast_in_dim3A_586 = arith.constant 0.000000e+00 : f32
      %broadcast_in_dim3A_587 = vector.broadcast %broadcast_in_dim3A_586 : f32 to vector<16xf32>
      %broadcast_in_dim3A_588 = arith.constant 0.000000e+00 : f32
      %broadcast_in_dim3A_589 = vector.broadcast %broadcast_in_dim3A_588 : f32 to vector<16xf32>
      %broadcast_in_dim3A_590 = arith.constant 0.000000e+00 : f32
      %broadcast_in_dim3A_591 = vector.broadcast %broadcast_in_dim3A_590 : f32 to vector<16xf32>
      %broadcast_in_dim3A_592 = arith.constant 0.000000e+00 : f32
      %broadcast_in_dim3A_593 = vector.broadcast %broadcast_in_dim3A_592 : f32 to vector<16xf32>
      %broadcast_in_dim3A_594 = arith.constant 0.000000e+00 : f32
      %broadcast_in_dim3A_595 = vector.broadcast %broadcast_in_dim3A_594 : f32 to vector<16xf32>
      %broadcast_in_dim3A_596 = arith.constant 0.000000e+00 : f32
      %broadcast_in_dim3A_597 = vector.broadcast %broadcast_in_dim3A_596 : f32 to vector<16xf32>
      %broadcast_in_dim3A_598 = arith.constant 0.000000e+00 : f32
      %broadcast_in_dim3A_599 = vector.broadcast %broadcast_in_dim3A_598 : f32 to vector<16xf32>
      %scan3A_600 = arith.constant 0 : i32
      %scan3A_601 = arith.constant 50 : i32
      %scan3A_602 = arith.addi %scan3A_600, %scan3A_601 : i32
      %scan3A_603 = arith.constant 1 : i32
      %scan3A_604:16 = scf.for %scan3A_1075 = %scan3A_600 to %scan3A_602 step %scan3A_603 iter_args(%scan3A_1076 = %broadcast_in_dim3A_569, %scan3A_1077 = %broadcast_in_dim3A_571, %scan3A_1078 = %broadcast_in_dim3A_573, %scan3A_1079 = %broadcast_in_dim3A_575, %scan3A_1080 = %broadcast_in_dim3A_577, %scan3A_1081 = %broadcast_in_dim3A_579, %scan3A_1082 = %broadcast_in_dim3A_581, %scan3A_1083 = %broadcast_in_dim3A_583, %scan3A_1084 = %broadcast_in_dim3A_585, %scan3A_1085 = %broadcast_in_dim3A_587, %scan3A_1086 = %broadcast_in_dim3A_589, %scan3A_1087 = %broadcast_in_dim3A_591, %scan3A_1088 = %broadcast_in_dim3A_593, %scan3A_1089 = %broadcast_in_dim3A_595, %scan3A_1090 = %broadcast_in_dim3A_597, %scan3A_1091 = %broadcast_in_dim3A_599) -> (vector<16xf32>, vector<16xf32>, vector<16xf32>, vector<16xf32>, vector<16xf32>, vector<16xf32>, vector<16xf32>, vector<16xf32>, vector<16xf32>, vector<16xf32>, vector<16xf32>, vector<16xf32>, vector<16xf32>, vector<16xf32>, vector<16xf32>, vector<16xf32>)  : i32 {
        %add3A_1092 = arith.constant 0 : i32
        %add3A_1093 = arith.addi %add3A_1092, %scan3A_1075 : i32
        %get3A = arith.index_cast %add3A_1093 : i32 to index
        %get3A_1094 = arith.constant 0 : index
        %get3A_1095 = tpu.vector_load %arg8[%get3A, %get3A_1094] {strides = array<i32>} : memref<104x128xi32, #tpu.memory_space<vmem>>, vector<16xi32>,
        %shift_left3A = arith.constant 16 : i32
        %shift_left3A_1096 = vector.broadcast %shift_left3A : i32 to vector<16xi32>
        %shift_left3A_1097 = arith.shli %get3A_1095, %shift_left3A_1096 : vector<16xi32>
        %bitcast3A = vector.bitcast %shift_left3A_1097 : vector<16xi32> to vector<16xf32>
        %and3A = arith.andi %get3A_1095, %broadcast_in_dim3A_1 : vector<16xi32>
        %bitcast3A_1098 = vector.bitcast %and3A : vector<16xi32> to vector<16xf32>
        %add3A_1099 = arith.addf %scan3A_1076, %bitcast3A : vector<16xf32>
        %add3A_1100 = arith.addf %scan3A_1077, %bitcast3A_1098 : vector<16xf32>
        %add3A_1101 = arith.constant 0 : i32
        %add3A_1102 = arith.addi %add3A_1101, %scan3A_1075 : i32
        %get3A_1103 = arith.index_cast %add3A_1102 : i32 to index
        %get3A_1104 = arith.constant 16 : index
        %get3A_1105 = tpu.vector_load %arg8[%get3A_1103, %get3A_1104] {strides = array<i32>} : memref<104x128xi32, #tpu.memory_space<vmem>>, vector<16xi32>,
        %shift_left3A_1106 = arith.constant 16 : i32
        %shift_left3A_1107 = vector.broadcast %shift_left3A_1106 : i32 to vector<16xi32>
        %shift_left3A_1108 = arith.shli %get3A_1105, %shift_left3A_1107 : vector<16xi32>
        %bitcast3A_1109 = vector.bitcast %shift_left3A_1108 : vector<16xi32> to vector<16xf32>
        %and3A_1110 = arith.andi %get3A_1105, %broadcast_in_dim3A_1 : vector<16xi32>
        %bitcast3A_1111 = vector.bitcast %and3A_1110 : vector<16xi32> to vector<16xf32>
        %add3A_1112 = arith.addf %scan3A_1078, %bitcast3A_1109 : vector<16xf32>
        %add3A_1113 = arith.addf %scan3A_1079, %bitcast3A_1111 : vector<16xf32>
        %add3A_1114 = arith.constant 0 : i32
        %add3A_1115 = arith.addi %add3A_1114, %scan3A_1075 : i32
        %get3A_1116 = arith.index_cast %add3A_1115 : i32 to index
        %get3A_1117 = arith.constant 32 : index
        %get3A_1118 = tpu.vector_load %arg8[%get3A_1116, %get3A_1117] {strides = array<i32>} : memref<104x128xi32, #tpu.memory_space<vmem>>, vector<16xi32>,
        %shift_left3A_1119 = arith.constant 16 : i32
        %shift_left3A_1120 = vector.broadcast %shift_left3A_1119 : i32 to vector<16xi32>
        %shift_left3A_1121 = arith.shli %get3A_1118, %shift_left3A_1120 : vector<16xi32>
        %bitcast3A_1122 = vector.bitcast %shift_left3A_1121 : vector<16xi32> to vector<16xf32>
        %and3A_1123 = arith.andi %get3A_1118, %broadcast_in_dim3A_1 : vector<16xi32>
        %bitcast3A_1124 = vector.bitcast %and3A_1123 : vector<16xi32> to vector<16xf32>
        %add3A_1125 = arith.addf %scan3A_1080, %bitcast3A_1122 : vector<16xf32>
        %add3A_1126 = arith.addf %scan3A_1081, %bitcast3A_1124 : vector<16xf32>
        %add3A_1127 = arith.constant 0 : i32
        %add3A_1128 = arith.addi %add3A_1127, %scan3A_1075 : i32
        %get3A_1129 = arith.index_cast %add3A_1128 : i32 to index
        %get3A_1130 = arith.constant 48 : index
        %get3A_1131 = tpu.vector_load %arg8[%get3A_1129, %get3A_1130] {strides = array<i32>} : memref<104x128xi32, #tpu.memory_space<vmem>>, vector<16xi32>,
        %shift_left3A_1132 = arith.constant 16 : i32
        %shift_left3A_1133 = vector.broadcast %shift_left3A_1132 : i32 to vector<16xi32>
        %shift_left3A_1134 = arith.shli %get3A_1131, %shift_left3A_1133 : vector<16xi32>
        %bitcast3A_1135 = vector.bitcast %shift_left3A_1134 : vector<16xi32> to vector<16xf32>
        %and3A_1136 = arith.andi %get3A_1131, %broadcast_in_dim3A_1 : vector<16xi32>
        %bitcast3A_1137 = vector.bitcast %and3A_1136 : vector<16xi32> to vector<16xf32>
        %add3A_1138 = arith.addf %scan3A_1082, %bitcast3A_1135 : vector<16xf32>
        %add3A_1139 = arith.addf %scan3A_1083, %bitcast3A_1137 : vector<16xf32>
        %add3A_1140 = arith.constant 0 : i32
        %add3A_1141 = arith.addi %add3A_1140, %scan3A_1075 : i32
        %get3A_1142 = arith.index_cast %add3A_1141 : i32 to index
        %get3A_1143 = arith.constant 64 : index
        %get3A_1144 = tpu.vector_load %arg8[%get3A_1142, %get3A_1143] {strides = array<i32>} : memref<104x128xi32, #tpu.memory_space<vmem>>, vector<16xi32>,
        %shift_left3A_1145 = arith.constant 16 : i32
        %shift_left3A_1146 = vector.broadcast %shift_left3A_1145 : i32 to vector<16xi32>
        %shift_left3A_1147 = arith.shli %get3A_1144, %shift_left3A_1146 : vector<16xi32>
        %bitcast3A_1148 = vector.bitcast %shift_left3A_1147 : vector<16xi32> to vector<16xf32>
        %and3A_1149 = arith.andi %get3A_1144, %broadcast_in_dim3A_1 : vector<16xi32>
        %bitcast3A_1150 = vector.bitcast %and3A_1149 : vector<16xi32> to vector<16xf32>
        %add3A_1151 = arith.addf %scan3A_1084, %bitcast3A_1148 : vector<16xf32>
        %add3A_1152 = arith.addf %scan3A_1085, %bitcast3A_1150 : vector<16xf32>
        %add3A_1153 = arith.constant 0 : i32
        %add3A_1154 = arith.addi %add3A_1153, %scan3A_1075 : i32
        %get3A_1155 = arith.index_cast %add3A_1154 : i32 to index
        %get3A_1156 = arith.constant 80 : index
        %get3A_1157 = tpu.vector_load %arg8[%get3A_1155, %get3A_1156] {strides = array<i32>} : memref<104x128xi32, #tpu.memory_space<vmem>>, vector<16xi32>,
        %shift_left3A_1158 = arith.constant 16 : i32
        %shift_left3A_1159 = vector.broadcast %shift_left3A_1158 : i32 to vector<16xi32>
        %shift_left3A_1160 = arith.shli %get3A_1157, %shift_left3A_1159 : vector<16xi32>
        %bitcast3A_1161 = vector.bitcast %shift_left3A_1160 : vector<16xi32> to vector<16xf32>
        %and3A_1162 = arith.andi %get3A_1157, %broadcast_in_dim3A_1 : vector<16xi32>
        %bitcast3A_1163 = vector.bitcast %and3A_1162 : vector<16xi32> to vector<16xf32>
        %add3A_1164 = arith.addf %scan3A_1086, %bitcast3A_1161 : vector<16xf32>
        %add3A_1165 = arith.addf %scan3A_1087, %bitcast3A_1163 : vector<16xf32>
        %add3A_1166 = arith.constant 0 : i32
        %add3A_1167 = arith.addi %add3A_1166, %scan3A_1075 : i32
        %get3A_1168 = arith.index_cast %add3A_1167 : i32 to index
        %get3A_1169 = arith.constant 96 : index
        %get3A_1170 = tpu.vector_load %arg8[%get3A_1168, %get3A_1169] {strides = array<i32>} : memref<104x128xi32, #tpu.memory_space<vmem>>, vector<16xi32>,
        %shift_left3A_1171 = arith.constant 16 : i32
        %shift_left3A_1172 = vector.broadcast %shift_left3A_1171 : i32 to vector<16xi32>
        %shift_left3A_1173 = arith.shli %get3A_1170, %shift_left3A_1172 : vector<16xi32>
        %bitcast3A_1174 = vector.bitcast %shift_left3A_1173 : vector<16xi32> to vector<16xf32>
        %and3A_1175 = arith.andi %get3A_1170, %broadcast_in_dim3A_1 : vector<16xi32>
        %bitcast3A_1176 = vector.bitcast %and3A_1175 : vector<16xi32> to vector<16xf32>
        %add3A_1177 = arith.addf %scan3A_1088, %bitcast3A_1174 : vector<16xf32>
        %add3A_1178 = arith.addf %scan3A_1089, %bitcast3A_1176 : vector<16xf32>
        %add3A_1179 = arith.constant 0 : i32
        %add3A_1180 = arith.addi %add3A_1179, %scan3A_1075 : i32
        %get3A_1181 = arith.index_cast %add3A_1180 : i32 to index
        %get3A_1182 = arith.constant 112 : index
        %get3A_1183 = tpu.vector_load %arg8[%get3A_1181, %get3A_1182] {strides = array<i32>} : memref<104x128xi32, #tpu.memory_space<vmem>>, vector<16xi32>,
        %shift_left3A_1184 = arith.constant 16 : i32
        %shift_left3A_1185 = vector.broadcast %shift_left3A_1184 : i32 to vector<16xi32>
        %shift_left3A_1186 = arith.shli %get3A_1183, %shift_left3A_1185 : vector<16xi32>
        %bitcast3A_1187 = vector.bitcast %shift_left3A_1186 : vector<16xi32> to vector<16xf32>
        %and3A_1188 = arith.andi %get3A_1183, %broadcast_in_dim3A_1 : vector<16xi32>
        %bitcast3A_1189 = vector.bitcast %and3A_1188 : vector<16xi32> to vector<16xf32>
        %add3A_1190 = arith.addf %scan3A_1090, %bitcast3A_1187 : vector<16xf32>
        %add3A_1191 = arith.addf %scan3A_1091, %bitcast3A_1189 : vector<16xf32>
        scf.yield %add3A_1099, %add3A_1100, %add3A_1112, %add3A_1113, %add3A_1125, %add3A_1126, %add3A_1138, %add3A_1139, %add3A_1151, %add3A_1152, %add3A_1164, %add3A_1165, %add3A_1177, %add3A_1178, %add3A_1190, %add3A_1191 : vector<16xf32>, vector<16xf32>, vector<16xf32>, vector<16xf32>, vector<16xf32>, vector<16xf32>, vector<16xf32>, vector<16xf32>, vector<16xf32>, vector<16xf32>, vector<16xf32>, vector<16xf32>, vector<16xf32>, vector<16xf32>, vector<16xf32>, vector<16xf32>
      }
      %scan3A_605 = arith.constant 50 : i32
      %add3A_606 = arith.constant 0 : i32
      %add3A_607 = arith.addi %mul3A_567, %add3A_606 : i32
      %swap3A_608 = arith.index_cast %add3A_607 : i32 to index
      %swap3A_609 = arith.constant 0 : index
      %swap3A_610 = tpu.vector_load %arg10[%swap3A_608, %swap3A_609] {strides = array<i32>} : memref<64x256xf32, #tpu.memory_space<vmem>>, vector<16xf32>,
      tpu.vector_store %arg10[%swap3A_608, %swap3A_609], %scan3A_604#0 {strides = array<i32>} : memref<64x256xf32, #tpu.memory_space<vmem>>, vector<16xf32>,
      %add3A_611 = arith.constant 0 : i32
      %add3A_612 = arith.addi %mul3A_567, %add3A_611 : i32
      %swap3A_613 = arith.index_cast %add3A_612 : i32 to index
      %swap3A_614 = arith.constant 16 : index
      %swap3A_615 = tpu.vector_load %arg10[%swap3A_613, %swap3A_614] {strides = array<i32>} : memref<64x256xf32, #tpu.memory_space<vmem>>, vector<16xf32>,
      tpu.vector_store %arg10[%swap3A_613, %swap3A_614], %scan3A_604#1 {strides = array<i32>} : memref<64x256xf32, #tpu.memory_space<vmem>>, vector<16xf32>,
      %add3A_616 = arith.constant 0 : i32
      %add3A_617 = arith.addi %mul3A_567, %add3A_616 : i32
      %swap3A_618 = arith.index_cast %add3A_617 : i32 to index
      %swap3A_619 = arith.constant 32 : index
      %swap3A_620 = tpu.vector_load %arg10[%swap3A_618, %swap3A_619] {strides = array<i32>} : memref<64x256xf32, #tpu.memory_space<vmem>>, vector<16xf32>,
      tpu.vector_store %arg10[%swap3A_618, %swap3A_619], %scan3A_604#2 {strides = array<i32>} : memref<64x256xf32, #tpu.memory_space<vmem>>, vector<16xf32>,
      %add3A_621 = arith.constant 0 : i32
      %add3A_622 = arith.addi %mul3A_567, %add3A_621 : i32
      %swap3A_623 = arith.index_cast %add3A_622 : i32 to index
      %swap3A_624 = arith.constant 48 : index
      %swap3A_625 = tpu.vector_load %arg10[%swap3A_623, %swap3A_624] {strides = array<i32>} : memref<64x256xf32, #tpu.memory_space<vmem>>, vector<16xf32>,
      tpu.vector_store %arg10[%swap3A_623, %swap3A_624], %scan3A_604#3 {strides = array<i32>} : memref<64x256xf32, #tpu.memory_space<vmem>>, vector<16xf32>,
      %add3A_626 = arith.constant 0 : i32
      %add3A_627 = arith.addi %mul3A_567, %add3A_626 : i32
      %swap3A_628 = arith.index_cast %add3A_627 : i32 to index
      %swap3A_629 = arith.constant 64 : index
      %swap3A_630 = tpu.vector_load %arg10[%swap3A_628, %swap3A_629] {strides = array<i32>} : memref<64x256xf32, #tpu.memory_space<vmem>>, vector<16xf32>,
      tpu.vector_store %arg10[%swap3A_628, %swap3A_629], %scan3A_604#4 {strides = array<i32>} : memref<64x256xf32, #tpu.memory_space<vmem>>, vector<16xf32>,
      %add3A_631 = arith.constant 0 : i32
      %add3A_632 = arith.addi %mul3A_567, %add3A_631 : i32
      %swap3A_633 = arith.index_cast %add3A_632 : i32 to index
      %swap3A_634 = arith.constant 80 : index
      %swap3A_635 = tpu.vector_load %arg10[%swap3A_633, %swap3A_634] {strides = array<i32>} : memref<64x256xf32, #tpu.memory_space<vmem>>, vector<16xf32>,
      tpu.vector_store %arg10[%swap3A_633, %swap3A_634], %scan3A_604#5 {strides = array<i32>} : memref<64x256xf32, #tpu.memory_space<vmem>>, vector<16xf32>,
      %add3A_636 = arith.constant 0 : i32
      %add3A_637 = arith.addi %mul3A_567, %add3A_636 : i32
      %swap3A_638 = arith.index_cast %add3A_637 : i32 to index
      %swap3A_639 = arith.constant 96 : index
      %swap3A_640 = tpu.vector_load %arg10[%swap3A_638, %swap3A_639] {strides = array<i32>} : memref<64x256xf32, #tpu.memory_space<vmem>>, vector<16xf32>,
      tpu.vector_store %arg10[%swap3A_638, %swap3A_639], %scan3A_604#6 {strides = array<i32>} : memref<64x256xf32, #tpu.memory_space<vmem>>, vector<16xf32>,
      %add3A_641 = arith.constant 0 : i32
      %add3A_642 = arith.addi %mul3A_567, %add3A_641 : i32
      %swap3A_643 = arith.index_cast %add3A_642 : i32 to index
      %swap3A_644 = arith.constant 112 : index
      %swap3A_645 = tpu.vector_load %arg10[%swap3A_643, %swap3A_644] {strides = array<i32>} : memref<64x256xf32, #tpu.memory_space<vmem>>, vector<16xf32>,
      tpu.vector_store %arg10[%swap3A_643, %swap3A_644], %scan3A_604#7 {strides = array<i32>} : memref<64x256xf32, #tpu.memory_space<vmem>>, vector<16xf32>,
      %add3A_646 = arith.constant 0 : i32
      %add3A_647 = arith.addi %mul3A_567, %add3A_646 : i32
      %swap3A_648 = arith.index_cast %add3A_647 : i32 to index
      %swap3A_649 = arith.constant 128 : index
      %swap3A_650 = tpu.vector_load %arg10[%swap3A_648, %swap3A_649] {strides = array<i32>} : memref<64x256xf32, #tpu.memory_space<vmem>>, vector<16xf32>,
      tpu.vector_store %arg10[%swap3A_648, %swap3A_649], %scan3A_604#8 {strides = array<i32>} : memref<64x256xf32, #tpu.memory_space<vmem>>, vector<16xf32>,
      %add3A_651 = arith.constant 0 : i32
      %add3A_652 = arith.addi %mul3A_567, %add3A_651 : i32
      %swap3A_653 = arith.index_cast %add3A_652 : i32 to index
      %swap3A_654 = arith.constant 144 : index
      %swap3A_655 = tpu.vector_load %arg10[%swap3A_653, %swap3A_654] {strides = array<i32>} : memref<64x256xf32, #tpu.memory_space<vmem>>, vector<16xf32>,
      tpu.vector_store %arg10[%swap3A_653, %swap3A_654], %scan3A_604#9 {strides = array<i32>} : memref<64x256xf32, #tpu.memory_space<vmem>>, vector<16xf32>,
      %add3A_656 = arith.constant 0 : i32
      %add3A_657 = arith.addi %mul3A_567, %add3A_656 : i32
      %swap3A_658 = arith.index_cast %add3A_657 : i32 to index
      %swap3A_659 = arith.constant 160 : index
      %swap3A_660 = tpu.vector_load %arg10[%swap3A_658, %swap3A_659] {strides = array<i32>} : memref<64x256xf32, #tpu.memory_space<vmem>>, vector<16xf32>,
      tpu.vector_store %arg10[%swap3A_658, %swap3A_659], %scan3A_604#10 {strides = array<i32>} : memref<64x256xf32, #tpu.memory_space<vmem>>, vector<16xf32>,
      %add3A_661 = arith.constant 0 : i32
      %add3A_662 = arith.addi %mul3A_567, %add3A_661 : i32
      %swap3A_663 = arith.index_cast %add3A_662 : i32 to index
      %swap3A_664 = arith.constant 176 : index
      %swap3A_665 = tpu.vector_load %arg10[%swap3A_663, %swap3A_664] {strides = array<i32>} : memref<64x256xf32, #tpu.memory_space<vmem>>, vector<16xf32>,
      tpu.vector_store %arg10[%swap3A_663, %swap3A_664], %scan3A_604#11 {strides = array<i32>} : memref<64x256xf32, #tpu.memory_space<vmem>>, vector<16xf32>,
      %add3A_666 = arith.constant 0 : i32
      %add3A_667 = arith.addi %mul3A_567, %add3A_666 : i32
      %swap3A_668 = arith.index_cast %add3A_667 : i32 to index
      %swap3A_669 = arith.constant 192 : index
      %swap3A_670 = tpu.vector_load %arg10[%swap3A_668, %swap3A_669] {strides = array<i32>} : memref<64x256xf32, #tpu.memory_space<vmem>>, vector<16xf32>,
      tpu.vector_store %arg10[%swap3A_668, %swap3A_669], %scan3A_604#12 {strides = array<i32>} : memref<64x256xf32, #tpu.memory_space<vmem>>, vector<16xf32>,
      %add3A_671 = arith.constant 0 : i32
      %add3A_672 = arith.addi %mul3A_567, %add3A_671 : i32
      %swap3A_673 = arith.index_cast %add3A_672 : i32 to index
      %swap3A_674 = arith.constant 208 : index
      %swap3A_675 = tpu.vector_load %arg10[%swap3A_673, %swap3A_674] {strides = array<i32>} : memref<64x256xf32, #tpu.memory_space<vmem>>, vector<16xf32>,
      tpu.vector_store %arg10[%swap3A_673, %swap3A_674], %scan3A_604#13 {strides = array<i32>} : memref<64x256xf32, #tpu.memory_space<vmem>>, vector<16xf32>,
      %add3A_676 = arith.constant 0 : i32
      %add3A_677 = arith.addi %mul3A_567, %add3A_676 : i32
      %swap3A_678 = arith.index_cast %add3A_677 : i32 to index
      %swap3A_679 = arith.constant 224 : index
      %swap3A_680 = tpu.vector_load %arg10[%swap3A_678, %swap3A_679] {strides = array<i32>} : memref<64x256xf32, #tpu.memory_space<vmem>>, vector<16xf32>,
      tpu.vector_store %arg10[%swap3A_678, %swap3A_679], %scan3A_604#14 {strides = array<i32>} : memref<64x256xf32, #tpu.memory_space<vmem>>, vector<16xf32>,
      %add3A_681 = arith.constant 0 : i32
      %add3A_682 = arith.addi %mul3A_567, %add3A_681 : i32
      %swap3A_683 = arith.index_cast %add3A_682 : i32 to index
      %swap3A_684 = arith.constant 240 : index
      %swap3A_685 = tpu.vector_load %arg10[%swap3A_683, %swap3A_684] {strides = array<i32>} : memref<64x256xf32, #tpu.memory_space<vmem>>, vector<16xf32>,
      tpu.vector_store %arg10[%swap3A_683, %swap3A_684], %scan3A_604#15 {strides = array<i32>} : memref<64x256xf32, #tpu.memory_space<vmem>>, vector<16xf32>,
      %broadcast_in_dim3A_686 = arith.constant 0.000000e+00 : f32
      %broadcast_in_dim3A_687 = vector.broadcast %broadcast_in_dim3A_686 : f32 to vector<16xf32>
      %broadcast_in_dim3A_688 = arith.constant 0.000000e+00 : f32
      %broadcast_in_dim3A_689 = vector.broadcast %broadcast_in_dim3A_688 : f32 to vector<16xf32>
      %broadcast_in_dim3A_690 = arith.constant 0.000000e+00 : f32
      %broadcast_in_dim3A_691 = vector.broadcast %broadcast_in_dim3A_690 : f32 to vector<16xf32>
      %broadcast_in_dim3A_692 = arith.constant 0.000000e+00 : f32
      %broadcast_in_dim3A_693 = vector.broadcast %broadcast_in_dim3A_692 : f32 to vector<16xf32>
      %broadcast_in_dim3A_694 = arith.constant 0.000000e+00 : f32
      %broadcast_in_dim3A_695 = vector.broadcast %broadcast_in_dim3A_694 : f32 to vector<16xf32>
      %broadcast_in_dim3A_696 = arith.constant 0.000000e+00 : f32
      %broadcast_in_dim3A_697 = vector.broadcast %broadcast_in_dim3A_696 : f32 to vector<16xf32>
      %broadcast_in_dim3A_698 = arith.constant 0.000000e+00 : f32
      %broadcast_in_dim3A_699 = vector.broadcast %broadcast_in_dim3A_698 : f32 to vector<16xf32>
      %broadcast_in_dim3A_700 = arith.constant 0.000000e+00 : f32
      %broadcast_in_dim3A_701 = vector.broadcast %broadcast_in_dim3A_700 : f32 to vector<16xf32>
      %broadcast_in_dim3A_702 = arith.constant 0.000000e+00 : f32
      %broadcast_in_dim3A_703 = vector.broadcast %broadcast_in_dim3A_702 : f32 to vector<16xf32>
      %broadcast_in_dim3A_704 = arith.constant 0.000000e+00 : f32
      %broadcast_in_dim3A_705 = vector.broadcast %broadcast_in_dim3A_704 : f32 to vector<16xf32>
      %broadcast_in_dim3A_706 = arith.constant 0.000000e+00 : f32
      %broadcast_in_dim3A_707 = vector.broadcast %broadcast_in_dim3A_706 : f32 to vector<16xf32>
      %broadcast_in_dim3A_708 = arith.constant 0.000000e+00 : f32
      %broadcast_in_dim3A_709 = vector.broadcast %broadcast_in_dim3A_708 : f32 to vector<16xf32>
      %broadcast_in_dim3A_710 = arith.constant 0.000000e+00 : f32
      %broadcast_in_dim3A_711 = vector.broadcast %broadcast_in_dim3A_710 : f32 to vector<16xf32>
      %broadcast_in_dim3A_712 = arith.constant 0.000000e+00 : f32
      %broadcast_in_dim3A_713 = vector.broadcast %broadcast_in_dim3A_712 : f32 to vector<16xf32>
      %broadcast_in_dim3A_714 = arith.constant 0.000000e+00 : f32
      %broadcast_in_dim3A_715 = vector.broadcast %broadcast_in_dim3A_714 : f32 to vector<16xf32>
      %broadcast_in_dim3A_716 = arith.constant 0.000000e+00 : f32
      %broadcast_in_dim3A_717 = vector.broadcast %broadcast_in_dim3A_716 : f32 to vector<16xf32>
      %scan3A_718 = arith.constant 0 : i32
      %scan3A_719 = arith.constant 50 : i32
      %scan3A_720 = arith.addi %scan3A_718, %scan3A_719 : i32
      %scan3A_721 = arith.constant 1 : i32
      %scan3A_722:16 = scf.for %scan3A_1075 = %scan3A_718 to %scan3A_720 step %scan3A_721 iter_args(%scan3A_1076 = %broadcast_in_dim3A_687, %scan3A_1077 = %broadcast_in_dim3A_689, %scan3A_1078 = %broadcast_in_dim3A_691, %scan3A_1079 = %broadcast_in_dim3A_693, %scan3A_1080 = %broadcast_in_dim3A_695, %scan3A_1081 = %broadcast_in_dim3A_697, %scan3A_1082 = %broadcast_in_dim3A_699, %scan3A_1083 = %broadcast_in_dim3A_701, %scan3A_1084 = %broadcast_in_dim3A_703, %scan3A_1085 = %broadcast_in_dim3A_705, %scan3A_1086 = %broadcast_in_dim3A_707, %scan3A_1087 = %broadcast_in_dim3A_709, %scan3A_1088 = %broadcast_in_dim3A_711, %scan3A_1089 = %broadcast_in_dim3A_713, %scan3A_1090 = %broadcast_in_dim3A_715, %scan3A_1091 = %broadcast_in_dim3A_717) -> (vector<16xf32>, vector<16xf32>, vector<16xf32>, vector<16xf32>, vector<16xf32>, vector<16xf32>, vector<16xf32>, vector<16xf32>, vector<16xf32>, vector<16xf32>, vector<16xf32>, vector<16xf32>, vector<16xf32>, vector<16xf32>, vector<16xf32>, vector<16xf32>)  : i32 {
        %add3A_1092 = arith.constant 50 : i32
        %add3A_1093 = arith.addi %add3A_1092, %scan3A_1075 : i32
        %get3A = arith.index_cast %add3A_1093 : i32 to index
        %get3A_1094 = arith.constant 0 : index
        %get3A_1095 = tpu.vector_load %arg8[%get3A, %get3A_1094] {strides = array<i32>} : memref<104x128xi32, #tpu.memory_space<vmem>>, vector<16xi32>,
        %shift_left3A = arith.constant 16 : i32
        %shift_left3A_1096 = vector.broadcast %shift_left3A : i32 to vector<16xi32>
        %shift_left3A_1097 = arith.shli %get3A_1095, %shift_left3A_1096 : vector<16xi32>
        %bitcast3A = vector.bitcast %shift_left3A_1097 : vector<16xi32> to vector<16xf32>
        %and3A = arith.andi %get3A_1095, %broadcast_in_dim3A_1 : vector<16xi32>
        %bitcast3A_1098 = vector.bitcast %and3A : vector<16xi32> to vector<16xf32>
        %add3A_1099 = arith.addf %scan3A_1076, %bitcast3A : vector<16xf32>
        %add3A_1100 = arith.addf %scan3A_1077, %bitcast3A_1098 : vector<16xf32>
        %add3A_1101 = arith.constant 50 : i32
        %add3A_1102 = arith.addi %add3A_1101, %scan3A_1075 : i32
        %get3A_1103 = arith.index_cast %add3A_1102 : i32 to index
        %get3A_1104 = arith.constant 16 : index
        %get3A_1105 = tpu.vector_load %arg8[%get3A_1103, %get3A_1104] {strides = array<i32>} : memref<104x128xi32, #tpu.memory_space<vmem>>, vector<16xi32>,
        %shift_left3A_1106 = arith.constant 16 : i32
        %shift_left3A_1107 = vector.broadcast %shift_left3A_1106 : i32 to vector<16xi32>
        %shift_left3A_1108 = arith.shli %get3A_1105, %shift_left3A_1107 : vector<16xi32>
        %bitcast3A_1109 = vector.bitcast %shift_left3A_1108 : vector<16xi32> to vector<16xf32>
        %and3A_1110 = arith.andi %get3A_1105, %broadcast_in_dim3A_1 : vector<16xi32>
        %bitcast3A_1111 = vector.bitcast %and3A_1110 : vector<16xi32> to vector<16xf32>
        %add3A_1112 = arith.addf %scan3A_1078, %bitcast3A_1109 : vector<16xf32>
        %add3A_1113 = arith.addf %scan3A_1079, %bitcast3A_1111 : vector<16xf32>
        %add3A_1114 = arith.constant 50 : i32
        %add3A_1115 = arith.addi %add3A_1114, %scan3A_1075 : i32
        %get3A_1116 = arith.index_cast %add3A_1115 : i32 to index
        %get3A_1117 = arith.constant 32 : index
        %get3A_1118 = tpu.vector_load %arg8[%get3A_1116, %get3A_1117] {strides = array<i32>} : memref<104x128xi32, #tpu.memory_space<vmem>>, vector<16xi32>,
        %shift_left3A_1119 = arith.constant 16 : i32
        %shift_left3A_1120 = vector.broadcast %shift_left3A_1119 : i32 to vector<16xi32>
        %shift_left3A_1121 = arith.shli %get3A_1118, %shift_left3A_1120 : vector<16xi32>
        %bitcast3A_1122 = vector.bitcast %shift_left3A_1121 : vector<16xi32> to vector<16xf32>
        %and3A_1123 = arith.andi %get3A_1118, %broadcast_in_dim3A_1 : vector<16xi32>
        %bitcast3A_1124 = vector.bitcast %and3A_1123 : vector<16xi32> to vector<16xf32>
        %add3A_1125 = arith.addf %scan3A_1080, %bitcast3A_1122 : vector<16xf32>
        %add3A_1126 = arith.addf %scan3A_1081, %bitcast3A_1124 : vector<16xf32>
        %add3A_1127 = arith.constant 50 : i32
        %add3A_1128 = arith.addi %add3A_1127, %scan3A_1075 : i32
        %get3A_1129 = arith.index_cast %add3A_1128 : i32 to index
        %get3A_1130 = arith.constant 48 : index
        %get3A_1131 = tpu.vector_load %arg8[%get3A_1129, %get3A_1130] {strides = array<i32>} : memref<104x128xi32, #tpu.memory_space<vmem>>, vector<16xi32>,
        %shift_left3A_1132 = arith.constant 16 : i32
        %shift_left3A_1133 = vector.broadcast %shift_left3A_1132 : i32 to vector<16xi32>
        %shift_left3A_1134 = arith.shli %get3A_1131, %shift_left3A_1133 : vector<16xi32>
        %bitcast3A_1135 = vector.bitcast %shift_left3A_1134 : vector<16xi32> to vector<16xf32>
        %and3A_1136 = arith.andi %get3A_1131, %broadcast_in_dim3A_1 : vector<16xi32>
        %bitcast3A_1137 = vector.bitcast %and3A_1136 : vector<16xi32> to vector<16xf32>
        %add3A_1138 = arith.addf %scan3A_1082, %bitcast3A_1135 : vector<16xf32>
        %add3A_1139 = arith.addf %scan3A_1083, %bitcast3A_1137 : vector<16xf32>
        %add3A_1140 = arith.constant 50 : i32
        %add3A_1141 = arith.addi %add3A_1140, %scan3A_1075 : i32
        %get3A_1142 = arith.index_cast %add3A_1141 : i32 to index
        %get3A_1143 = arith.constant 64 : index
        %get3A_1144 = tpu.vector_load %arg8[%get3A_1142, %get3A_1143] {strides = array<i32>} : memref<104x128xi32, #tpu.memory_space<vmem>>, vector<16xi32>,
        %shift_left3A_1145 = arith.constant 16 : i32
        %shift_left3A_1146 = vector.broadcast %shift_left3A_1145 : i32 to vector<16xi32>
        %shift_left3A_1147 = arith.shli %get3A_1144, %shift_left3A_1146 : vector<16xi32>
        %bitcast3A_1148 = vector.bitcast %shift_left3A_1147 : vector<16xi32> to vector<16xf32>
        %and3A_1149 = arith.andi %get3A_1144, %broadcast_in_dim3A_1 : vector<16xi32>
        %bitcast3A_1150 = vector.bitcast %and3A_1149 : vector<16xi32> to vector<16xf32>
        %add3A_1151 = arith.addf %scan3A_1084, %bitcast3A_1148 : vector<16xf32>
        %add3A_1152 = arith.addf %scan3A_1085, %bitcast3A_1150 : vector<16xf32>
        %add3A_1153 = arith.constant 50 : i32
        %add3A_1154 = arith.addi %add3A_1153, %scan3A_1075 : i32
        %get3A_1155 = arith.index_cast %add3A_1154 : i32 to index
        %get3A_1156 = arith.constant 80 : index
        %get3A_1157 = tpu.vector_load %arg8[%get3A_1155, %get3A_1156] {strides = array<i32>} : memref<104x128xi32, #tpu.memory_space<vmem>>, vector<16xi32>,
        %shift_left3A_1158 = arith.constant 16 : i32
        %shift_left3A_1159 = vector.broadcast %shift_left3A_1158 : i32 to vector<16xi32>
        %shift_left3A_1160 = arith.shli %get3A_1157, %shift_left3A_1159 : vector<16xi32>
        %bitcast3A_1161 = vector.bitcast %shift_left3A_1160 : vector<16xi32> to vector<16xf32>
        %and3A_1162 = arith.andi %get3A_1157, %broadcast_in_dim3A_1 : vector<16xi32>
        %bitcast3A_1163 = vector.bitcast %and3A_1162 : vector<16xi32> to vector<16xf32>
        %add3A_1164 = arith.addf %scan3A_1086, %bitcast3A_1161 : vector<16xf32>
        %add3A_1165 = arith.addf %scan3A_1087, %bitcast3A_1163 : vector<16xf32>
        %add3A_1166 = arith.constant 50 : i32
        %add3A_1167 = arith.addi %add3A_1166, %scan3A_1075 : i32
        %get3A_1168 = arith.index_cast %add3A_1167 : i32 to index
        %get3A_1169 = arith.constant 96 : index
        %get3A_1170 = tpu.vector_load %arg8[%get3A_1168, %get3A_1169] {strides = array<i32>} : memref<104x128xi32, #tpu.memory_space<vmem>>, vector<16xi32>,
        %shift_left3A_1171 = arith.constant 16 : i32
        %shift_left3A_1172 = vector.broadcast %shift_left3A_1171 : i32 to vector<16xi32>
        %shift_left3A_1173 = arith.shli %get3A_1170, %shift_left3A_1172 : vector<16xi32>
        %bitcast3A_1174 = vector.bitcast %shift_left3A_1173 : vector<16xi32> to vector<16xf32>
        %and3A_1175 = arith.andi %get3A_1170, %broadcast_in_dim3A_1 : vector<16xi32>
        %bitcast3A_1176 = vector.bitcast %and3A_1175 : vector<16xi32> to vector<16xf32>
        %add3A_1177 = arith.addf %scan3A_1088, %bitcast3A_1174 : vector<16xf32>
        %add3A_1178 = arith.addf %scan3A_1089, %bitcast3A_1176 : vector<16xf32>
        %add3A_1179 = arith.constant 50 : i32
        %add3A_1180 = arith.addi %add3A_1179, %scan3A_1075 : i32
        %get3A_1181 = arith.index_cast %add3A_1180 : i32 to index
        %get3A_1182 = arith.constant 112 : index
        %get3A_1183 = tpu.vector_load %arg8[%get3A_1181, %get3A_1182] {strides = array<i32>} : memref<104x128xi32, #tpu.memory_space<vmem>>, vector<16xi32>,
        %shift_left3A_1184 = arith.constant 16 : i32
        %shift_left3A_1185 = vector.broadcast %shift_left3A_1184 : i32 to vector<16xi32>
        %shift_left3A_1186 = arith.shli %get3A_1183, %shift_left3A_1185 : vector<16xi32>
        %bitcast3A_1187 = vector.bitcast %shift_left3A_1186 : vector<16xi32> to vector<16xf32>
        %and3A_1188 = arith.andi %get3A_1183, %broadcast_in_dim3A_1 : vector<16xi32>
        %bitcast3A_1189 = vector.bitcast %and3A_1188 : vector<16xi32> to vector<16xf32>
        %add3A_1190 = arith.addf %scan3A_1090, %bitcast3A_1187 : vector<16xf32>
        %add3A_1191 = arith.addf %scan3A_1091, %bitcast3A_1189 : vector<16xf32>
        scf.yield %add3A_1099, %add3A_1100, %add3A_1112, %add3A_1113, %add3A_1125, %add3A_1126, %add3A_1138, %add3A_1139, %add3A_1151, %add3A_1152, %add3A_1164, %add3A_1165, %add3A_1177, %add3A_1178, %add3A_1190, %add3A_1191 : vector<16xf32>, vector<16xf32>, vector<16xf32>, vector<16xf32>, vector<16xf32>, vector<16xf32>, vector<16xf32>, vector<16xf32>, vector<16xf32>, vector<16xf32>, vector<16xf32>, vector<16xf32>, vector<16xf32>, vector<16xf32>, vector<16xf32>, vector<16xf32>
      }
      %scan3A_723 = arith.constant 50 : i32
      %add3A_724 = arith.constant 1 : i32
      %add3A_725 = arith.addi %mul3A_567, %add3A_724 : i32
      %swap3A_726 = arith.index_cast %add3A_725 : i32 to index
      %swap3A_727 = arith.constant 0 : index
      %swap3A_728 = tpu.vector_load %arg10[%swap3A_726, %swap3A_727] {strides = array<i32>} : memref<64x256xf32, #tpu.memory_space<vmem>>, vector<16xf32>,
      tpu.vector_store %arg10[%swap3A_726, %swap3A_727], %scan3A_722#0 {strides = array<i32>} : memref<64x256xf32, #tpu.memory_space<vmem>>, vector<16xf32>,
      %add3A_729 = arith.constant 1 : i32
      %add3A_730 = arith.addi %mul3A_567, %add3A_729 : i32
      %swap3A_731 = arith.index_cast %add3A_730 : i32 to index
      %swap3A_732 = arith.constant 16 : index
      %swap3A_733 = tpu.vector_load %arg10[%swap3A_731, %swap3A_732] {strides = array<i32>} : memref<64x256xf32, #tpu.memory_space<vmem>>, vector<16xf32>,
      tpu.vector_store %arg10[%swap3A_731, %swap3A_732], %scan3A_722#1 {strides = array<i32>} : memref<64x256xf32, #tpu.memory_space<vmem>>, vector<16xf32>,
      %add3A_734 = arith.constant 1 : i32
      %add3A_735 = arith.addi %mul3A_567, %add3A_734 : i32
      %swap3A_736 = arith.index_cast %add3A_735 : i32 to index
      %swap3A_737 = arith.constant 32 : index
      %swap3A_738 = tpu.vector_load %arg10[%swap3A_736, %swap3A_737] {strides = array<i32>} : memref<64x256xf32, #tpu.memory_space<vmem>>, vector<16xf32>,
      tpu.vector_store %arg10[%swap3A_736, %swap3A_737], %scan3A_722#2 {strides = array<i32>} : memref<64x256xf32, #tpu.memory_space<vmem>>, vector<16xf32>,
      %add3A_739 = arith.constant 1 : i32
      %add3A_740 = arith.addi %mul3A_567, %add3A_739 : i32
      %swap3A_741 = arith.index_cast %add3A_740 : i32 to index
      %swap3A_742 = arith.constant 48 : index
      %swap3A_743 = tpu.vector_load %arg10[%swap3A_741, %swap3A_742] {strides = array<i32>} : memref<64x256xf32, #tpu.memory_space<vmem>>, vector<16xf32>,
      tpu.vector_store %arg10[%swap3A_741, %swap3A_742], %scan3A_722#3 {strides = array<i32>} : memref<64x256xf32, #tpu.memory_space<vmem>>, vector<16xf32>,
      %add3A_744 = arith.constant 1 : i32
      %add3A_745 = arith.addi %mul3A_567, %add3A_744 : i32
      %swap3A_746 = arith.index_cast %add3A_745 : i32 to index
      %swap3A_747 = arith.constant 64 : index
      %swap3A_748 = tpu.vector_load %arg10[%swap3A_746, %swap3A_747] {strides = array<i32>} : memref<64x256xf32, #tpu.memory_space<vmem>>, vector<16xf32>,
      tpu.vector_store %arg10[%swap3A_746, %swap3A_747], %scan3A_722#4 {strides = array<i32>} : memref<64x256xf32, #tpu.memory_space<vmem>>, vector<16xf32>,
      %add3A_749 = arith.constant 1 : i32
      %add3A_750 = arith.addi %mul3A_567, %add3A_749 : i32
      %swap3A_751 = arith.index_cast %add3A_750 : i32 to index
      %swap3A_752 = arith.constant 80 : index
      %swap3A_753 = tpu.vector_load %arg10[%swap3A_751, %swap3A_752] {strides = array<i32>} : memref<64x256xf32, #tpu.memory_space<vmem>>, vector<16xf32>,
      tpu.vector_store %arg10[%swap3A_751, %swap3A_752], %scan3A_722#5 {strides = array<i32>} : memref<64x256xf32, #tpu.memory_space<vmem>>, vector<16xf32>,
      %add3A_754 = arith.constant 1 : i32
      %add3A_755 = arith.addi %mul3A_567, %add3A_754 : i32
      %swap3A_756 = arith.index_cast %add3A_755 : i32 to index
      %swap3A_757 = arith.constant 96 : index
      %swap3A_758 = tpu.vector_load %arg10[%swap3A_756, %swap3A_757] {strides = array<i32>} : memref<64x256xf32, #tpu.memory_space<vmem>>, vector<16xf32>,
      tpu.vector_store %arg10[%swap3A_756, %swap3A_757], %scan3A_722#6 {strides = array<i32>} : memref<64x256xf32, #tpu.memory_space<vmem>>, vector<16xf32>,
      %add3A_759 = arith.constant 1 : i32
      %add3A_760 = arith.addi %mul3A_567, %add3A_759 : i32
      %swap3A_761 = arith.index_cast %add3A_760 : i32 to index
      %swap3A_762 = arith.constant 112 : index
      %swap3A_763 = tpu.vector_load %arg10[%swap3A_761, %swap3A_762] {strides = array<i32>} : memref<64x256xf32, #tpu.memory_space<vmem>>, vector<16xf32>,
      tpu.vector_store %arg10[%swap3A_761, %swap3A_762], %scan3A_722#7 {strides = array<i32>} : memref<64x256xf32, #tpu.memory_space<vmem>>, vector<16xf32>,
      %add3A_764 = arith.constant 1 : i32
      %add3A_765 = arith.addi %mul3A_567, %add3A_764 : i32
      %swap3A_766 = arith.index_cast %add3A_765 : i32 to index
      %swap3A_767 = arith.constant 128 : index
      %swap3A_768 = tpu.vector_load %arg10[%swap3A_766, %swap3A_767] {strides = array<i32>} : memref<64x256xf32, #tpu.memory_space<vmem>>, vector<16xf32>,
      tpu.vector_store %arg10[%swap3A_766, %swap3A_767], %scan3A_722#8 {strides = array<i32>} : memref<64x256xf32, #tpu.memory_space<vmem>>, vector<16xf32>,
      %add3A_769 = arith.constant 1 : i32
      %add3A_770 = arith.addi %mul3A_567, %add3A_769 : i32
      %swap3A_771 = arith.index_cast %add3A_770 : i32 to index
      %swap3A_772 = arith.constant 144 : index
      %swap3A_773 = tpu.vector_load %arg10[%swap3A_771, %swap3A_772] {strides = array<i32>} : memref<64x256xf32, #tpu.memory_space<vmem>>, vector<16xf32>,
      tpu.vector_store %arg10[%swap3A_771, %swap3A_772], %scan3A_722#9 {strides = array<i32>} : memref<64x256xf32, #tpu.memory_space<vmem>>, vector<16xf32>,
      %add3A_774 = arith.constant 1 : i32
      %add3A_775 = arith.addi %mul3A_567, %add3A_774 : i32
      %swap3A_776 = arith.index_cast %add3A_775 : i32 to index
      %swap3A_777 = arith.constant 160 : index
      %swap3A_778 = tpu.vector_load %arg10[%swap3A_776, %swap3A_777] {strides = array<i32>} : memref<64x256xf32, #tpu.memory_space<vmem>>, vector<16xf32>,
      tpu.vector_store %arg10[%swap3A_776, %swap3A_777], %scan3A_722#10 {strides = array<i32>} : memref<64x256xf32, #tpu.memory_space<vmem>>, vector<16xf32>,
      %add3A_779 = arith.constant 1 : i32
      %add3A_780 = arith.addi %mul3A_567, %add3A_779 : i32
      %swap3A_781 = arith.index_cast %add3A_780 : i32 to index
      %swap3A_782 = arith.constant 176 : index
      %swap3A_783 = tpu.vector_load %arg10[%swap3A_781, %swap3A_782] {strides = array<i32>} : memref<64x256xf32, #tpu.memory_space<vmem>>, vector<16xf32>,
      tpu.vector_store %arg10[%swap3A_781, %swap3A_782], %scan3A_722#11 {strides = array<i32>} : memref<64x256xf32, #tpu.memory_space<vmem>>, vector<16xf32>,
      %add3A_784 = arith.constant 1 : i32
      %add3A_785 = arith.addi %mul3A_567, %add3A_784 : i32
      %swap3A_786 = arith.index_cast %add3A_785 : i32 to index
      %swap3A_787 = arith.constant 192 : index
      %swap3A_788 = tpu.vector_load %arg10[%swap3A_786, %swap3A_787] {strides = array<i32>} : memref<64x256xf32, #tpu.memory_space<vmem>>, vector<16xf32>,
      tpu.vector_store %arg10[%swap3A_786, %swap3A_787], %scan3A_722#12 {strides = array<i32>} : memref<64x256xf32, #tpu.memory_space<vmem>>, vector<16xf32>,
      %add3A_789 = arith.constant 1 : i32
      %add3A_790 = arith.addi %mul3A_567, %add3A_789 : i32
      %swap3A_791 = arith.index_cast %add3A_790 : i32 to index
      %swap3A_792 = arith.constant 208 : index
      %swap3A_793 = tpu.vector_load %arg10[%swap3A_791, %swap3A_792] {strides = array<i32>} : memref<64x256xf32, #tpu.memory_space<vmem>>, vector<16xf32>,
      tpu.vector_store %arg10[%swap3A_791, %swap3A_792], %scan3A_722#13 {strides = array<i32>} : memref<64x256xf32, #tpu.memory_space<vmem>>, vector<16xf32>,
      %add3A_794 = arith.constant 1 : i32
      %add3A_795 = arith.addi %mul3A_567, %add3A_794 : i32
      %swap3A_796 = arith.index_cast %add3A_795 : i32 to index
      %swap3A_797 = arith.constant 224 : index
      %swap3A_798 = tpu.vector_load %arg10[%swap3A_796, %swap3A_797] {strides = array<i32>} : memref<64x256xf32, #tpu.memory_space<vmem>>, vector<16xf32>,
      tpu.vector_store %arg10[%swap3A_796, %swap3A_797], %scan3A_722#14 {strides = array<i32>} : memref<64x256xf32, #tpu.memory_space<vmem>>, vector<16xf32>,
      %add3A_799 = arith.constant 1 : i32
      %add3A_800 = arith.addi %mul3A_567, %add3A_799 : i32
      %swap3A_801 = arith.index_cast %add3A_800 : i32 to index
      %swap3A_802 = arith.constant 240 : index
      %swap3A_803 = tpu.vector_load %arg10[%swap3A_801, %swap3A_802] {strides = array<i32>} : memref<64x256xf32, #tpu.memory_space<vmem>>, vector<16xf32>,
      tpu.vector_store %arg10[%swap3A_801, %swap3A_802], %scan3A_722#15 {strides = array<i32>} : memref<64x256xf32, #tpu.memory_space<vmem>>, vector<16xf32>,
      %add3A_804 = arith.constant 4 : i32
      %add3A_805 = arith.addi %add3A_554, %add3A_804 : i32
      %lt3A_806 = arith.constant 256 : i32
      %lt3A_807 = arith.cmpi slt, %add3A_805, %lt3A_806 : i32
      %convert_element_type3A_808 = arith.extui %lt3A_807 : i1 to i32
      %cond3A_809 = arith.constant 0 : i32
      %cond3A_810 = arith.cmpi ne, %convert_element_type3A_808, %cond3A_809 : i32
      scf.if %cond3A_810 {
        %add3A_1075 = arith.constant 4 : i32
        %add3A_1076 = arith.addi %add3A_554, %add3A_1075 : i32
        %dma_start3A_1077 = arith.constant 0 : i32
        %dma_start3A_1078 = tpu.memref_slice %arg5[%add3A_1076, %dma_start3A_1077] : memref<256x104xi32, #tpu.memory_space<vmem>> -> memref<1x104xi32, #tpu.memory_space<vmem>>
        %dma_start3A_1079 = tpu.memref_squeeze %dma_start3A_1078 : memref<1x104xi32, #tpu.memory_space<vmem>> -> memref<104xi32, #tpu.memory_space<vmem>>
        %dma_start3A_1080 = arith.constant 0 : i32
        %dma_start3A_1081 = arith.constant 0 : i32
        %dma_start3A_1082 = tpu.memref_slice %arg2[%dma_start3A_1080, %dma_start3A_1081] : memref<90240x128xi32, #tpu.memory_space<hbm>> -> memref<90240x128xi32, #tpu.memory_space<hbm>>
        tpu.enqueue_indirect_dma source(%dma_start3A_1082 : memref<90240x128xi32, #tpu.memory_space<hbm>>) target(%arg8 : memref<104x128xi32, #tpu.memory_space<vmem>>) offsets(%dma_start3A_1079 : memref<104xi32, #tpu.memory_space<vmem>>) semaphore(%arg13 : memref<!tpu.dma_semaphore, #tpu.memory_space<semaphore_mem>>)
      } else {
      }
      %mul3A_811 = arith.constant 4 : i32
      %mul3A_812 = arith.muli %mul3A_811, %scan3A_34 : i32
      %add3A_813 = arith.constant 3 : i32
      %add3A_814 = arith.addi %mul3A_812, %add3A_813 : i32
      %dma_wait3A_815 = arith.constant 0 : i32
      %dma_wait3A_816 = arith.constant 0 : i32
      %dma_wait3A_817 = tpu.memref_slice %arg5[%dma_wait3A_815, %dma_wait3A_816] : memref<256x104xi32, #tpu.memory_space<vmem>> -> memref<1x104xi32, #tpu.memory_space<vmem>>
      %dma_wait3A_818 = tpu.memref_squeeze %dma_wait3A_817 : memref<1x104xi32, #tpu.memory_space<vmem>> -> memref<104xi32, #tpu.memory_space<vmem>>
      %dma_wait3A_819 = arith.constant 0 : i32
      %dma_wait3A_820 = arith.constant 0 : i32
      %dma_wait3A_821 = tpu.memref_slice %arg2[%dma_wait3A_819, %dma_wait3A_820] : memref<90240x128xi32, #tpu.memory_space<hbm>> -> memref<90240x128xi32, #tpu.memory_space<hbm>>
      tpu.wait_indirect_dma semaphore(%arg14 : memref<!tpu.dma_semaphore, #tpu.memory_space<semaphore_mem>>) src(%dma_wait3A_821 : memref<90240x128xi32, #tpu.memory_space<hbm>>) dst(%arg9 : memref<104x128xi32, #tpu.memory_space<vmem>>)
      %mul3A_822 = arith.constant 4 : i32
      %mul3A_823 = arith.muli %mul3A_822, %rem3A_35 : i32
      %add3A_824 = arith.constant 3 : i32
      %add3A_825 = arith.addi %mul3A_823, %add3A_824 : i32
      %mul3A_826 = arith.constant 2 : i32
      %mul3A_827 = arith.muli %mul3A_826, %add3A_825 : i32
      %broadcast_in_dim3A_828 = arith.constant 0.000000e+00 : f32
      %broadcast_in_dim3A_829 = vector.broadcast %broadcast_in_dim3A_828 : f32 to vector<16xf32>
      %broadcast_in_dim3A_830 = arith.constant 0.000000e+00 : f32
      %broadcast_in_dim3A_831 = vector.broadcast %broadcast_in_dim3A_830 : f32 to vector<16xf32>
      %broadcast_in_dim3A_832 = arith.constant 0.000000e+00 : f32
      %broadcast_in_dim3A_833 = vector.broadcast %broadcast_in_dim3A_832 : f32 to vector<16xf32>
      %broadcast_in_dim3A_834 = arith.constant 0.000000e+00 : f32
      %broadcast_in_dim3A_835 = vector.broadcast %broadcast_in_dim3A_834 : f32 to vector<16xf32>
      %broadcast_in_dim3A_836 = arith.constant 0.000000e+00 : f32
      %broadcast_in_dim3A_837 = vector.broadcast %broadcast_in_dim3A_836 : f32 to vector<16xf32>
      %broadcast_in_dim3A_838 = arith.constant 0.000000e+00 : f32
      %broadcast_in_dim3A_839 = vector.broadcast %broadcast_in_dim3A_838 : f32 to vector<16xf32>
      %broadcast_in_dim3A_840 = arith.constant 0.000000e+00 : f32
      %broadcast_in_dim3A_841 = vector.broadcast %broadcast_in_dim3A_840 : f32 to vector<16xf32>
      %broadcast_in_dim3A_842 = arith.constant 0.000000e+00 : f32
      %broadcast_in_dim3A_843 = vector.broadcast %broadcast_in_dim3A_842 : f32 to vector<16xf32>
      %broadcast_in_dim3A_844 = arith.constant 0.000000e+00 : f32
      %broadcast_in_dim3A_845 = vector.broadcast %broadcast_in_dim3A_844 : f32 to vector<16xf32>
      %broadcast_in_dim3A_846 = arith.constant 0.000000e+00 : f32
      %broadcast_in_dim3A_847 = vector.broadcast %broadcast_in_dim3A_846 : f32 to vector<16xf32>
      %broadcast_in_dim3A_848 = arith.constant 0.000000e+00 : f32
      %broadcast_in_dim3A_849 = vector.broadcast %broadcast_in_dim3A_848 : f32 to vector<16xf32>
      %broadcast_in_dim3A_850 = arith.constant 0.000000e+00 : f32
      %broadcast_in_dim3A_851 = vector.broadcast %broadcast_in_dim3A_850 : f32 to vector<16xf32>
      %broadcast_in_dim3A_852 = arith.constant 0.000000e+00 : f32
      %broadcast_in_dim3A_853 = vector.broadcast %broadcast_in_dim3A_852 : f32 to vector<16xf32>
      %broadcast_in_dim3A_854 = arith.constant 0.000000e+00 : f32
      %broadcast_in_dim3A_855 = vector.broadcast %broadcast_in_dim3A_854 : f32 to vector<16xf32>
      %broadcast_in_dim3A_856 = arith.constant 0.000000e+00 : f32
      %broadcast_in_dim3A_857 = vector.broadcast %broadcast_in_dim3A_856 : f32 to vector<16xf32>
      %broadcast_in_dim3A_858 = arith.constant 0.000000e+00 : f32
      %broadcast_in_dim3A_859 = vector.broadcast %broadcast_in_dim3A_858 : f32 to vector<16xf32>
      %scan3A_860 = arith.constant 0 : i32
      %scan3A_861 = arith.constant 50 : i32
      %scan3A_862 = arith.addi %scan3A_860, %scan3A_861 : i32
      %scan3A_863 = arith.constant 1 : i32
      %scan3A_864:16 = scf.for %scan3A_1075 = %scan3A_860 to %scan3A_862 step %scan3A_863 iter_args(%scan3A_1076 = %broadcast_in_dim3A_829, %scan3A_1077 = %broadcast_in_dim3A_831, %scan3A_1078 = %broadcast_in_dim3A_833, %scan3A_1079 = %broadcast_in_dim3A_835, %scan3A_1080 = %broadcast_in_dim3A_837, %scan3A_1081 = %broadcast_in_dim3A_839, %scan3A_1082 = %broadcast_in_dim3A_841, %scan3A_1083 = %broadcast_in_dim3A_843, %scan3A_1084 = %broadcast_in_dim3A_845, %scan3A_1085 = %broadcast_in_dim3A_847, %scan3A_1086 = %broadcast_in_dim3A_849, %scan3A_1087 = %broadcast_in_dim3A_851, %scan3A_1088 = %broadcast_in_dim3A_853, %scan3A_1089 = %broadcast_in_dim3A_855, %scan3A_1090 = %broadcast_in_dim3A_857, %scan3A_1091 = %broadcast_in_dim3A_859) -> (vector<16xf32>, vector<16xf32>, vector<16xf32>, vector<16xf32>, vector<16xf32>, vector<16xf32>, vector<16xf32>, vector<16xf32>, vector<16xf32>, vector<16xf32>, vector<16xf32>, vector<16xf32>, vector<16xf32>, vector<16xf32>, vector<16xf32>, vector<16xf32>)  : i32 {
        %add3A_1092 = arith.constant 0 : i32
        %add3A_1093 = arith.addi %add3A_1092, %scan3A_1075 : i32
        %get3A = arith.index_cast %add3A_1093 : i32 to index
        %get3A_1094 = arith.constant 0 : index
        %get3A_1095 = tpu.vector_load %arg9[%get3A, %get3A_1094] {strides = array<i32>} : memref<104x128xi32, #tpu.memory_space<vmem>>, vector<16xi32>,
        %shift_left3A = arith.constant 16 : i32
        %shift_left3A_1096 = vector.broadcast %shift_left3A : i32 to vector<16xi32>
        %shift_left3A_1097 = arith.shli %get3A_1095, %shift_left3A_1096 : vector<16xi32>
        %bitcast3A = vector.bitcast %shift_left3A_1097 : vector<16xi32> to vector<16xf32>
        %and3A = arith.andi %get3A_1095, %broadcast_in_dim3A_1 : vector<16xi32>
        %bitcast3A_1098 = vector.bitcast %and3A : vector<16xi32> to vector<16xf32>
        %add3A_1099 = arith.addf %scan3A_1076, %bitcast3A : vector<16xf32>
        %add3A_1100 = arith.addf %scan3A_1077, %bitcast3A_1098 : vector<16xf32>
        %add3A_1101 = arith.constant 0 : i32
        %add3A_1102 = arith.addi %add3A_1101, %scan3A_1075 : i32
        %get3A_1103 = arith.index_cast %add3A_1102 : i32 to index
        %get3A_1104 = arith.constant 16 : index
        %get3A_1105 = tpu.vector_load %arg9[%get3A_1103, %get3A_1104] {strides = array<i32>} : memref<104x128xi32, #tpu.memory_space<vmem>>, vector<16xi32>,
        %shift_left3A_1106 = arith.constant 16 : i32
        %shift_left3A_1107 = vector.broadcast %shift_left3A_1106 : i32 to vector<16xi32>
        %shift_left3A_1108 = arith.shli %get3A_1105, %shift_left3A_1107 : vector<16xi32>
        %bitcast3A_1109 = vector.bitcast %shift_left3A_1108 : vector<16xi32> to vector<16xf32>
        %and3A_1110 = arith.andi %get3A_1105, %broadcast_in_dim3A_1 : vector<16xi32>
        %bitcast3A_1111 = vector.bitcast %and3A_1110 : vector<16xi32> to vector<16xf32>
        %add3A_1112 = arith.addf %scan3A_1078, %bitcast3A_1109 : vector<16xf32>
        %add3A_1113 = arith.addf %scan3A_1079, %bitcast3A_1111 : vector<16xf32>
        %add3A_1114 = arith.constant 0 : i32
        %add3A_1115 = arith.addi %add3A_1114, %scan3A_1075 : i32
        %get3A_1116 = arith.index_cast %add3A_1115 : i32 to index
        %get3A_1117 = arith.constant 32 : index
        %get3A_1118 = tpu.vector_load %arg9[%get3A_1116, %get3A_1117] {strides = array<i32>} : memref<104x128xi32, #tpu.memory_space<vmem>>, vector<16xi32>,
        %shift_left3A_1119 = arith.constant 16 : i32
        %shift_left3A_1120 = vector.broadcast %shift_left3A_1119 : i32 to vector<16xi32>
        %shift_left3A_1121 = arith.shli %get3A_1118, %shift_left3A_1120 : vector<16xi32>
        %bitcast3A_1122 = vector.bitcast %shift_left3A_1121 : vector<16xi32> to vector<16xf32>
        %and3A_1123 = arith.andi %get3A_1118, %broadcast_in_dim3A_1 : vector<16xi32>
        %bitcast3A_1124 = vector.bitcast %and3A_1123 : vector<16xi32> to vector<16xf32>
        %add3A_1125 = arith.addf %scan3A_1080, %bitcast3A_1122 : vector<16xf32>
        %add3A_1126 = arith.addf %scan3A_1081, %bitcast3A_1124 : vector<16xf32>
        %add3A_1127 = arith.constant 0 : i32
        %add3A_1128 = arith.addi %add3A_1127, %scan3A_1075 : i32
        %get3A_1129 = arith.index_cast %add3A_1128 : i32 to index
        %get3A_1130 = arith.constant 48 : index
        %get3A_1131 = tpu.vector_load %arg9[%get3A_1129, %get3A_1130] {strides = array<i32>} : memref<104x128xi32, #tpu.memory_space<vmem>>, vector<16xi32>,
        %shift_left3A_1132 = arith.constant 16 : i32
        %shift_left3A_1133 = vector.broadcast %shift_left3A_1132 : i32 to vector<16xi32>
        %shift_left3A_1134 = arith.shli %get3A_1131, %shift_left3A_1133 : vector<16xi32>
        %bitcast3A_1135 = vector.bitcast %shift_left3A_1134 : vector<16xi32> to vector<16xf32>
        %and3A_1136 = arith.andi %get3A_1131, %broadcast_in_dim3A_1 : vector<16xi32>
        %bitcast3A_1137 = vector.bitcast %and3A_1136 : vector<16xi32> to vector<16xf32>
        %add3A_1138 = arith.addf %scan3A_1082, %bitcast3A_1135 : vector<16xf32>
        %add3A_1139 = arith.addf %scan3A_1083, %bitcast3A_1137 : vector<16xf32>
        %add3A_1140 = arith.constant 0 : i32
        %add3A_1141 = arith.addi %add3A_1140, %scan3A_1075 : i32
        %get3A_1142 = arith.index_cast %add3A_1141 : i32 to index
        %get3A_1143 = arith.constant 64 : index
        %get3A_1144 = tpu.vector_load %arg9[%get3A_1142, %get3A_1143] {strides = array<i32>} : memref<104x128xi32, #tpu.memory_space<vmem>>, vector<16xi32>,
        %shift_left3A_1145 = arith.constant 16 : i32
        %shift_left3A_1146 = vector.broadcast %shift_left3A_1145 : i32 to vector<16xi32>
        %shift_left3A_1147 = arith.shli %get3A_1144, %shift_left3A_1146 : vector<16xi32>
        %bitcast3A_1148 = vector.bitcast %shift_left3A_1147 : vector<16xi32> to vector<16xf32>
        %and3A_1149 = arith.andi %get3A_1144, %broadcast_in_dim3A_1 : vector<16xi32>
        %bitcast3A_1150 = vector.bitcast %and3A_1149 : vector<16xi32> to vector<16xf32>
        %add3A_1151 = arith.addf %scan3A_1084, %bitcast3A_1148 : vector<16xf32>
        %add3A_1152 = arith.addf %scan3A_1085, %bitcast3A_1150 : vector<16xf32>
        %add3A_1153 = arith.constant 0 : i32
        %add3A_1154 = arith.addi %add3A_1153, %scan3A_1075 : i32
        %get3A_1155 = arith.index_cast %add3A_1154 : i32 to index
        %get3A_1156 = arith.constant 80 : index
        %get3A_1157 = tpu.vector_load %arg9[%get3A_1155, %get3A_1156] {strides = array<i32>} : memref<104x128xi32, #tpu.memory_space<vmem>>, vector<16xi32>,
        %shift_left3A_1158 = arith.constant 16 : i32
        %shift_left3A_1159 = vector.broadcast %shift_left3A_1158 : i32 to vector<16xi32>
        %shift_left3A_1160 = arith.shli %get3A_1157, %shift_left3A_1159 : vector<16xi32>
        %bitcast3A_1161 = vector.bitcast %shift_left3A_1160 : vector<16xi32> to vector<16xf32>
        %and3A_1162 = arith.andi %get3A_1157, %broadcast_in_dim3A_1 : vector<16xi32>
        %bitcast3A_1163 = vector.bitcast %and3A_1162 : vector<16xi32> to vector<16xf32>
        %add3A_1164 = arith.addf %scan3A_1086, %bitcast3A_1161 : vector<16xf32>
        %add3A_1165 = arith.addf %scan3A_1087, %bitcast3A_1163 : vector<16xf32>
        %add3A_1166 = arith.constant 0 : i32
        %add3A_1167 = arith.addi %add3A_1166, %scan3A_1075 : i32
        %get3A_1168 = arith.index_cast %add3A_1167 : i32 to index
        %get3A_1169 = arith.constant 96 : index
        %get3A_1170 = tpu.vector_load %arg9[%get3A_1168, %get3A_1169] {strides = array<i32>} : memref<104x128xi32, #tpu.memory_space<vmem>>, vector<16xi32>,
        %shift_left3A_1171 = arith.constant 16 : i32
        %shift_left3A_1172 = vector.broadcast %shift_left3A_1171 : i32 to vector<16xi32>
        %shift_left3A_1173 = arith.shli %get3A_1170, %shift_left3A_1172 : vector<16xi32>
        %bitcast3A_1174 = vector.bitcast %shift_left3A_1173 : vector<16xi32> to vector<16xf32>
        %and3A_1175 = arith.andi %get3A_1170, %broadcast_in_dim3A_1 : vector<16xi32>
        %bitcast3A_1176 = vector.bitcast %and3A_1175 : vector<16xi32> to vector<16xf32>
        %add3A_1177 = arith.addf %scan3A_1088, %bitcast3A_1174 : vector<16xf32>
        %add3A_1178 = arith.addf %scan3A_1089, %bitcast3A_1176 : vector<16xf32>
        %add3A_1179 = arith.constant 0 : i32
        %add3A_1180 = arith.addi %add3A_1179, %scan3A_1075 : i32
        %get3A_1181 = arith.index_cast %add3A_1180 : i32 to index
        %get3A_1182 = arith.constant 112 : index
        %get3A_1183 = tpu.vector_load %arg9[%get3A_1181, %get3A_1182] {strides = array<i32>} : memref<104x128xi32, #tpu.memory_space<vmem>>, vector<16xi32>,
        %shift_left3A_1184 = arith.constant 16 : i32
        %shift_left3A_1185 = vector.broadcast %shift_left3A_1184 : i32 to vector<16xi32>
        %shift_left3A_1186 = arith.shli %get3A_1183, %shift_left3A_1185 : vector<16xi32>
        %bitcast3A_1187 = vector.bitcast %shift_left3A_1186 : vector<16xi32> to vector<16xf32>
        %and3A_1188 = arith.andi %get3A_1183, %broadcast_in_dim3A_1 : vector<16xi32>
        %bitcast3A_1189 = vector.bitcast %and3A_1188 : vector<16xi32> to vector<16xf32>
        %add3A_1190 = arith.addf %scan3A_1090, %bitcast3A_1187 : vector<16xf32>
        %add3A_1191 = arith.addf %scan3A_1091, %bitcast3A_1189 : vector<16xf32>
        scf.yield %add3A_1099, %add3A_1100, %add3A_1112, %add3A_1113, %add3A_1125, %add3A_1126, %add3A_1138, %add3A_1139, %add3A_1151, %add3A_1152, %add3A_1164, %add3A_1165, %add3A_1177, %add3A_1178, %add3A_1190, %add3A_1191 : vector<16xf32>, vector<16xf32>, vector<16xf32>, vector<16xf32>, vector<16xf32>, vector<16xf32>, vector<16xf32>, vector<16xf32>, vector<16xf32>, vector<16xf32>, vector<16xf32>, vector<16xf32>, vector<16xf32>, vector<16xf32>, vector<16xf32>, vector<16xf32>
      }
      %scan3A_865 = arith.constant 50 : i32
      %add3A_866 = arith.constant 0 : i32
      %add3A_867 = arith.addi %mul3A_827, %add3A_866 : i32
      %swap3A_868 = arith.index_cast %add3A_867 : i32 to index
      %swap3A_869 = arith.constant 0 : index
      %swap3A_870 = tpu.vector_load %arg10[%swap3A_868, %swap3A_869] {strides = array<i32>} : memref<64x256xf32, #tpu.memory_space<vmem>>, vector<16xf32>,
      tpu.vector_store %arg10[%swap3A_868, %swap3A_869], %scan3A_864#0 {strides = array<i32>} : memref<64x256xf32, #tpu.memory_space<vmem>>, vector<16xf32>,
      %add3A_871 = arith.constant 0 : i32
      %add3A_872 = arith.addi %mul3A_827, %add3A_871 : i32
      %swap3A_873 = arith.index_cast %add3A_872 : i32 to index
      %swap3A_874 = arith.constant 16 : index
      %swap3A_875 = tpu.vector_load %arg10[%swap3A_873, %swap3A_874] {strides = array<i32>} : memref<64x256xf32, #tpu.memory_space<vmem>>, vector<16xf32>,
      tpu.vector_store %arg10[%swap3A_873, %swap3A_874], %scan3A_864#1 {strides = array<i32>} : memref<64x256xf32, #tpu.memory_space<vmem>>, vector<16xf32>,
      %add3A_876 = arith.constant 0 : i32
      %add3A_877 = arith.addi %mul3A_827, %add3A_876 : i32
      %swap3A_878 = arith.index_cast %add3A_877 : i32 to index
      %swap3A_879 = arith.constant 32 : index
      %swap3A_880 = tpu.vector_load %arg10[%swap3A_878, %swap3A_879] {strides = array<i32>} : memref<64x256xf32, #tpu.memory_space<vmem>>, vector<16xf32>,
      tpu.vector_store %arg10[%swap3A_878, %swap3A_879], %scan3A_864#2 {strides = array<i32>} : memref<64x256xf32, #tpu.memory_space<vmem>>, vector<16xf32>,
      %add3A_881 = arith.constant 0 : i32
      %add3A_882 = arith.addi %mul3A_827, %add3A_881 : i32
      %swap3A_883 = arith.index_cast %add3A_882 : i32 to index
      %swap3A_884 = arith.constant 48 : index
      %swap3A_885 = tpu.vector_load %arg10[%swap3A_883, %swap3A_884] {strides = array<i32>} : memref<64x256xf32, #tpu.memory_space<vmem>>, vector<16xf32>,
      tpu.vector_store %arg10[%swap3A_883, %swap3A_884], %scan3A_864#3 {strides = array<i32>} : memref<64x256xf32, #tpu.memory_space<vmem>>, vector<16xf32>,
      %add3A_886 = arith.constant 0 : i32
      %add3A_887 = arith.addi %mul3A_827, %add3A_886 : i32
      %swap3A_888 = arith.index_cast %add3A_887 : i32 to index
      %swap3A_889 = arith.constant 64 : index
      %swap3A_890 = tpu.vector_load %arg10[%swap3A_888, %swap3A_889] {strides = array<i32>} : memref<64x256xf32, #tpu.memory_space<vmem>>, vector<16xf32>,
      tpu.vector_store %arg10[%swap3A_888, %swap3A_889], %scan3A_864#4 {strides = array<i32>} : memref<64x256xf32, #tpu.memory_space<vmem>>, vector<16xf32>,
      %add3A_891 = arith.constant 0 : i32
      %add3A_892 = arith.addi %mul3A_827, %add3A_891 : i32
      %swap3A_893 = arith.index_cast %add3A_892 : i32 to index
      %swap3A_894 = arith.constant 80 : index
      %swap3A_895 = tpu.vector_load %arg10[%swap3A_893, %swap3A_894] {strides = array<i32>} : memref<64x256xf32, #tpu.memory_space<vmem>>, vector<16xf32>,
      tpu.vector_store %arg10[%swap3A_893, %swap3A_894], %scan3A_864#5 {strides = array<i32>} : memref<64x256xf32, #tpu.memory_space<vmem>>, vector<16xf32>,
      %add3A_896 = arith.constant 0 : i32
      %add3A_897 = arith.addi %mul3A_827, %add3A_896 : i32
      %swap3A_898 = arith.index_cast %add3A_897 : i32 to index
      %swap3A_899 = arith.constant 96 : index
      %swap3A_900 = tpu.vector_load %arg10[%swap3A_898, %swap3A_899] {strides = array<i32>} : memref<64x256xf32, #tpu.memory_space<vmem>>, vector<16xf32>,
      tpu.vector_store %arg10[%swap3A_898, %swap3A_899], %scan3A_864#6 {strides = array<i32>} : memref<64x256xf32, #tpu.memory_space<vmem>>, vector<16xf32>,
      %add3A_901 = arith.constant 0 : i32
      %add3A_902 = arith.addi %mul3A_827, %add3A_901 : i32
      %swap3A_903 = arith.index_cast %add3A_902 : i32 to index
      %swap3A_904 = arith.constant 112 : index
      %swap3A_905 = tpu.vector_load %arg10[%swap3A_903, %swap3A_904] {strides = array<i32>} : memref<64x256xf32, #tpu.memory_space<vmem>>, vector<16xf32>,
      tpu.vector_store %arg10[%swap3A_903, %swap3A_904], %scan3A_864#7 {strides = array<i32>} : memref<64x256xf32, #tpu.memory_space<vmem>>, vector<16xf32>,
      %add3A_906 = arith.constant 0 : i32
      %add3A_907 = arith.addi %mul3A_827, %add3A_906 : i32
      %swap3A_908 = arith.index_cast %add3A_907 : i32 to index
      %swap3A_909 = arith.constant 128 : index
      %swap3A_910 = tpu.vector_load %arg10[%swap3A_908, %swap3A_909] {strides = array<i32>} : memref<64x256xf32, #tpu.memory_space<vmem>>, vector<16xf32>,
      tpu.vector_store %arg10[%swap3A_908, %swap3A_909], %scan3A_864#8 {strides = array<i32>} : memref<64x256xf32, #tpu.memory_space<vmem>>, vector<16xf32>,
      %add3A_911 = arith.constant 0 : i32
      %add3A_912 = arith.addi %mul3A_827, %add3A_911 : i32
      %swap3A_913 = arith.index_cast %add3A_912 : i32 to index
      %swap3A_914 = arith.constant 144 : index
      %swap3A_915 = tpu.vector_load %arg10[%swap3A_913, %swap3A_914] {strides = array<i32>} : memref<64x256xf32, #tpu.memory_space<vmem>>, vector<16xf32>,
      tpu.vector_store %arg10[%swap3A_913, %swap3A_914], %scan3A_864#9 {strides = array<i32>} : memref<64x256xf32, #tpu.memory_space<vmem>>, vector<16xf32>,
      %add3A_916 = arith.constant 0 : i32
      %add3A_917 = arith.addi %mul3A_827, %add3A_916 : i32
      %swap3A_918 = arith.index_cast %add3A_917 : i32 to index
      %swap3A_919 = arith.constant 160 : index
      %swap3A_920 = tpu.vector_load %arg10[%swap3A_918, %swap3A_919] {strides = array<i32>} : memref<64x256xf32, #tpu.memory_space<vmem>>, vector<16xf32>,
      tpu.vector_store %arg10[%swap3A_918, %swap3A_919], %scan3A_864#10 {strides = array<i32>} : memref<64x256xf32, #tpu.memory_space<vmem>>, vector<16xf32>,
      %add3A_921 = arith.constant 0 : i32
      %add3A_922 = arith.addi %mul3A_827, %add3A_921 : i32
      %swap3A_923 = arith.index_cast %add3A_922 : i32 to index
      %swap3A_924 = arith.constant 176 : index
      %swap3A_925 = tpu.vector_load %arg10[%swap3A_923, %swap3A_924] {strides = array<i32>} : memref<64x256xf32, #tpu.memory_space<vmem>>, vector<16xf32>,
      tpu.vector_store %arg10[%swap3A_923, %swap3A_924], %scan3A_864#11 {strides = array<i32>} : memref<64x256xf32, #tpu.memory_space<vmem>>, vector<16xf32>,
      %add3A_926 = arith.constant 0 : i32
      %add3A_927 = arith.addi %mul3A_827, %add3A_926 : i32
      %swap3A_928 = arith.index_cast %add3A_927 : i32 to index
      %swap3A_929 = arith.constant 192 : index
      %swap3A_930 = tpu.vector_load %arg10[%swap3A_928, %swap3A_929] {strides = array<i32>} : memref<64x256xf32, #tpu.memory_space<vmem>>, vector<16xf32>,
      tpu.vector_store %arg10[%swap3A_928, %swap3A_929], %scan3A_864#12 {strides = array<i32>} : memref<64x256xf32, #tpu.memory_space<vmem>>, vector<16xf32>,
      %add3A_931 = arith.constant 0 : i32
      %add3A_932 = arith.addi %mul3A_827, %add3A_931 : i32
      %swap3A_933 = arith.index_cast %add3A_932 : i32 to index
      %swap3A_934 = arith.constant 208 : index
      %swap3A_935 = tpu.vector_load %arg10[%swap3A_933, %swap3A_934] {strides = array<i32>} : memref<64x256xf32, #tpu.memory_space<vmem>>, vector<16xf32>,
      tpu.vector_store %arg10[%swap3A_933, %swap3A_934], %scan3A_864#13 {strides = array<i32>} : memref<64x256xf32, #tpu.memory_space<vmem>>, vector<16xf32>,
      %add3A_936 = arith.constant 0 : i32
      %add3A_937 = arith.addi %mul3A_827, %add3A_936 : i32
      %swap3A_938 = arith.index_cast %add3A_937 : i32 to index
      %swap3A_939 = arith.constant 224 : index
      %swap3A_940 = tpu.vector_load %arg10[%swap3A_938, %swap3A_939] {strides = array<i32>} : memref<64x256xf32, #tpu.memory_space<vmem>>, vector<16xf32>,
      tpu.vector_store %arg10[%swap3A_938, %swap3A_939], %scan3A_864#14 {strides = array<i32>} : memref<64x256xf32, #tpu.memory_space<vmem>>, vector<16xf32>,
      %add3A_941 = arith.constant 0 : i32
      %add3A_942 = arith.addi %mul3A_827, %add3A_941 : i32
      %swap3A_943 = arith.index_cast %add3A_942 : i32 to index
      %swap3A_944 = arith.constant 240 : index
      %swap3A_945 = tpu.vector_load %arg10[%swap3A_943, %swap3A_944] {strides = array<i32>} : memref<64x256xf32, #tpu.memory_space<vmem>>, vector<16xf32>,
      tpu.vector_store %arg10[%swap3A_943, %swap3A_944], %scan3A_864#15 {strides = array<i32>} : memref<64x256xf32, #tpu.memory_space<vmem>>, vector<16xf32>,
      %broadcast_in_dim3A_946 = arith.constant 0.000000e+00 : f32
      %broadcast_in_dim3A_947 = vector.broadcast %broadcast_in_dim3A_946 : f32 to vector<16xf32>
      %broadcast_in_dim3A_948 = arith.constant 0.000000e+00 : f32
      %broadcast_in_dim3A_949 = vector.broadcast %broadcast_in_dim3A_948 : f32 to vector<16xf32>
      %broadcast_in_dim3A_950 = arith.constant 0.000000e+00 : f32
      %broadcast_in_dim3A_951 = vector.broadcast %broadcast_in_dim3A_950 : f32 to vector<16xf32>
      %broadcast_in_dim3A_952 = arith.constant 0.000000e+00 : f32
      %broadcast_in_dim3A_953 = vector.broadcast %broadcast_in_dim3A_952 : f32 to vector<16xf32>
      %broadcast_in_dim3A_954 = arith.constant 0.000000e+00 : f32
      %broadcast_in_dim3A_955 = vector.broadcast %broadcast_in_dim3A_954 : f32 to vector<16xf32>
      %broadcast_in_dim3A_956 = arith.constant 0.000000e+00 : f32
      %broadcast_in_dim3A_957 = vector.broadcast %broadcast_in_dim3A_956 : f32 to vector<16xf32>
      %broadcast_in_dim3A_958 = arith.constant 0.000000e+00 : f32
      %broadcast_in_dim3A_959 = vector.broadcast %broadcast_in_dim3A_958 : f32 to vector<16xf32>
      %broadcast_in_dim3A_960 = arith.constant 0.000000e+00 : f32
      %broadcast_in_dim3A_961 = vector.broadcast %broadcast_in_dim3A_960 : f32 to vector<16xf32>
      %broadcast_in_dim3A_962 = arith.constant 0.000000e+00 : f32
      %broadcast_in_dim3A_963 = vector.broadcast %broadcast_in_dim3A_962 : f32 to vector<16xf32>
      %broadcast_in_dim3A_964 = arith.constant 0.000000e+00 : f32
      %broadcast_in_dim3A_965 = vector.broadcast %broadcast_in_dim3A_964 : f32 to vector<16xf32>
      %broadcast_in_dim3A_966 = arith.constant 0.000000e+00 : f32
      %broadcast_in_dim3A_967 = vector.broadcast %broadcast_in_dim3A_966 : f32 to vector<16xf32>
      %broadcast_in_dim3A_968 = arith.constant 0.000000e+00 : f32
      %broadcast_in_dim3A_969 = vector.broadcast %broadcast_in_dim3A_968 : f32 to vector<16xf32>
      %broadcast_in_dim3A_970 = arith.constant 0.000000e+00 : f32
      %broadcast_in_dim3A_971 = vector.broadcast %broadcast_in_dim3A_970 : f32 to vector<16xf32>
      %broadcast_in_dim3A_972 = arith.constant 0.000000e+00 : f32
      %broadcast_in_dim3A_973 = vector.broadcast %broadcast_in_dim3A_972 : f32 to vector<16xf32>
      %broadcast_in_dim3A_974 = arith.constant 0.000000e+00 : f32
      %broadcast_in_dim3A_975 = vector.broadcast %broadcast_in_dim3A_974 : f32 to vector<16xf32>
      %broadcast_in_dim3A_976 = arith.constant 0.000000e+00 : f32
      %broadcast_in_dim3A_977 = vector.broadcast %broadcast_in_dim3A_976 : f32 to vector<16xf32>
      %scan3A_978 = arith.constant 0 : i32
      %scan3A_979 = arith.constant 50 : i32
      %scan3A_980 = arith.addi %scan3A_978, %scan3A_979 : i32
      %scan3A_981 = arith.constant 1 : i32
      %scan3A_982:16 = scf.for %scan3A_1075 = %scan3A_978 to %scan3A_980 step %scan3A_981 iter_args(%scan3A_1076 = %broadcast_in_dim3A_947, %scan3A_1077 = %broadcast_in_dim3A_949, %scan3A_1078 = %broadcast_in_dim3A_951, %scan3A_1079 = %broadcast_in_dim3A_953, %scan3A_1080 = %broadcast_in_dim3A_955, %scan3A_1081 = %broadcast_in_dim3A_957, %scan3A_1082 = %broadcast_in_dim3A_959, %scan3A_1083 = %broadcast_in_dim3A_961, %scan3A_1084 = %broadcast_in_dim3A_963, %scan3A_1085 = %broadcast_in_dim3A_965, %scan3A_1086 = %broadcast_in_dim3A_967, %scan3A_1087 = %broadcast_in_dim3A_969, %scan3A_1088 = %broadcast_in_dim3A_971, %scan3A_1089 = %broadcast_in_dim3A_973, %scan3A_1090 = %broadcast_in_dim3A_975, %scan3A_1091 = %broadcast_in_dim3A_977) -> (vector<16xf32>, vector<16xf32>, vector<16xf32>, vector<16xf32>, vector<16xf32>, vector<16xf32>, vector<16xf32>, vector<16xf32>, vector<16xf32>, vector<16xf32>, vector<16xf32>, vector<16xf32>, vector<16xf32>, vector<16xf32>, vector<16xf32>, vector<16xf32>)  : i32 {
        %add3A_1092 = arith.constant 50 : i32
        %add3A_1093 = arith.addi %add3A_1092, %scan3A_1075 : i32
        %get3A = arith.index_cast %add3A_1093 : i32 to index
        %get3A_1094 = arith.constant 0 : index
        %get3A_1095 = tpu.vector_load %arg9[%get3A, %get3A_1094] {strides = array<i32>} : memref<104x128xi32, #tpu.memory_space<vmem>>, vector<16xi32>,
        %shift_left3A = arith.constant 16 : i32
        %shift_left3A_1096 = vector.broadcast %shift_left3A : i32 to vector<16xi32>
        %shift_left3A_1097 = arith.shli %get3A_1095, %shift_left3A_1096 : vector<16xi32>
        %bitcast3A = vector.bitcast %shift_left3A_1097 : vector<16xi32> to vector<16xf32>
        %and3A = arith.andi %get3A_1095, %broadcast_in_dim3A_1 : vector<16xi32>
        %bitcast3A_1098 = vector.bitcast %and3A : vector<16xi32> to vector<16xf32>
        %add3A_1099 = arith.addf %scan3A_1076, %bitcast3A : vector<16xf32>
        %add3A_1100 = arith.addf %scan3A_1077, %bitcast3A_1098 : vector<16xf32>
        %add3A_1101 = arith.constant 50 : i32
        %add3A_1102 = arith.addi %add3A_1101, %scan3A_1075 : i32
        %get3A_1103 = arith.index_cast %add3A_1102 : i32 to index
        %get3A_1104 = arith.constant 16 : index
        %get3A_1105 = tpu.vector_load %arg9[%get3A_1103, %get3A_1104] {strides = array<i32>} : memref<104x128xi32, #tpu.memory_space<vmem>>, vector<16xi32>,
        %shift_left3A_1106 = arith.constant 16 : i32
        %shift_left3A_1107 = vector.broadcast %shift_left3A_1106 : i32 to vector<16xi32>
        %shift_left3A_1108 = arith.shli %get3A_1105, %shift_left3A_1107 : vector<16xi32>
        %bitcast3A_1109 = vector.bitcast %shift_left3A_1108 : vector<16xi32> to vector<16xf32>
        %and3A_1110 = arith.andi %get3A_1105, %broadcast_in_dim3A_1 : vector<16xi32>
        %bitcast3A_1111 = vector.bitcast %and3A_1110 : vector<16xi32> to vector<16xf32>
        %add3A_1112 = arith.addf %scan3A_1078, %bitcast3A_1109 : vector<16xf32>
        %add3A_1113 = arith.addf %scan3A_1079, %bitcast3A_1111 : vector<16xf32>
        %add3A_1114 = arith.constant 50 : i32
        %add3A_1115 = arith.addi %add3A_1114, %scan3A_1075 : i32
        %get3A_1116 = arith.index_cast %add3A_1115 : i32 to index
        %get3A_1117 = arith.constant 32 : index
        %get3A_1118 = tpu.vector_load %arg9[%get3A_1116, %get3A_1117] {strides = array<i32>} : memref<104x128xi32, #tpu.memory_space<vmem>>, vector<16xi32>,
        %shift_left3A_1119 = arith.constant 16 : i32
        %shift_left3A_1120 = vector.broadcast %shift_left3A_1119 : i32 to vector<16xi32>
        %shift_left3A_1121 = arith.shli %get3A_1118, %shift_left3A_1120 : vector<16xi32>
        %bitcast3A_1122 = vector.bitcast %shift_left3A_1121 : vector<16xi32> to vector<16xf32>
        %and3A_1123 = arith.andi %get3A_1118, %broadcast_in_dim3A_1 : vector<16xi32>
        %bitcast3A_1124 = vector.bitcast %and3A_1123 : vector<16xi32> to vector<16xf32>
        %add3A_1125 = arith.addf %scan3A_1080, %bitcast3A_1122 : vector<16xf32>
        %add3A_1126 = arith.addf %scan3A_1081, %bitcast3A_1124 : vector<16xf32>
        %add3A_1127 = arith.constant 50 : i32
        %add3A_1128 = arith.addi %add3A_1127, %scan3A_1075 : i32
        %get3A_1129 = arith.index_cast %add3A_1128 : i32 to index
        %get3A_1130 = arith.constant 48 : index
        %get3A_1131 = tpu.vector_load %arg9[%get3A_1129, %get3A_1130] {strides = array<i32>} : memref<104x128xi32, #tpu.memory_space<vmem>>, vector<16xi32>,
        %shift_left3A_1132 = arith.constant 16 : i32
        %shift_left3A_1133 = vector.broadcast %shift_left3A_1132 : i32 to vector<16xi32>
        %shift_left3A_1134 = arith.shli %get3A_1131, %shift_left3A_1133 : vector<16xi32>
        %bitcast3A_1135 = vector.bitcast %shift_left3A_1134 : vector<16xi32> to vector<16xf32>
        %and3A_1136 = arith.andi %get3A_1131, %broadcast_in_dim3A_1 : vector<16xi32>
        %bitcast3A_1137 = vector.bitcast %and3A_1136 : vector<16xi32> to vector<16xf32>
        %add3A_1138 = arith.addf %scan3A_1082, %bitcast3A_1135 : vector<16xf32>
        %add3A_1139 = arith.addf %scan3A_1083, %bitcast3A_1137 : vector<16xf32>
        %add3A_1140 = arith.constant 50 : i32
        %add3A_1141 = arith.addi %add3A_1140, %scan3A_1075 : i32
        %get3A_1142 = arith.index_cast %add3A_1141 : i32 to index
        %get3A_1143 = arith.constant 64 : index
        %get3A_1144 = tpu.vector_load %arg9[%get3A_1142, %get3A_1143] {strides = array<i32>} : memref<104x128xi32, #tpu.memory_space<vmem>>, vector<16xi32>,
        %shift_left3A_1145 = arith.constant 16 : i32
        %shift_left3A_1146 = vector.broadcast %shift_left3A_1145 : i32 to vector<16xi32>
        %shift_left3A_1147 = arith.shli %get3A_1144, %shift_left3A_1146 : vector<16xi32>
        %bitcast3A_1148 = vector.bitcast %shift_left3A_1147 : vector<16xi32> to vector<16xf32>
        %and3A_1149 = arith.andi %get3A_1144, %broadcast_in_dim3A_1 : vector<16xi32>
        %bitcast3A_1150 = vector.bitcast %and3A_1149 : vector<16xi32> to vector<16xf32>
        %add3A_1151 = arith.addf %scan3A_1084, %bitcast3A_1148 : vector<16xf32>
        %add3A_1152 = arith.addf %scan3A_1085, %bitcast3A_1150 : vector<16xf32>
        %add3A_1153 = arith.constant 50 : i32
        %add3A_1154 = arith.addi %add3A_1153, %scan3A_1075 : i32
        %get3A_1155 = arith.index_cast %add3A_1154 : i32 to index
        %get3A_1156 = arith.constant 80 : index
        %get3A_1157 = tpu.vector_load %arg9[%get3A_1155, %get3A_1156] {strides = array<i32>} : memref<104x128xi32, #tpu.memory_space<vmem>>, vector<16xi32>,
        %shift_left3A_1158 = arith.constant 16 : i32
        %shift_left3A_1159 = vector.broadcast %shift_left3A_1158 : i32 to vector<16xi32>
        %shift_left3A_1160 = arith.shli %get3A_1157, %shift_left3A_1159 : vector<16xi32>
        %bitcast3A_1161 = vector.bitcast %shift_left3A_1160 : vector<16xi32> to vector<16xf32>
        %and3A_1162 = arith.andi %get3A_1157, %broadcast_in_dim3A_1 : vector<16xi32>
        %bitcast3A_1163 = vector.bitcast %and3A_1162 : vector<16xi32> to vector<16xf32>
        %add3A_1164 = arith.addf %scan3A_1086, %bitcast3A_1161 : vector<16xf32>
        %add3A_1165 = arith.addf %scan3A_1087, %bitcast3A_1163 : vector<16xf32>
        %add3A_1166 = arith.constant 50 : i32
        %add3A_1167 = arith.addi %add3A_1166, %scan3A_1075 : i32
        %get3A_1168 = arith.index_cast %add3A_1167 : i32 to index
        %get3A_1169 = arith.constant 96 : index
        %get3A_1170 = tpu.vector_load %arg9[%get3A_1168, %get3A_1169] {strides = array<i32>} : memref<104x128xi32, #tpu.memory_space<vmem>>, vector<16xi32>,
        %shift_left3A_1171 = arith.constant 16 : i32
        %shift_left3A_1172 = vector.broadcast %shift_left3A_1171 : i32 to vector<16xi32>
        %shift_left3A_1173 = arith.shli %get3A_1170, %shift_left3A_1172 : vector<16xi32>
        %bitcast3A_1174 = vector.bitcast %shift_left3A_1173 : vector<16xi32> to vector<16xf32>
        %and3A_1175 = arith.andi %get3A_1170, %broadcast_in_dim3A_1 : vector<16xi32>
        %bitcast3A_1176 = vector.bitcast %and3A_1175 : vector<16xi32> to vector<16xf32>
        %add3A_1177 = arith.addf %scan3A_1088, %bitcast3A_1174 : vector<16xf32>
        %add3A_1178 = arith.addf %scan3A_1089, %bitcast3A_1176 : vector<16xf32>
        %add3A_1179 = arith.constant 50 : i32
        %add3A_1180 = arith.addi %add3A_1179, %scan3A_1075 : i32
        %get3A_1181 = arith.index_cast %add3A_1180 : i32 to index
        %get3A_1182 = arith.constant 112 : index
        %get3A_1183 = tpu.vector_load %arg9[%get3A_1181, %get3A_1182] {strides = array<i32>} : memref<104x128xi32, #tpu.memory_space<vmem>>, vector<16xi32>,
        %shift_left3A_1184 = arith.constant 16 : i32
        %shift_left3A_1185 = vector.broadcast %shift_left3A_1184 : i32 to vector<16xi32>
        %shift_left3A_1186 = arith.shli %get3A_1183, %shift_left3A_1185 : vector<16xi32>
        %bitcast3A_1187 = vector.bitcast %shift_left3A_1186 : vector<16xi32> to vector<16xf32>
        %and3A_1188 = arith.andi %get3A_1183, %broadcast_in_dim3A_1 : vector<16xi32>
        %bitcast3A_1189 = vector.bitcast %and3A_1188 : vector<16xi32> to vector<16xf32>
        %add3A_1190 = arith.addf %scan3A_1090, %bitcast3A_1187 : vector<16xf32>
        %add3A_1191 = arith.addf %scan3A_1091, %bitcast3A_1189 : vector<16xf32>
        scf.yield %add3A_1099, %add3A_1100, %add3A_1112, %add3A_1113, %add3A_1125, %add3A_1126, %add3A_1138, %add3A_1139, %add3A_1151, %add3A_1152, %add3A_1164, %add3A_1165, %add3A_1177, %add3A_1178, %add3A_1190, %add3A_1191 : vector<16xf32>, vector<16xf32>, vector<16xf32>, vector<16xf32>, vector<16xf32>, vector<16xf32>, vector<16xf32>, vector<16xf32>, vector<16xf32>, vector<16xf32>, vector<16xf32>, vector<16xf32>, vector<16xf32>, vector<16xf32>, vector<16xf32>, vector<16xf32>
      }
      %scan3A_983 = arith.constant 50 : i32
      %add3A_984 = arith.constant 1 : i32
      %add3A_985 = arith.addi %mul3A_827, %add3A_984 : i32
      %swap3A_986 = arith.index_cast %add3A_985 : i32 to index
      %swap3A_987 = arith.constant 0 : index
      %swap3A_988 = tpu.vector_load %arg10[%swap3A_986, %swap3A_987] {strides = array<i32>} : memref<64x256xf32, #tpu.memory_space<vmem>>, vector<16xf32>,
      tpu.vector_store %arg10[%swap3A_986, %swap3A_987], %scan3A_982#0 {strides = array<i32>} : memref<64x256xf32, #tpu.memory_space<vmem>>, vector<16xf32>,
      %add3A_989 = arith.constant 1 : i32
      %add3A_990 = arith.addi %mul3A_827, %add3A_989 : i32
      %swap3A_991 = arith.index_cast %add3A_990 : i32 to index
      %swap3A_992 = arith.constant 16 : index
      %swap3A_993 = tpu.vector_load %arg10[%swap3A_991, %swap3A_992] {strides = array<i32>} : memref<64x256xf32, #tpu.memory_space<vmem>>, vector<16xf32>,
      tpu.vector_store %arg10[%swap3A_991, %swap3A_992], %scan3A_982#1 {strides = array<i32>} : memref<64x256xf32, #tpu.memory_space<vmem>>, vector<16xf32>,
      %add3A_994 = arith.constant 1 : i32
      %add3A_995 = arith.addi %mul3A_827, %add3A_994 : i32
      %swap3A_996 = arith.index_cast %add3A_995 : i32 to index
      %swap3A_997 = arith.constant 32 : index
      %swap3A_998 = tpu.vector_load %arg10[%swap3A_996, %swap3A_997] {strides = array<i32>} : memref<64x256xf32, #tpu.memory_space<vmem>>, vector<16xf32>,
      tpu.vector_store %arg10[%swap3A_996, %swap3A_997], %scan3A_982#2 {strides = array<i32>} : memref<64x256xf32, #tpu.memory_space<vmem>>, vector<16xf32>,
      %add3A_999 = arith.constant 1 : i32
      %add3A_1000 = arith.addi %mul3A_827, %add3A_999 : i32
      %swap3A_1001 = arith.index_cast %add3A_1000 : i32 to index
      %swap3A_1002 = arith.constant 48 : index
      %swap3A_1003 = tpu.vector_load %arg10[%swap3A_1001, %swap3A_1002] {strides = array<i32>} : memref<64x256xf32, #tpu.memory_space<vmem>>, vector<16xf32>,
      tpu.vector_store %arg10[%swap3A_1001, %swap3A_1002], %scan3A_982#3 {strides = array<i32>} : memref<64x256xf32, #tpu.memory_space<vmem>>, vector<16xf32>,
      %add3A_1004 = arith.constant 1 : i32
      %add3A_1005 = arith.addi %mul3A_827, %add3A_1004 : i32
      %swap3A_1006 = arith.index_cast %add3A_1005 : i32 to index
      %swap3A_1007 = arith.constant 64 : index
      %swap3A_1008 = tpu.vector_load %arg10[%swap3A_1006, %swap3A_1007] {strides = array<i32>} : memref<64x256xf32, #tpu.memory_space<vmem>>, vector<16xf32>,
      tpu.vector_store %arg10[%swap3A_1006, %swap3A_1007], %scan3A_982#4 {strides = array<i32>} : memref<64x256xf32, #tpu.memory_space<vmem>>, vector<16xf32>,
      %add3A_1009 = arith.constant 1 : i32
      %add3A_1010 = arith.addi %mul3A_827, %add3A_1009 : i32
      %swap3A_1011 = arith.index_cast %add3A_1010 : i32 to index
      %swap3A_1012 = arith.constant 80 : index
      %swap3A_1013 = tpu.vector_load %arg10[%swap3A_1011, %swap3A_1012] {strides = array<i32>} : memref<64x256xf32, #tpu.memory_space<vmem>>, vector<16xf32>,
      tpu.vector_store %arg10[%swap3A_1011, %swap3A_1012], %scan3A_982#5 {strides = array<i32>} : memref<64x256xf32, #tpu.memory_space<vmem>>, vector<16xf32>,
      %add3A_1014 = arith.constant 1 : i32
      %add3A_1015 = arith.addi %mul3A_827, %add3A_1014 : i32
      %swap3A_1016 = arith.index_cast %add3A_1015 : i32 to index
      %swap3A_1017 = arith.constant 96 : index
      %swap3A_1018 = tpu.vector_load %arg10[%swap3A_1016, %swap3A_1017] {strides = array<i32>} : memref<64x256xf32, #tpu.memory_space<vmem>>, vector<16xf32>,
      tpu.vector_store %arg10[%swap3A_1016, %swap3A_1017], %scan3A_982#6 {strides = array<i32>} : memref<64x256xf32, #tpu.memory_space<vmem>>, vector<16xf32>,
      %add3A_1019 = arith.constant 1 : i32
      %add3A_1020 = arith.addi %mul3A_827, %add3A_1019 : i32
      %swap3A_1021 = arith.index_cast %add3A_1020 : i32 to index
      %swap3A_1022 = arith.constant 112 : index
      %swap3A_1023 = tpu.vector_load %arg10[%swap3A_1021, %swap3A_1022] {strides = array<i32>} : memref<64x256xf32, #tpu.memory_space<vmem>>, vector<16xf32>,
      tpu.vector_store %arg10[%swap3A_1021, %swap3A_1022], %scan3A_982#7 {strides = array<i32>} : memref<64x256xf32, #tpu.memory_space<vmem>>, vector<16xf32>,
      %add3A_1024 = arith.constant 1 : i32
      %add3A_1025 = arith.addi %mul3A_827, %add3A_1024 : i32
      %swap3A_1026 = arith.index_cast %add3A_1025 : i32 to index
      %swap3A_1027 = arith.constant 128 : index
      %swap3A_1028 = tpu.vector_load %arg10[%swap3A_1026, %swap3A_1027] {strides = array<i32>} : memref<64x256xf32, #tpu.memory_space<vmem>>, vector<16xf32>,
      tpu.vector_store %arg10[%swap3A_1026, %swap3A_1027], %scan3A_982#8 {strides = array<i32>} : memref<64x256xf32, #tpu.memory_space<vmem>>, vector<16xf32>,
      %add3A_1029 = arith.constant 1 : i32
      %add3A_1030 = arith.addi %mul3A_827, %add3A_1029 : i32
      %swap3A_1031 = arith.index_cast %add3A_1030 : i32 to index
      %swap3A_1032 = arith.constant 144 : index
      %swap3A_1033 = tpu.vector_load %arg10[%swap3A_1031, %swap3A_1032] {strides = array<i32>} : memref<64x256xf32, #tpu.memory_space<vmem>>, vector<16xf32>,
      tpu.vector_store %arg10[%swap3A_1031, %swap3A_1032], %scan3A_982#9 {strides = array<i32>} : memref<64x256xf32, #tpu.memory_space<vmem>>, vector<16xf32>,
      %add3A_1034 = arith.constant 1 : i32
      %add3A_1035 = arith.addi %mul3A_827, %add3A_1034 : i32
      %swap3A_1036 = arith.index_cast %add3A_1035 : i32 to index
      %swap3A_1037 = arith.constant 160 : index
      %swap3A_1038 = tpu.vector_load %arg10[%swap3A_1036, %swap3A_1037] {strides = array<i32>} : memref<64x256xf32, #tpu.memory_space<vmem>>, vector<16xf32>,
      tpu.vector_store %arg10[%swap3A_1036, %swap3A_1037], %scan3A_982#10 {strides = array<i32>} : memref<64x256xf32, #tpu.memory_space<vmem>>, vector<16xf32>,
      %add3A_1039 = arith.constant 1 : i32
      %add3A_1040 = arith.addi %mul3A_827, %add3A_1039 : i32
      %swap3A_1041 = arith.index_cast %add3A_1040 : i32 to index
      %swap3A_1042 = arith.constant 176 : index
      %swap3A_1043 = tpu.vector_load %arg10[%swap3A_1041, %swap3A_1042] {strides = array<i32>} : memref<64x256xf32, #tpu.memory_space<vmem>>, vector<16xf32>,
      tpu.vector_store %arg10[%swap3A_1041, %swap3A_1042], %scan3A_982#11 {strides = array<i32>} : memref<64x256xf32, #tpu.memory_space<vmem>>, vector<16xf32>,
      %add3A_1044 = arith.constant 1 : i32
      %add3A_1045 = arith.addi %mul3A_827, %add3A_1044 : i32
      %swap3A_1046 = arith.index_cast %add3A_1045 : i32 to index
      %swap3A_1047 = arith.constant 192 : index
      %swap3A_1048 = tpu.vector_load %arg10[%swap3A_1046, %swap3A_1047] {strides = array<i32>} : memref<64x256xf32, #tpu.memory_space<vmem>>, vector<16xf32>,
      tpu.vector_store %arg10[%swap3A_1046, %swap3A_1047], %scan3A_982#12 {strides = array<i32>} : memref<64x256xf32, #tpu.memory_space<vmem>>, vector<16xf32>,
      %add3A_1049 = arith.constant 1 : i32
      %add3A_1050 = arith.addi %mul3A_827, %add3A_1049 : i32
      %swap3A_1051 = arith.index_cast %add3A_1050 : i32 to index
      %swap3A_1052 = arith.constant 208 : index
      %swap3A_1053 = tpu.vector_load %arg10[%swap3A_1051, %swap3A_1052] {strides = array<i32>} : memref<64x256xf32, #tpu.memory_space<vmem>>, vector<16xf32>,
      tpu.vector_store %arg10[%swap3A_1051, %swap3A_1052], %scan3A_982#13 {strides = array<i32>} : memref<64x256xf32, #tpu.memory_space<vmem>>, vector<16xf32>,
      %add3A_1054 = arith.constant 1 : i32
      %add3A_1055 = arith.addi %mul3A_827, %add3A_1054 : i32
      %swap3A_1056 = arith.index_cast %add3A_1055 : i32 to index
      %swap3A_1057 = arith.constant 224 : index
      %swap3A_1058 = tpu.vector_load %arg10[%swap3A_1056, %swap3A_1057] {strides = array<i32>} : memref<64x256xf32, #tpu.memory_space<vmem>>, vector<16xf32>,
      tpu.vector_store %arg10[%swap3A_1056, %swap3A_1057], %scan3A_982#14 {strides = array<i32>} : memref<64x256xf32, #tpu.memory_space<vmem>>, vector<16xf32>,
      %add3A_1059 = arith.constant 1 : i32
      %add3A_1060 = arith.addi %mul3A_827, %add3A_1059 : i32
      %swap3A_1061 = arith.index_cast %add3A_1060 : i32 to index
      %swap3A_1062 = arith.constant 240 : index
      %swap3A_1063 = tpu.vector_load %arg10[%swap3A_1061, %swap3A_1062] {strides = array<i32>} : memref<64x256xf32, #tpu.memory_space<vmem>>, vector<16xf32>,
      tpu.vector_store %arg10[%swap3A_1061, %swap3A_1062], %scan3A_982#15 {strides = array<i32>} : memref<64x256xf32, #tpu.memory_space<vmem>>, vector<16xf32>,
      %add3A_1064 = arith.constant 4 : i32
      %add3A_1065 = arith.addi %add3A_814, %add3A_1064 : i32
      %lt3A_1066 = arith.constant 256 : i32
      %lt3A_1067 = arith.cmpi slt, %add3A_1065, %lt3A_1066 : i32
      %convert_element_type3A_1068 = arith.extui %lt3A_1067 : i1 to i32
      %cond3A_1069 = arith.constant 0 : i32
      %cond3A_1070 = arith.cmpi ne, %convert_element_type3A_1068, %cond3A_1069 : i32
      scf.if %cond3A_1070 {
        %add3A_1075 = arith.constant 4 : i32
        %add3A_1076 = arith.addi %add3A_814, %add3A_1075 : i32
        %dma_start3A_1077 = arith.constant 0 : i32
        %dma_start3A_1078 = tpu.memref_slice %arg5[%add3A_1076, %dma_start3A_1077] : memref<256x104xi32, #tpu.memory_space<vmem>> -> memref<1x104xi32, #tpu.memory_space<vmem>>
        %dma_start3A_1079 = tpu.memref_squeeze %dma_start3A_1078 : memref<1x104xi32, #tpu.memory_space<vmem>> -> memref<104xi32, #tpu.memory_space<vmem>>
        %dma_start3A_1080 = arith.constant 0 : i32
        %dma_start3A_1081 = arith.constant 0 : i32
        %dma_start3A_1082 = tpu.memref_slice %arg2[%dma_start3A_1080, %dma_start3A_1081] : memref<90240x128xi32, #tpu.memory_space<hbm>> -> memref<90240x128xi32, #tpu.memory_space<hbm>>
        tpu.enqueue_indirect_dma source(%dma_start3A_1082 : memref<90240x128xi32, #tpu.memory_space<hbm>>) target(%arg9 : memref<104x128xi32, #tpu.memory_space<vmem>>) offsets(%dma_start3A_1079 : memref<104xi32, #tpu.memory_space<vmem>>) semaphore(%arg14 : memref<!tpu.dma_semaphore, #tpu.memory_space<semaphore_mem>>)
      } else {
      }
      %eq3A = arith.constant 7 : i32
      %eq3A_1071 = arith.cmpi eq, %rem3A_35, %eq3A : i32
      %convert_element_type3A_1072 = arith.extui %eq3A_1071 : i1 to i32
      %cond3A_1073 = arith.constant 0 : i32
      %cond3A_1074 = arith.cmpi ne, %convert_element_type3A_1072, %cond3A_1073 : i32
      scf.if %cond3A_1074 {
        %mul3A_1075 = arith.constant 512 : i32
        %mul3A_1076 = arith.muli %add3A, %mul3A_1075 : i32
        %jit3A = arith.constant 8 : i32
        %div3A = arith.divsi %scan3A_34, %jit3A : i32
        %sign3A = arith.constant 0 : i32
        %sign3A_1077 = arith.cmpi sgt, %scan3A_34, %sign3A : i32
        %sign3A_1078 = arith.extui %sign3A_1077 : i1 to i32
        %sign3A_1079 = arith.constant 0 : i32
        %sign3A_1080 = arith.cmpi slt, %scan3A_34, %sign3A_1079 : i32
        %sign3A_1081 = arith.extui %sign3A_1080 : i1 to i32
        %sign3A_1082 = arith.subi %sign3A_1078, %sign3A_1081 : i32
        %sign3A_1083 = arith.constant 0 : i32
        %sign3A_1084 = arith.cmpi sgt, %jit3A, %sign3A_1083 : i32
        %sign3A_1085 = arith.extui %sign3A_1084 : i1 to i32
        %sign3A_1086 = arith.constant 0 : i32
        %sign3A_1087 = arith.cmpi slt, %jit3A, %sign3A_1086 : i32
        %sign3A_1088 = arith.extui %sign3A_1087 : i1 to i32
        %sign3A_1089 = arith.subi %sign3A_1085, %sign3A_1088 : i32
        %ne3A = arith.cmpi ne, %sign3A_1082, %sign3A_1089 : i32
        %rem3A_1090 = arith.remsi %scan3A_34, %jit3A : i32
        %ne3A_1091 = arith.constant 0 : i32
        %ne3A_1092 = arith.cmpi ne, %rem3A_1090, %ne3A_1091 : i32
        %and3A = arith.andi %ne3A, %ne3A_1092 : i1
        %sub3A = arith.constant 1 : i32
        %sub3A_1093 = arith.subi %div3A, %sub3A : i32
        %select_n3A = arith.select %and3A, %sub3A_1093, %div3A : i32
        %mul3A_1094 = arith.constant 64 : i32
        %mul3A_1095 = arith.muli %select_n3A, %mul3A_1094 : i32
        %add3A_1096 = arith.addi %mul3A_1076, %mul3A_1095 : i32
        "tpu.region"() ({
          %run_scoped3A = tpu.sem_alloc : memref<!tpu.dma_semaphore, #tpu.memory_space<semaphore_mem>>
          %dma_start3A_1097 = arith.constant 0 : i32
          %dma_start3A_1098 = tpu.memref_slice %arg4[%add3A_1096, %dma_start3A_1097] : memref<16384x256xf32, #tpu.memory_space<hbm>> -> memref<64x256xf32, #tpu.memory_space<hbm>>
          %dma_start3A_1099 = arith.constant 0 : i32
          %dma_start3A_1100 = tpu.memref_slice %arg4[%add3A_1096, %dma_start3A_1099] : memref<16384x256xf32, #tpu.memory_space<hbm>> -> memref<64x256xf32, #tpu.memory_space<hbm>>
          tpu.enqueue_dma source(%arg10 : memref<64x256xf32, #tpu.memory_space<vmem>>) target(%dma_start3A_1100 : memref<64x256xf32, #tpu.memory_space<hbm>>) target_semaphore(%run_scoped3A : memref<!tpu.dma_semaphore, #tpu.memory_space<semaphore_mem>>)
          %dma_wait3A_1101 = arith.constant 0 : i32
          %dma_wait3A_1102 = tpu.memref_slice %arg4[%add3A_1096, %dma_wait3A_1101] : memref<16384x256xf32, #tpu.memory_space<hbm>> -> memref<64x256xf32, #tpu.memory_space<hbm>>
          %dma_wait3A_1103 = arith.constant 0 : i32
          %dma_wait3A_1104 = tpu.memref_slice %arg4[%add3A_1096, %dma_wait3A_1103] : memref<16384x256xf32, #tpu.memory_space<hbm>> -> memref<64x256xf32, #tpu.memory_space<hbm>>
          tpu.wait_dma2 semaphore(%run_scoped3A : memref<!tpu.dma_semaphore, #tpu.memory_space<semaphore_mem>>) src(%arg10 : memref<64x256xf32, #tpu.memory_space<vmem>>) dst(%dma_wait3A_1104 : memref<64x256xf32, #tpu.memory_space<hbm>>)
          tpu.yield
        }) : () -> ()
      } else {
      }
    }
    %scan3A_33 = arith.constant 64 : i32
    return
  }
}

module attributes {stable_mosaic.version = 14 : i64} {
  func.func @body(%arg0: i32, %arg1: memref<2048x256xf32, #tpu.memory_space<vmem>>, %arg2: memref<1x1x2048xi32, #tpu.memory_space<vmem>>, %arg3: memref<64x256xf32, #tpu.memory_space<vmem>>, %arg4: memref<1x64xf32, #tpu.memory_space<vmem>>, %arg5: memref<64x128xf32, #tpu.memory_space<vmem>>, %arg6: memref<1x128xf32, #tpu.memory_space<vmem>>, %arg7: memref<128x4xf32, #tpu.memory_space<vmem>>, %arg8: memref<1x4xf32, #tpu.memory_space<vmem>>, %arg9: memref<1x1x2048xf32, #tpu.memory_space<vmem>>) attributes {dimension_semantics = [#tpu.dimension_semantics<arbitrary>], iteration_bounds = array<i64: 8>, scalar_prefetch = 0 : i64, scratch_operands = 0 : i64, tpu.core_type = #tpu.core_type<tc>, window_params = [{transform_indices = @transform_0, window_bounds = array<i64: 2048, 256>}, {transform_indices = @transform_1, window_bounds = array<i64: 1, 1, 2048>}, {pipeline_mode = #tpu.pipeline_mode<synchronous>, transform_indices = @transform_2, window_bounds = array<i64: 64, 256>}, {pipeline_mode = #tpu.pipeline_mode<synchronous>, transform_indices = @transform_3, window_bounds = array<i64: 1, 64>}, {pipeline_mode = #tpu.pipeline_mode<synchronous>, transform_indices = @transform_4, window_bounds = array<i64: 64, 128>}, {pipeline_mode = #tpu.pipeline_mode<synchronous>, transform_indices = @transform_5, window_bounds = array<i64: 1, 128>}, {pipeline_mode = #tpu.pipeline_mode<synchronous>, transform_indices = @transform_6, window_bounds = array<i64: 128, 4>}, {pipeline_mode = #tpu.pipeline_mode<synchronous>, transform_indices = @transform_7, window_bounds = array<i64: 1, 4>}, {transform_indices = @transform_8, window_bounds = array<i64: 1, 1, 2048>}]} {
    %get3A = arith.constant 0 : index
    %get3A_0 = arith.constant 0 : index
    %get3A_1 = vector.load %arg1[%get3A, %get3A_0] : memref<2048x256xf32, #tpu.memory_space<vmem>>, vector<2048x256xf32>
    %mul3A = arith.constant 2.000000e-02 : f32
    %mul3A_2 = vector.broadcast %mul3A : f32 to vector<2048x256xf32>
    %mul3A_3 = arith.mulf %get3A_1, %mul3A_2 : vector<2048x256xf32>
    %jit3A = arith.constant -1.000000e+00 : f32
    %jit3A_4 = arith.constant 0.9921875 : f32
    %max3A = vector.broadcast %jit3A : f32 to vector<2048x256xf32>
    %max3A_5 = arith.maximumf %max3A, %mul3A_3 : vector<2048x256xf32>
    %min3A = vector.broadcast %jit3A_4 : f32 to vector<2048x256xf32>
    %min3A_6 = arith.minimumf %min3A, %max3A_5 : vector<2048x256xf32>
    %sub3A = arith.subf %mul3A_3, %min3A_6 : vector<2048x256xf32>
    %mul3A_7 = arith.constant 5.000000e-02 : f32
    %mul3A_8 = vector.broadcast %mul3A_7 : f32 to vector<2048x256xf32>
    %mul3A_9 = arith.mulf %mul3A_8, %sub3A : vector<2048x256xf32>
    %add3A = arith.addf %min3A_6, %mul3A_9 : vector<2048x256xf32>
    %get3A_10 = arith.constant 0 : index
    %get3A_11 = arith.constant 0 : index
    %get3A_12 = arith.constant 0 : index
    %get3A_13 = vector.load %arg2[%get3A_10, %get3A_11, %get3A_12] : memref<1x1x2048xi32, #tpu.memory_space<vmem>>, vector<1x1x2048xi32>
    %get3A_14 = vector.shape_cast %get3A_13 : vector<1x1x2048xi32> to vector<2048xi32>
    %get3A_15 = arith.constant 0 : index
    %get3A_16 = arith.constant 0 : index
    %get3A_17 = vector.load %arg3[%get3A_15, %get3A_16] : memref<64x256xf32, #tpu.memory_space<vmem>>, vector<64x256xf32>
    %dot_general3A = arith.constant dense<0.000000e+00> : vector<2048x64xf32>
    %dot_general3A_18 = tpu.matmul %add3A, %get3A_17, %dot_general3A {dimension_numbers = #tpu.dot_dimension_numbers<[1], [1], [0], [0], [0, 0, 1, 0], [], []>, transpose_lhs_hint = false} : vector<2048x256xf32>, vector<64x256xf32>, vector<2048x64xf32> -> vector<2048x64xf32>
    %get3A_19 = arith.constant 0 : index
    %get3A_20 = arith.constant 0 : index
    %get3A_21 = vector.load %arg4[%get3A_19, %get3A_20] : memref<1x64xf32, #tpu.memory_space<vmem>>, vector<1x64xf32>
    %add3A_22 = vector.broadcast %get3A_21 : vector<1x64xf32> to vector<2048x64xf32>
    %add3A_23 = arith.addf %dot_general3A_18, %add3A_22 : vector<2048x64xf32>
    %jit3A_24 = arith.constant -1.000000e+00 : f32
    %jit3A_25 = arith.constant 0.9921875 : f32
    %max3A_26 = vector.broadcast %jit3A_24 : f32 to vector<2048x64xf32>
    %max3A_27 = arith.maximumf %max3A_26, %add3A_23 : vector<2048x64xf32>
    %min3A_28 = vector.broadcast %jit3A_25 : f32 to vector<2048x64xf32>
    %min3A_29 = arith.minimumf %min3A_28, %max3A_27 : vector<2048x64xf32>
    %sub3A_30 = arith.subf %add3A_23, %min3A_29 : vector<2048x64xf32>
    %mul3A_31 = arith.constant 5.000000e-02 : f32
    %mul3A_32 = vector.broadcast %mul3A_31 : f32 to vector<2048x64xf32>
    %mul3A_33 = arith.mulf %mul3A_32, %sub3A_30 : vector<2048x64xf32>
    %add3A_34 = arith.addf %min3A_29, %mul3A_33 : vector<2048x64xf32>
    %get3A_35 = arith.constant 0 : index
    %get3A_36 = arith.constant 0 : index
    %get3A_37 = vector.load %arg5[%get3A_35, %get3A_36] : memref<64x128xf32, #tpu.memory_space<vmem>>, vector<64x128xf32>
    %dot_general3A_38 = arith.constant dense<0.000000e+00> : vector<2048x128xf32>
    %dot_general3A_39 = tpu.matmul %add3A_34, %get3A_37, %dot_general3A_38 {dimension_numbers = #tpu.dot_dimension_numbers<[1], [0], [0], [1], [0, 0, 1, 1], [], []>, transpose_lhs_hint = false} : vector<2048x64xf32>, vector<64x128xf32>, vector<2048x128xf32> -> vector<2048x128xf32>
    %get3A_40 = arith.constant 0 : index
    %get3A_41 = arith.constant 0 : index
    %get3A_42 = vector.load %arg6[%get3A_40, %get3A_41] : memref<1x128xf32, #tpu.memory_space<vmem>>, vector<1x128xf32>
    %add3A_43 = vector.broadcast %get3A_42 : vector<1x128xf32> to vector<2048x128xf32>
    %add3A_44 = arith.addf %dot_general3A_39, %add3A_43 : vector<2048x128xf32>
    %jit3A_45 = arith.constant -1.000000e+00 : f32
    %jit3A_46 = arith.constant 0.9921875 : f32
    %max3A_47 = vector.broadcast %jit3A_45 : f32 to vector<2048x128xf32>
    %max3A_48 = arith.maximumf %max3A_47, %add3A_44 : vector<2048x128xf32>
    %min3A_49 = vector.broadcast %jit3A_46 : f32 to vector<2048x128xf32>
    %min3A_50 = arith.minimumf %min3A_49, %max3A_48 : vector<2048x128xf32>
    %sub3A_51 = arith.subf %add3A_44, %min3A_50 : vector<2048x128xf32>
    %mul3A_52 = arith.constant 5.000000e-02 : f32
    %mul3A_53 = vector.broadcast %mul3A_52 : f32 to vector<2048x128xf32>
    %mul3A_54 = arith.mulf %mul3A_53, %sub3A_51 : vector<2048x128xf32>
    %add3A_55 = arith.addf %min3A_50, %mul3A_54 : vector<2048x128xf32>
    %get3A_56 = arith.constant 0 : index
    %get3A_57 = arith.constant 0 : index
    %get3A_58 = vector.load %arg7[%get3A_56, %get3A_57] : memref<128x4xf32, #tpu.memory_space<vmem>>, vector<128x4xf32>
    %dot_general3A_59 = arith.constant dense<0.000000e+00> : vector<2048x4xf32>
    %dot_general3A_60 = tpu.matmul %add3A_55, %get3A_58, %dot_general3A_59 {dimension_numbers = #tpu.dot_dimension_numbers<[1], [0], [0], [1], [0, 0, 1, 1], [], []>, transpose_lhs_hint = false} : vector<2048x128xf32>, vector<128x4xf32>, vector<2048x4xf32> -> vector<2048x4xf32>
    %get3A_61 = arith.constant 0 : index
    %get3A_62 = arith.constant 0 : index
    %get3A_63 = vector.load %arg8[%get3A_61, %get3A_62] : memref<1x4xf32, #tpu.memory_space<vmem>>, vector<1x4xf32>
    %add3A_64 = vector.broadcast %get3A_63 : vector<1x4xf32> to vector<2048x4xf32>
    %add3A_65 = arith.addf %dot_general3A_60, %add3A_64 : vector<2048x4xf32>
    %broadcast_in_dim3A = vector.shape_cast %get3A_14 : vector<2048xi32> to vector<2048x1xi32>
    %iota3A = tpu.iota {dimensions = array<i32: 1>} : vector<1x4xi32>
    %eq3A = vector.broadcast %broadcast_in_dim3A : vector<2048x1xi32> to vector<2048x4xi32>
    %eq3A_66 = vector.broadcast %iota3A : vector<1x4xi32> to vector<2048x4xi32>
    %eq3A_67 = arith.cmpi eq, %eq3A, %eq3A_66 : vector<2048x4xi32>
    %convert_element_type3A = arith.extui %eq3A_67 : vector<2048x4xi1> to vector<2048x4xi32>
    %convert_element_type3A_68 = arith.sitofp %convert_element_type3A : vector<2048x4xi32> to vector<2048x4xf32>
    %mul3A_69 = arith.mulf %add3A_65, %convert_element_type3A_68 : vector<2048x4xf32>
    %reduce_sum3A = arith.constant dense<0.000000e+00> : vector<2048xf32>
    %reduce_sum3A_70 = vector.multi_reduction <add>, %mul3A_69, %reduce_sum3A [1] : vector<2048x4xf32> to vector<2048xf32>
    %tanh3A = math.tanh %reduce_sum3A_70 : vector<2048xf32>
    %swap3A = arith.constant 0 : index
    %swap3A_71 = arith.constant 0 : index
    %swap3A_72 = arith.constant 0 : index
    %swap3A_73 = vector.load %arg9[%swap3A, %swap3A_71, %swap3A_72] : memref<1x1x2048xf32, #tpu.memory_space<vmem>>, vector<1x1x2048xf32>
    %swap3A_74 = vector.shape_cast %swap3A_73 : vector<1x1x2048xf32> to vector<2048xf32>
    %swap3A_75 = vector.shape_cast %tanh3A : vector<2048xf32> to vector<1x1x2048xf32>
    tpu.vector_store %arg9[%swap3A, %swap3A_71, %swap3A_72], %swap3A_75 {strides = array<i32>} : memref<1x1x2048xf32, #tpu.memory_space<vmem>>, vector<1x1x2048xf32>,
    return
  }
  func.func @transform_0(%arg0: i32) -> (i32, i32) {
    %c0_i32 = arith.constant 0 : i32
    %c0_i32_0 = arith.constant 0 : i32
    return %arg0, %c0_i32 : i32, i32
  }
  func.func @transform_1(%arg0: i32) -> (i32, i32, i32) {
    %c0_i32 = arith.constant 0 : i32
    %c0_i32_0 = arith.constant 0 : i32
    %c0_i32_1 = arith.constant 0 : i32
    return %arg0, %c0_i32, %c0_i32_0 : i32, i32, i32
  }
  func.func @transform_2(%arg0: i32) -> (i32, i32) {
    %c0_i32 = arith.constant 0 : i32
    %c0_i32_0 = arith.constant 0 : i32
    %c0_i32_1 = arith.constant 0 : i32
    return %c0_i32, %c0_i32_0 : i32, i32
  }
  func.func @transform_3(%arg0: i32) -> (i32, i32) {
    %c0_i32 = arith.constant 0 : i32
    %c0_i32_0 = arith.constant 0 : i32
    %c0_i32_1 = arith.constant 0 : i32
    return %c0_i32, %c0_i32_0 : i32, i32
  }
  func.func @transform_4(%arg0: i32) -> (i32, i32) {
    %c0_i32 = arith.constant 0 : i32
    %c0_i32_0 = arith.constant 0 : i32
    %c0_i32_1 = arith.constant 0 : i32
    return %c0_i32, %c0_i32_0 : i32, i32
  }
  func.func @transform_5(%arg0: i32) -> (i32, i32) {
    %c0_i32 = arith.constant 0 : i32
    %c0_i32_0 = arith.constant 0 : i32
    %c0_i32_1 = arith.constant 0 : i32
    return %c0_i32, %c0_i32_0 : i32, i32
  }
  func.func @transform_6(%arg0: i32) -> (i32, i32) {
    %c0_i32 = arith.constant 0 : i32
    %c0_i32_0 = arith.constant 0 : i32
    %c0_i32_1 = arith.constant 0 : i32
    return %c0_i32, %c0_i32_0 : i32, i32
  }
  func.func @transform_7(%arg0: i32) -> (i32, i32) {
    %c0_i32 = arith.constant 0 : i32
    %c0_i32_0 = arith.constant 0 : i32
    %c0_i32_1 = arith.constant 0 : i32
    return %c0_i32, %c0_i32_0 : i32, i32
  }
  func.func @transform_8(%arg0: i32) -> (i32, i32, i32) {
    %c0_i32 = arith.constant 0 : i32
    %c0_i32_0 = arith.constant 0 : i32
    %c0_i32_1 = arith.constant 0 : i32
    return %arg0, %c0_i32, %c0_i32_0 : i32, i32, i32
  }
}

</mosaic_0001>

<sc_bundles>
// kernel: kernel.4.cloned.1.call-start
scs
__scs_entry_jumppad:
0x0: {  	(pc) =	sbr.rel $0x88, $3  }
0x1: {  	(tag) =	ssettag $0x0;
	lr =	simm.s32 $0x1  }
0x2: {  	[smem:$0x3F86] =	sst lr;
	_ =	strace $0xD0000000  }
0x3: {  	_ = 	snop  }
0x4: {  	_ = 	snop  }
0x5: {  	_ = 	snop  }
0x6: {  	_ = 	snop  }
0x7: {  	_ = 	snop  }
__scs_overlays_trampoline_lowered:
0x8: {  	[smem:$0x3F95] =	sst s0  }
0x9: {  	[smem:$0x3F96] =	sst s1  }
0xa: {  	[smem:$0x3F97] =	sst s2  }
0xb: {  	[smem:$0x3F98] =	sst s3  }
0xc: {  	[smem:$0x3F99] =	sst s4  }
0xd: {  	[smem:$0x3F9A] =	sst s5  }
0xe: {  	[smem:$0x3F9B] =	sst s6  }
0xf: {  	[smem:$0x3F9C] =	sst s7  }
0x10: {  	[smem:$0x3F9D] =	sst s8  }
0x11: {  	[smem:$0x3F9E] =	sst s9;
	s0 =	simm.s32 @!p0 $0x0  }
0x12: {  	s1 =	sld [smem:$0x3F84];
	s0 =	simm.s32 @p0 $0x1  }
0x13: {  	[smem:$0x3F9F] =	sst s0;
	s0 =	simm.s32 @!p1 $0x0  }
0x14: {  	s2 =	sld [smem:$0x3F83];
	s0 =	simm.s32 @p1 $0x1  }
0x15: {  	[smem:$0x3FA0] =	sst s0;
	s0 =	simm.s32 @!p2 $0x0  }
0x16: {  	s3 =	sld [smem:$0x3FDB];
	s0 =	simm.s32 @p2 $0x1  }
0x17: {  	s4 =	simm.s32 $0x1BF5;
	[smem:$0x3FA2] =	sst s0  }
0x18: {  	s0 =	sld [smem:$0x3F85];
	_ =	swait.ge [sflag:s4], $0x0  }
0x19: {  	s7 =	sld [smem:$0x3F86]  }
0x1a: {  	s8 =	sadd.s32 $0xFFFFE003, lr  }
0x1b: {  	s9 =	sadd.s32 $0xFFFFFEF7, lr;
	s5 =	simm.s32 $0xFFFFFFFF;
	p2 =	slt.u32 s8, $0xFFFFF086  }
0x1c: {  	p1 =	slt.u32 s9, $0xF7A;
	s5 =	simm.s32 @!p2 $0x0  }
0x1d: {  	s5 =	simm.s32 @p1 $0x1;
	p0 =	seq.s32 s7, s2  }
0x1e: {  	s7 =	smul.u32 @!p0 $0xF7A, s2;
	p2 =	seq.s32 @!p0 s5, $0x0  }
0x1f: {  	s9 =	smul.u32 $0xF7A, s1;
	s8 =	simm.s32 @!p0 $0x1BF5;
	p2 =	por !p2, p0  }
0x20: {  	[sflag:s8] =	ssyncset.s32 @!p0 $0xFFFFF086;
	s6 =	sadd.s32 @!p0 s3, s7;
	s7 =	simm.s32 @!p0 $0x108  }
0x21: {  	s3 =	sadd.s32 s3, s9;
	s6 =	sadd.s32 @!p0 $0x88, s6;
	s7 =	simm.s32 @p2 $0x1082  }
0x22: {  	[simem:s7], [sflag:s8] =	dma.local @!p0 [hbm:s6], $0xF7A  }
0x23: {  	s9 =	sor.u32 $0xD0000000, s2;
	s6 =	simm.s32 $0x108;
	_ =	swait.ge @!p0 [sflag:s8], $0x0  }
0x24: {  	s3 =	sadd.s32 $0x88, s3;
	s6 =	simm.s32 @!p1 $0x1082;
	[sflag:s4] =	ssyncset.s32 $0xFFFFF086  }
0x25: {  	[simem:s6], [sflag:s4] =	dma.local [hbm:s3], $0xF7A  }
0x26: {  	[smem:$0x3F86] =	sst s1;
	(tag) =	ssettag s2;
	_ =	strace s9  }
0x27: {  	s1 =	sld [smem:$0x3F96]  }
0x28: {  	s2 =	sld [smem:$0x3F97]  }
0x29: {  	s4 =	sld [smem:$0x3F99]  }
0x2a: {  	p0 =	seq.s32 s5, $0x0;
	s5 =	sld [smem:$0x3F9A]  }
0x2b: {  	s6 =	sld [smem:$0x3F9B]  }
0x2c: {  	s7 =	sld [smem:$0x3F9C]  }
0x2d: {  	s3 =	simm.s32 $0x108;
	s8 =	sld [smem:$0x3F9D]  }
0x2e: {  	s3 =	simm.s32 @!p0 $0x1082;
	s9 =	sld [smem:$0x3F9E]  }
0x2f: {  	lr =	sadd.s32 s0, s3;
	s0 =	sld [smem:$0x3F95]  }
0x30: {  	s3 =	sld [smem:$0x3F98]  }
0x31: {  	[smem:$0x3FA1] =	sst s10  }
0x32: {  	s10 =	sld [smem:$0x3F9F];
	_ =	sdelay $0x3  }
0x33: {  	p0 =	seq.s32 s10, $0x1;
	s10 =	sld [smem:$0x3FA1];
	_ =	sdelay $0x3  }
0x34: {  	[smem:$0x3FA1] =	sst s10  }
0x35: {  	s10 =	sld [smem:$0x3FA0];
	_ =	sdelay $0x3  }
0x36: {  	p1 =	seq.s32 s10, $0x1;
	s10 =	sld [smem:$0x3FA1];
	_ =	sdelay $0x3  }
0x37: {  	[smem:$0x3FA1] =	sst s10  }
0x38: {  	s10 =	sld [smem:$0x3FA2]  }
0x39: {  	_ = 	snop;
	(pc) =	sbr.ind lr, $3  }
0x3a: {  	_ = 	snop  }
0x3b: {  	_ = 	snop  }
0x3c: {  	p2 =	seq.s32 s10, $0x1;
	s10 =	sld [smem:$0x3FA1]  }
0x3d: {  	_ =	shalt  }
0x3e: {  	_ =	shalt  }
0x3f: {  	_ =	shalt  }
0x40: {  	_ =	shalt  }
0x41: {  	_ =	shalt  }
0x42: {  	_ =	shalt  }
0x43: {  	_ =	shalt  }
0x44: {  	_ =	shalt  }
0x45: {  	_ =	shalt  }
0x46: {  	_ =	shalt  }
0x47: {  	_ =	shalt  }
0x48: {  	_ =	shalt  }
0x49: {  	_ =	shalt  }
0x4a: {  	_ =	shalt  }
0x4b: {  	_ =	shalt  }
0x4c: {  	_ =	shalt  }
0x4d: {  	_ =	shalt  }
0x4e: {  	_ =	shalt  }
0x4f: {  	_ =	shalt  }
0x50: {  	_ =	shalt  }
0x51: {  	_ =	shalt  }
0x52: {  	_ =	shalt  }
0x53: {  	_ =	shalt  }
0x54: {  	_ =	shalt  }
0x55: {  	_ =	shalt  }
0x56: {  	_ =	shalt  }
0x57: {  	_ =	shalt  }
0x58: {  	_ =	shalt  }
0x59: {  	_ =	shalt  }
0x5a: {  	_ =	shalt  }
0x5b: {  	_ =	shalt  }
0x5c: {  	_ =	shalt  }
0x5d: {  	_ =	shalt  }
0x5e: {  	_ =	shalt  }
0x5f: {  	_ =	shalt  }
0x60: {  	_ =	shalt  }
0x61: {  	_ =	shalt  }
0x62: {  	_ =	shalt  }
0x63: {  	_ =	shalt  }
0x64: {  	_ =	shalt  }
0x65: {  	_ =	shalt  }
0x66: {  	_ =	shalt  }
0x67: {  	_ =	shalt  }
0x68: {  	_ =	shalt  }
0x69: {  	_ =	shalt  }
0x6a: {  	_ =	shalt  }
0x6b: {  	_ =	shalt  }
0x6c: {  	_ =	shalt  }
0x6d: {  	_ =	shalt  }
0x6e: {  	_ =	shalt  }
0x6f: {  	_ =	shalt  }
0x70: {  	_ =	shalt  }
0x71: {  	_ =	shalt  }
0x72: {  	_ =	shalt  }
0x73: {  	_ =	shalt  }
0x74: {  	_ =	shalt  }
0x75: {  	_ =	shalt  }
0x76: {  	_ =	shalt  }
0x77: {  	_ =	shalt  }
0x78: {  	_ =	shalt  }
0x79: {  	_ =	shalt  }
0x7a: {  	_ =	shalt  }
0x7b: {  	_ =	shalt  }
0x7c: {  	_ =	shalt  }
0x7d: {  	_ =	shalt  }
0x7e: {  	_ =	shalt  }
0x7f: {  	_ =	shalt  }
0x80: {  	_ =	shalt  }
0x81: {  	_ =	shalt  }
0x82: {  	_ =	shalt  }
0x83: {  	_ =	shalt  }
0x84: {  	_ =	shalt  }
0x85: {  	_ =	shalt  }
0x86: {  	_ =	shalt  }
0x87: {  	_ =	shalt  }
.Lfunc_end0:
.L_simem_size_0:
called_computation_lowered:
.L_overlay_start_0:
0x88: {  	s2 =	sld [smem:$0x3FD9]  }
0x89: {  	s3 =	sld [smem:$0x3FFE];
	_ =	sdelay $0x1  }
0x8a: {  	s1 =	srdreg.scid  }
0x8b: {  	s0 =	sand.u32 $0x1, s1  }
0x8c: {  	s16 =	sshll.u32 s0, $0xA;
	s2 =	sadd.s32 s3, s2  }
0x8d: {  	s2 =	sadd.s32 s2, s16  }
0x8e: {  	[smem:$0x3FAD] =	sst s2  }
0x8f: {  	_ = 	snop  }
0x90: {  	(tm) =	ssettm $0x1  }
0x91: {  	s17 =	sld [smem:$0x3FFB];
	_ =	sdelay $0x3  }
0x92: {  	_ =	strace s17  }
0x93: {  	s2 =	sld [smem:$0x3FFC];
	_ =	sdelay $0x3  }
0x94: {  	_ =	strace s2  }
0x95: {  	s2 =	sld [smem:$0x3FFD];
	_ =	sdelay $0x3  }
0x96: {  	_ =	strace s2  }
0x97: {  	_ =	strace $0x8FFFFFFF  }
0x98: {  	s18 =	sld [smem:$0x3FDB];
	_ =	sdelay $0x1  }
0x99: {  	s19 =	simm.s32 $_scs_section_size  }
0x9a: {  	s4 =	simm.s32 $_size__tile_overlayer_lowered;
	s5 =	simm.s32 $_tile_overlayer_lowered  }
0x9b: {  	s22 =	simm.s32 $0x1BFF;
	s21 =	sshll.u32 s5, $0x1;
	s2 =	sadd.s32 s19, s18  }
0x9c: {  	s6 =	simm.s32 $0x0;
	s20 =	sshll.u32 s4, $0x1;
	s4 =	sadd.s32 s21, s2  }
0x9d: {  	[timem:s6], [sflag:s22] =	dma.local [hbm:s4], s20  }
0x9e: {  	_ =	swait.ge [sflag:s22], s20  }
0x9f: {  	s3 =	ssub.s32 $0x0, s20;
	[sflag:s22] =	ssyncset.done $0x0  }
0xa0: {  	[sflag:s22] =	ssyncadd.s32 s3;
	_ =	sdelay $0x1  }
0xa1: {  	s23 =	simm.s32 $0x1B8B  }
0xa2: {  	_ =	swait.ge [sflag:s23], $0x1  }
0xa3: {  	[sflag:s23] =	ssyncset.done $0x0  }
0xa4: {  	s25 =	simm.s32 $0x1B8E;
	s24 =	sld [smem:$0x3FFE];
	[sflag:s23] =	ssyncadd.s32 $0xFFFFFFFF  }
0xa5: {  	s26 =	simm.s32 $execute0_lowered;
	[smem:$0x3FD2] =	sst s25  }
0xa6: {  	s4 =	sshll.u32 s26, $0x1;
	_ =	strace $0x80000046;
	[dreg:$0x1] =	wrdreg $0xFFFFFFFF  }
0xa7: {  	s28 =	simm.s32 $_size_execute0_lowered;
	s2 =	sadd.s32 s2, s4;
	[dreg:$0x0] =	wrdreg $0x0  }
0xa8: {  	s4 =	sshll.u32 s28, $0x1;
	[dreg:$0x2] =	wrdreg s2  }
0xa9: {  	[dreg:$0x3] =	wrdreg s4  }
0xaa: {  	[dreg:$0x4] =	wrdreg $0xC0  }
0xab: {  	_ =	task [dreg:s6], $0x5FFFF  }
0xac: {  	[dreg:$0x1] =	wrdreg $0xFFFFFFFF  }
0xad: {  	[dreg:$0x0] =	wrdreg $0x60  }
0xae: {  	[dreg:$0x2] =	wrdreg s24  }
0xaf: {  	[dreg:$0x3] =	wrdreg $0x9  }
0xb0: {  	_ =	task.clear_ibuf [dreg:s6], $0x4FFFF;
	_ =	strace $0x90000046  }
0xb1: {  	s29 =	simm.s32 $0x9;
	_ =	strace $0x80000048  }
0xb2: {  	_ =	swait.ge [sflag:s29], $0x1  }
0xb3: {  	[sflag:s29] =	ssyncadd.s32 $0xFFFFFFFF  }
0xb4: {  	_ =	strace $0x90000048  }
0xb5: {  	_ =	sfence  }
0xb6: {  	s30 =	sld [smem:$0x0];
	_ =	sdelay $0x2  }
0xb7: {  	s31 =	sshll.u32 s1, $0xD;
	s1 =	sshrl.u32 s1, $0x2  }
0xb8: {  	s3 =	sand.u32 $0x4000, s31;
	s1 =	sadd.s32 s1, s30  }
0xb9: {  	s0 =	sor.u32 s3, s0;
	s1 =	sshll.u32 s1, $0x11  }
0xba: {  	s0 =	sor.u32 s1, s0  }
0xbb: {  	s0 =	sadd.s32 $0x8F2B, s0  }
0xbc: {  	[sflag:s0] =	ssyncadd.remote.s32 $0x1  }
0xbd: {  	_ =	sfence.sel $0xFFFF  }
0xbe: {  	[dreg:$0x0] =	wrdreg $0xFFFFFFFF;
	(pc) =	sbr.abs _section_cstart, $3  }
0xbf: {  	[dreg:$0x1] =	wrdreg $0xFFFFFFFF  }
0xc0: {  	_ =	task.clear_ibuf [dreg:s6], $0x2FFFF;
	_ =	strace $0x9FFFFFFF  }
0xc1: {  	(tm) =	ssettm $0x7FFFFFFF  }
tec
execute0_lowered:
.L_overlay_start_1:
0x0: {  	(tag) =	ssettag $0x1  }
0x1: {  	s4 =	rddreg [dreg:$0x0]  }
0x2: {  	s0 =	rddreg [dreg:$0x1];
	s2 =	simm.s32 $0x0  }
0x3: {  	s3 =	srdreg.scid;
	s1 =	stileid.u32;
	s9 =	simm.s32 $0x8000  }
0x4: {  	s10 =	simm.s32 $0x80;
	s11 =	simm.s32 $0xB400;
	s12 =	simm.s32 $0x100  }
0x5: {  	s13 =	simm.s32 $0xE800;
	s14 =	simm.s32 $0x180;
	s15 =	simm.s32 $0x11C00  }
0x6: {  	s16 =	simm.s32 $0x1;
	s17 =	simm.s32 $0x2;
	s18 =	simm.s32 $0x3  }
0x7: {  	s19 =	simm.s32 $0x4;
	s20 =	simm.s32 $0x15000;
	s21 =	simm.s32 $0x0  }
0x8: {  	[smem:$0x7FF] =	sst s2;
	s5 =	sand.u32 $0x1, s3;
	s6 =	sshll.u32 s1, $0x1  }
0x9: {  	s3 =	sadd.s32 $0x3800, s4;
	_ =	strace $0x80000047;
	s6 =	sor.u32 s5, s6  }
0xa: {  	s5 =	ssub.s32 $0x2, s5;
	s7 =	sshll.u32 s6, $0xC;
	s6 =	sshll.u32 s6, $0xE  }
0xb: {  	s8 =	sshrl.u32 s5, $0x1;
	s7 =	sadd.s32 s7, s4;
	s6 =	sadd.s32 s6, s4  }
0xc: {  	s8 =	ssub.s32 s5, s8;
	s4 =	sadd.s32 $0x164000, s7;
	s5 =	sadd.s32 $0x184000, s6  }
0xd: {  	s6 =	smax.u32 s8, $0x1;
	s7 =	simm.s32 $0x5;
	s8 =	simm.s32 $0x68  }
.LBB2_1:
0xe: {  	[tilespmem:s2], [sflag:$0x5] =	stream.linear.gather [hbm4b:s4+s2], $0x8000, $0x38;
	[tilespmem:$0x19000] =	vst v63  }
0xf: {  	_ =	swait.ge [sflag:s7], $0x8000  }
0x10: {  	[sflag:s7] =	ssyncset.done $0x0  }
0x11: {  	[sflag:s7] =	ssyncadd.s32 $0xFFFF8000  }
0x12: {  	[tilespmem:s9], [sflag:$0x1] =	stream.indirect.gather [hbm4b:s3+s8], $0x80, s2, s8, $0xb8;
	[tilespmem:$0x19000] =	vst v63  }
0x13: {  	_ = 	snop  }
0x14: {  	[tilespmem:s11], [sflag:$0x2] =	stream.indirect.gather [hbm4b:s3+s8], $0x80, s10, s8, $0xb8;
	[tilespmem:$0x19000] =	vst v63  }
0x15: {  	_ = 	snop  }
0x16: {  	[tilespmem:s13], [sflag:$0x3] =	stream.indirect.gather [hbm4b:s3+s8], $0x80, s12, s8, $0xb8;
	[tilespmem:$0x19000] =	vst v63  }
0x17: {  	s22 =	simm.s32 $0x0  }
0x18: {  	[tilespmem:s15], [sflag:$0x4] =	stream.indirect.gather [hbm4b:s3+s8], $0x80, s14, s8, $0xb8;
	[tilespmem:$0x19000] =	vst v63  }
.LBB2_2:
0x19: {  	_ =	swait.ge [sflag:s16], $0x3400  }
0x1a: {  	[sflag:s16] =	ssyncset.done $0x0  }
0x1b: {  	s24 =	simm.s32 $0x0;
	[sflag:s16] =	ssyncadd.s32 $0xFFFFCC00  }
0x1c: {  	v1 =	vld [tilespmem:s24+$0x8050]  }
0x1d: {  	v3 =	vld [tilespmem:s24+$0x8040]  }
0x1e: {  	v4 =	vld [tilespmem:s24+$0x8070]  }
0x1f: {  	v0 =	vimm.f32 $0.0e+00;
	v13 =	vimm.f32 $0.0e+00;
	v6 =	vld [tilespmem:s24+$0x8060]  }
0x20: {  	v14 =	vimm.f32 $0.0e+00;
	v18 =	vimm.f32 $0.0e+00;
	v10 =	vimm.f32 $0.0e+00  }
0x21: {  	v15 =	vimm.f32 $0.0e+00;
	v8 =	vimm.f32 $0.0e+00;
	v20 =	vimm.f32 $0.0e+00  }
0x22: {  	v7 =	vimm.f32 $0.0e+00;
	v16 =	vimm.f32 $0.0e+00;
	v11 =	vimm.f32 $0.0e+00;
	v22 =	vld [tilespmem:s24+$0x8010]  }
0x23: {  	v19 =	vld [tilespmem:s24+$0x8020];
	v2 =	vshll.u32 v3, $0x10;
	v17 =	vshll.u32 v4, $0x10;
	v12 =	vand.u32 $0xFFFF0000, v4  }
0x24: {  	v24 =	vld [tilespmem:s24+$0x8000];
	v9 =	vand.u32 $0xFFFF0000, v3;
	v3 =	vshll.u32 v1, $0x10;
	v5 =	vand.u32 $0xFFFF0000, v6  }
0x25: {  	v23 =	vld [tilespmem:s24+$0x8030];
	v21 =	vand.u32 $0xFFFF0000, v1;
	v2 =	vadd.f32 v2, v0;
	v4 =	vadd.f32 v3, v0  }
0x26: {  	s23 =	simm.s32 $0x200;
	v1 =	vadd.f32 v5, v0;
	v3 =	vimm.f32 $0.0e+00;
	v5 =	vimm.f32 $0.0e+00  }
.LBB2_3:
0x27: {  	s24 =	sshra.s32 s23, $0x2;
	p0 =	sne.s32 s23, $0x6200;
	s23 =	sadd.s32 $0x200, s23;
	v25 =	vshll.u32 v22, $0x10;
	v0 =	vadd.f32 v17, v0;
	v3 =	vadd.f32 v12, v3  }
0x28: {  	v12 =	vand.u32 $0xFFFF0000, v22;
	v17 =	vand.u32 $0xFFFF0000, v19;
	v5 =	vadd.f32 v21, v5;
	v26 =	vld [tilespmem:s24+$0x8050]  }
0x29: {  	v13 =	vadd.f32 v25, v13;
	v21 =	vld [tilespmem:s24+$0x8040];
	v27 =	vshll.u32 v24, $0x10;
	v22 =	vand.u32 $0xFFFF0000, v24  }
0x2a: {  	v14 =	vadd.f32 v12, v14;
	v12 =	vshll.u32 v19, $0x10;
	v25 =	vld [tilespmem:s24+$0x8070];
	v24 =	vshll.u32 v23, $0x10  }
0x2b: {  	v10 =	vadd.f32 v17, v10;
	v18 =	vadd.f32 v22, v18;
	v17 =	vand.u32 $0xFFFF0000, v23;
	v28 =	vld [tilespmem:s24+$0x8060]  }
0x2c: {  	v8 =	vadd.f32 v9, v8;
	v6 =	vshll.u32 v6, $0x10;
	v15 =	vadd.f32 v12, v15;
	v22 =	vld [tilespmem:s24+$0x8010]  }
.Ltmp0:
0x2d: {  	v7 =	vadd.f32 v6, v7;
	v20 =	vadd.f32 v27, v20;
	v19 =	vld [tilespmem:s24+$0x8020];
	(pc) =	sbr.rel @p0 .LBB2_3-.Ltmp0, $4  }
0x2e: {  	v16 =	vadd.f32 v24, v16;
	v11 =	vadd.f32 v17, v11;
	v29 =	vshll.u32 v21, $0x10  }
0x2f: {  	v24 =	vld [tilespmem:s24+$0x8000];
	v2 =	vadd.f32 v29, v2;
	v17 =	vshll.u32 v25, $0x10;
	v12 =	vand.u32 $0xFFFF0000, v25  }
0x30: {  	v9 =	vand.u32 $0xFFFF0000, v21;
	v25 =	vshll.u32 v26, $0x10;
	v23 =	vld [tilespmem:s24+$0x8030];
	v27 =	vand.u32 $0xFFFF0000, v28;
	v6 =	vmovc v28  }
0x31: {  	v21 =	vand.u32 $0xFFFF0000, v26;
	v4 =	vadd.f32 v25, v4;
	v1 =	vadd.f32 v27, v1  }
0x32: {  	s23 =	sand.u32 $0x7, s22  }
0x33: {  	v8 =	vadd.f32 v9, v8;
	s24 =	sshll.u32 s23, $0xB  }
0x34: {  	[tilespmem:s24+$0x15400] =	vst v2  }
0x35: {  	[tilespmem:s24+$0x15410] =	vst v8  }
0x36: {  	v0 =	vadd.f32 v17, v0;
	[tilespmem:s24+$0x15420] =	vst v4  }
0x37: {  	v25 =	vshll.u32 v24, $0x10;
	v2 =	vadd.f32 v21, v5;
	[tilespmem:s24+$0x15450] =	vst v1  }
0x38: {  	v24 =	vand.u32 $0xFFFF0000, v24;
	[tilespmem:s24+$0x15460] =	vst v0;
	v20 =	vadd.f32 v25, v20  }
0x39: {  	v5 =	vshll.u32 v6, $0x10;
	v18 =	vadd.f32 v24, v18;
	[tilespmem:s24+$0x15430] =	vst v2  }
0x3a: {  	v25 =	vshll.u32 v22, $0x10;
	v5 =	vadd.f32 v5, v7;
	[tilespmem:s24+$0x15000] =	vst v20  }
0x3b: {  	v22 =	vand.u32 $0xFFFF0000, v22;
	v13 =	vadd.f32 v25, v13;
	[tilespmem:s24+$0x15010] =	vst v18  }
0x3c: {  	v14 =	vadd.f32 v22, v14;
	[tilespmem:s24+$0x15440] =	vst v5  }
0x3d: {  	v2 =	vadd.f32 v12, v3;
	v20 =	vshll.u32 v19, $0x10;
	[tilespmem:s24+$0x15020] =	vst v13  }
0x3e: {  	v18 =	vand.u32 $0xFFFF0000, v19;
	v15 =	vadd.f32 v20, v15;
	[tilespmem:s24+$0x15030] =	vst v14  }
0x3f: {  	v13 =	vshll.u32 v23, $0x10;
	v10 =	vadd.f32 v18, v10;
	[tilespmem:s24+$0x15470] =	vst v2  }
0x40: {  	v14 =	vand.u32 $0xFFFF0000, v23;
	v13 =	vadd.f32 v13, v16;
	[tilespmem:s24+$0x15040] =	vst v15  }
0x41: {  	v11 =	vadd.f32 v14, v11;
	[tilespmem:s24+$0x15050] =	vst v10  }
0x42: {  	[tilespmem:s24+$0x15060] =	vst v13  }
0x43: {  	s26 =	simm.s32 $0x0;
	[tilespmem:s24+$0x15070] =	vst v11  }
0x44: {  	v1 =	vld [tilespmem:s26+$0x9950]  }
0x45: {  	v3 =	vld [tilespmem:s26+$0x9940]  }
0x46: {  	v4 =	vld [tilespmem:s26+$0x9970]  }
0x47: {  	v0 =	vimm.f32 $0.0e+00;
	v8 =	vimm.f32 $0.0e+00;
	v6 =	vld [tilespmem:s26+$0x9960]  }
0x48: {  	v7 =	vimm.f32 $0.0e+00;
	v18 =	vimm.f32 $0.0e+00;
	v20 =	vimm.f32 $0.0e+00  }
0x49: {  	v14 =	vimm.f32 $0.0e+00;
	v16 =	vimm.f32 $0.0e+00;
	v10 =	vimm.f32 $0.0e+00  }
0x4a: {  	v15 =	vimm.f32 $0.0e+00;
	v13 =	vimm.f32 $0.0e+00;
	v11 =	vimm.f32 $0.0e+00;
	v22 =	vld [tilespmem:s26+$0x9910]  }
0x4b: {  	v19 =	vld [tilespmem:s26+$0x9920];
	v2 =	vshll.u32 v3, $0x10;
	v17 =	vshll.u32 v4, $0x10;
	v12 =	vand.u32 $0xFFFF0000, v4  }
0x4c: {  	v24 =	vld [tilespmem:s26+$0x9900];
	v9 =	vand.u32 $0xFFFF0000, v3;
	v3 =	vshll.u32 v1, $0x10;
	v5 =	vand.u32 $0xFFFF0000, v6  }
0x4d: {  	v23 =	vld [tilespmem:s26+$0x9930];
	v21 =	vand.u32 $0xFFFF0000, v1;
	v2 =	vadd.f32 v2, v0;
	v4 =	vadd.f32 v3, v0  }
0x4e: {  	s25 =	simm.s32 $0x200;
	v1 =	vadd.f32 v5, v0;
	v3 =	vimm.f32 $0.0e+00;
	v5 =	vimm.f32 $0.0e+00  }
.LBB2_5:
0x4f: {  	s26 =	sshra.s32 s25, $0x2;
	p0 =	sne.s32 s25, $0x6200;
	s25 =	sadd.s32 $0x200, s25;
	v25 =	vshll.u32 v22, $0x10;
	v0 =	vadd.f32 v17, v0;
	v3 =	vadd.f32 v12, v3  }
0x50: {  	v12 =	vand.u32 $0xFFFF0000, v22;
	v17 =	vand.u32 $0xFFFF0000, v19;
	v5 =	vadd.f32 v21, v5;
	v26 =	vld [tilespmem:s26+$0x9950]  }
0x51: {  	v13 =	vadd.f32 v25, v13;
	v21 =	vld [tilespmem:s26+$0x9940];
	v27 =	vshll.u32 v24, $0x10;
	v22 =	vand.u32 $0xFFFF0000, v24  }
0x52: {  	v14 =	vadd.f32 v12, v14;
	v12 =	vshll.u32 v19, $0x10;
	v25 =	vld [tilespmem:s26+$0x9970];
	v24 =	vshll.u32 v23, $0x10  }
0x53: {  	v10 =	vadd.f32 v17, v10;
	v18 =	vadd.f32 v22, v18;
	v17 =	vand.u32 $0xFFFF0000, v23;
	v28 =	vld [tilespmem:s26+$0x9960]  }
0x54: {  	v8 =	vadd.f32 v9, v8;
	v6 =	vshll.u32 v6, $0x10;
	v15 =	vadd.f32 v12, v15;
	v22 =	vld [tilespmem:s26+$0x9910]  }
.Ltmp1:
0x55: {  	v7 =	vadd.f32 v6, v7;
	v20 =	vadd.f32 v27, v20;
	v19 =	vld [tilespmem:s26+$0x9920];
	(pc) =	sbr.rel @p0 .LBB2_5-.Ltmp1, $4  }
0x56: {  	v16 =	vadd.f32 v24, v16;
	v11 =	vadd.f32 v17, v11;
	v29 =	vshll.u32 v21, $0x10  }
0x57: {  	v24 =	vld [tilespmem:s26+$0x9900];
	v2 =	vadd.f32 v29, v2;
	v17 =	vshll.u32 v25, $0x10;
	v12 =	vand.u32 $0xFFFF0000, v25  }
0x58: {  	v9 =	vand.u32 $0xFFFF0000, v21;
	v25 =	vshll.u32 v26, $0x10;
	v23 =	vld [tilespmem:s26+$0x9930];
	v27 =	vand.u32 $0xFFFF0000, v28;
	v6 =	vmovc v28  }
0x59: {  	v21 =	vand.u32 $0xFFFF0000, v26;
	v4 =	vadd.f32 v25, v4;
	v1 =	vadd.f32 v27, v1  }
0x5a: {  	[tilespmem:s24+$0x15480] =	vst v2  }
0x5b: {  	v8 =	vadd.f32 v9, v8;
	[tilespmem:s24+$0x154A0] =	vst v4  }
0x5c: {  	v2 =	vadd.f32 v21, v5;
	[tilespmem:s24+$0x154D0] =	vst v1  }
0x5d: {  	v5 =	vshll.u32 v6, $0x10;
	v0 =	vadd.f32 v17, v0;
	[tilespmem:s24+$0x15490] =	vst v8  }
0x5e: {  	v5 =	vadd.f32 v5, v7;
	[tilespmem:s24+$0x154B0] =	vst v2  }
0x5f: {  	v25 =	vshll.u32 v24, $0x10;
	v2 =	vadd.f32 v12, v3;
	[tilespmem:s24+$0x154E0] =	vst v0  }
0x60: {  	v24 =	vand.u32 $0xFFFF0000, v24;
	v20 =	vadd.f32 v25, v20;
	[tilespmem:s24+$0x154C0] =	vst v5  }
0x61: {  	v25 =	vshll.u32 v22, $0x10;
	v18 =	vadd.f32 v24, v18;
	[tilespmem:s24+$0x154F0] =	vst v2  }
0x62: {  	v22 =	vand.u32 $0xFFFF0000, v22;
	v13 =	vadd.f32 v25, v13;
	[tilespmem:s24+$0x15080] =	vst v20  }
0x63: {  	v14 =	vadd.f32 v22, v14;
	v20 =	vshll.u32 v19, $0x10;
	[tilespmem:s24+$0x15090] =	vst v18  }
0x64: {  	v18 =	vand.u32 $0xFFFF0000, v19;
	v15 =	vadd.f32 v20, v15;
	[tilespmem:s24+$0x150A0] =	vst v13  }
0x65: {  	v13 =	vshll.u32 v23, $0x10;
	v10 =	vadd.f32 v18, v10;
	[tilespmem:s24+$0x150B0] =	vst v14  }
0x66: {  	v14 =	vand.u32 $0xFFFF0000, v23;
	v13 =	vadd.f32 v13, v16;
	[tilespmem:s24+$0x150C0] =	vst v15  }
0x67: {  	s25 =	sshll.u32 s22, $0xB;
	p0 =	seq.s32 s22, $0x3F;
	v11 =	vadd.f32 v14, v11;
	[tilespmem:s24+$0x150D0] =	vst v10  }
0x68: {  	s25 =	sshrl.u32 @!p0 s25, $0x2;
	[tilespmem:s24+$0x150E0] =	vst v13  }
0x69: {  	s28 =	simm.s32 @!p0 $0x68;
	s29 =	simm.s32 @!p0 $0x8000;
	s26 =	sadd.s32 @!p0 $0x200, s25;
	[tilespmem:s24+$0x150F0] =	vst v11  }
0x6a: {  	[tilespmem:s29], [sflag:$0x1] =	stream.indirect.gather @!p0 [hbm4b:s3+s28], $0x80, s26, s28, $0xb8;
	[tilespmem:$0x19000] =	vst v63  }
0x6b: {  	_ =	swait.ge [sflag:s17], $0x3400  }
0x6c: {  	[sflag:s17] =	ssyncset.done $0x0  }
0x6d: {  	s31 =	simm.s32 $0x0;
	[sflag:s17] =	ssyncadd.s32 $0xFFFFCC00  }
0x6e: {  	v1 =	vld [tilespmem:s31+$0xB450]  }
0x6f: {  	v3 =	vld [tilespmem:s31+$0xB440]  }
0x70: {  	v4 =	vld [tilespmem:s31+$0xB470]  }
0x71: {  	v7 =	vimm.f32 $0.0e+00;
	v0 =	vimm.f32 $0.0e+00;
	v6 =	vld [tilespmem:s31+$0xB460]  }
0x72: {  	v8 =	vimm.f32 $0.0e+00;
	v18 =	vimm.f32 $0.0e+00;
	v20 =	vimm.f32 $0.0e+00  }
0x73: {  	v14 =	vimm.f32 $0.0e+00;
	v16 =	vimm.f32 $0.0e+00;
	v10 =	vimm.f32 $0.0e+00  }
0x74: {  	v15 =	vimm.f32 $0.0e+00;
	v13 =	vimm.f32 $0.0e+00;
	v11 =	vimm.f32 $0.0e+00;
	v22 =	vld [tilespmem:s31+$0xB410]  }
0x75: {  	v19 =	vld [tilespmem:s31+$0xB420];
	v2 =	vshll.u32 v3, $0x10;
	v17 =	vshll.u32 v4, $0x10;
	v12 =	vand.u32 $0xFFFF0000, v4  }
0x76: {  	v24 =	vld [tilespmem:s31+$0xB400];
	v9 =	vand.u32 $0xFFFF0000, v3;
	v3 =	vshll.u32 v1, $0x10;
	v5 =	vand.u32 $0xFFFF0000, v6  }
0x77: {  	v23 =	vld [tilespmem:s31+$0xB430];
	v21 =	vand.u32 $0xFFFF0000, v1;
	v2 =	vadd.f32 v2, v0;
	v4 =	vadd.f32 v3, v0  }
0x78: {  	s26 =	simm.s32 $0x200;
	v1 =	vadd.f32 v5, v0;
	v3 =	vimm.f32 $0.0e+00;
	v5 =	vimm.f32 $0.0e+00  }
.LBB2_7:
0x79: {  	s28 =	sshra.s32 s26, $0x2;
	p1 =	sne.s32 s26, $0x6200;
	s26 =	sadd.s32 $0x200, s26;
	v25 =	vshll.u32 v22, $0x10;
	v0 =	vadd.f32 v17, v0;
	v3 =	vadd.f32 v12, v3  }
0x7a: {  	v12 =	vand.u32 $0xFFFF0000, v22;
	v17 =	vand.u32 $0xFFFF0000, v19;
	v5 =	vadd.f32 v21, v5;
	v26 =	vld [tilespmem:s28+$0xB450]  }
0x7b: {  	v13 =	vadd.f32 v25, v13;
	v21 =	vld [tilespmem:s28+$0xB440];
	v27 =	vshll.u32 v24, $0x10;
	v22 =	vand.u32 $0xFFFF0000, v24  }
0x7c: {  	v14 =	vadd.f32 v12, v14;
	v12 =	vshll.u32 v19, $0x10;
	v25 =	vld [tilespmem:s28+$0xB470];
	v24 =	vshll.u32 v23, $0x10  }
0x7d: {  	v10 =	vadd.f32 v17, v10;
	v18 =	vadd.f32 v22, v18;
	v17 =	vand.u32 $0xFFFF0000, v23;
	v28 =	vld [tilespmem:s28+$0xB460]  }
0x7e: {  	v8 =	vadd.f32 v9, v8;
	v6 =	vshll.u32 v6, $0x10;
	v15 =	vadd.f32 v12, v15;
	v22 =	vld [tilespmem:s28+$0xB410]  }
.Ltmp2:
0x7f: {  	v7 =	vadd.f32 v6, v7;
	v20 =	vadd.f32 v27, v20;
	v19 =	vld [tilespmem:s28+$0xB420];
	(pc) =	sbr.rel @p1 .LBB2_7-.Ltmp2, $4  }
0x80: {  	v16 =	vadd.f32 v24, v16;
	v11 =	vadd.f32 v17, v11;
	v29 =	vshll.u32 v21, $0x10  }
0x81: {  	v24 =	vld [tilespmem:s28+$0xB400];
	v2 =	vadd.f32 v29, v2;
	v17 =	vshll.u32 v25, $0x10;
	v12 =	vand.u32 $0xFFFF0000, v25  }
0x82: {  	v9 =	vand.u32 $0xFFFF0000, v21;
	v25 =	vshll.u32 v26, $0x10;
	v23 =	vld [tilespmem:s28+$0xB430];
	v27 =	vand.u32 $0xFFFF0000, v28;
	v6 =	vmovc v28  }
0x83: {  	v21 =	vand.u32 $0xFFFF0000, v26;
	v4 =	vadd.f32 v25, v4;
	v1 =	vadd.f32 v27, v1  }
0x84: {  	[tilespmem:s24+$0x15500] =	vst v2  }
0x85: {  	v8 =	vadd.f32 v9, v8;
	[tilespmem:s24+$0x15520] =	vst v4  }
0x86: {  	v2 =	vadd.f32 v21, v5;
	[tilespmem:s24+$0x15550] =	vst v1  }
0x87: {  	v5 =	vshll.u32 v6, $0x10;
	v0 =	vadd.f32 v17, v0;
	[tilespmem:s24+$0x15510] =	vst v8  }
0x88: {  	v5 =	vadd.f32 v5, v7;
	[tilespmem:s24+$0x15530] =	vst v2  }
0x89: {  	v25 =	vshll.u32 v24, $0x10;
	v2 =	vadd.f32 v12, v3;
	[tilespmem:s24+$0x15560] =	vst v0  }
0x8a: {  	v24 =	vand.u32 $0xFFFF0000, v24;
	v20 =	vadd.f32 v25, v20;
	[tilespmem:s24+$0x15540] =	vst v5  }
0x8b: {  	v25 =	vshll.u32 v22, $0x10;
	v18 =	vadd.f32 v24, v18;
	[tilespmem:s24+$0x15570] =	vst v2  }
0x8c: {  	v22 =	vand.u32 $0xFFFF0000, v22;
	v13 =	vadd.f32 v25, v13;
	[tilespmem:s24+$0x15100] =	vst v20  }
0x8d: {  	v14 =	vadd.f32 v22, v14;
	v20 =	vshll.u32 v19, $0x10;
	[tilespmem:s24+$0x15110] =	vst v18  }
0x8e: {  	v18 =	vand.u32 $0xFFFF0000, v19;
	v15 =	vadd.f32 v20, v15;
	[tilespmem:s24+$0x15120] =	vst v13  }
0x8f: {  	v13 =	vshll.u32 v23, $0x10;
	v10 =	vadd.f32 v18, v10;
	[tilespmem:s24+$0x15130] =	vst v14  }
0x90: {  	v14 =	vand.u32 $0xFFFF0000, v23;
	v13 =	vadd.f32 v13, v16;
	[tilespmem:s24+$0x15140] =	vst v15  }
0x91: {  	v11 =	vadd.f32 v14, v11;
	[tilespmem:s24+$0x15150] =	vst v10  }
0x92: {  	[tilespmem:s24+$0x15160] =	vst v13  }
0x93: {  	s28 =	simm.s32 $0x0;
	[tilespmem:s24+$0x15170] =	vst v11  }
0x94: {  	v1 =	vld [tilespmem:s28+$0xCD50]  }
0x95: {  	v3 =	vld [tilespmem:s28+$0xCD40]  }
0x96: {  	v4 =	vld [tilespmem:s28+$0xCD70]  }
0x97: {  	v7 =	vimm.f32 $0.0e+00;
	v0 =	vimm.f32 $0.0e+00;
	v6 =	vld [tilespmem:s28+$0xCD60]  }
0x98: {  	v8 =	vimm.f32 $0.0e+00;
	v18 =	vimm.f32 $0.0e+00;
	v20 =	vimm.f32 $0.0e+00  }
0x99: {  	v14 =	vimm.f32 $0.0e+00;
	v16 =	vimm.f32 $0.0e+00;
	v10 =	vimm.f32 $0.0e+00  }
0x9a: {  	v15 =	vimm.f32 $0.0e+00;
	v13 =	vimm.f32 $0.0e+00;
	v11 =	vimm.f32 $0.0e+00;
	v22 =	vld [tilespmem:s28+$0xCD10]  }
0x9b: {  	v19 =	vld [tilespmem:s28+$0xCD20];
	v2 =	vshll.u32 v3, $0x10;
	v17 =	vshll.u32 v4, $0x10;
	v12 =	vand.u32 $0xFFFF0000, v4  }
0x9c: {  	v24 =	vld [tilespmem:s28+$0xCD00];
	v9 =	vand.u32 $0xFFFF0000, v3;
	v3 =	vshll.u32 v1, $0x10;
	v5 =	vand.u32 $0xFFFF0000, v6  }
0x9d: {  	v23 =	vld [tilespmem:s28+$0xCD30];
	v21 =	vand.u32 $0xFFFF0000, v1;
	v2 =	vadd.f32 v2, v0;
	v4 =	vadd.f32 v3, v0  }
0x9e: {  	s26 =	simm.s32 $0x200;
	v1 =	vadd.f32 v5, v0;
	v3 =	vimm.f32 $0.0e+00;
	v5 =	vimm.f32 $0.0e+00  }
.LBB2_9:
0x9f: {  	s28 =	sshra.s32 s26, $0x2;
	p1 =	sne.s32 s26, $0x6200;
	s26 =	sadd.s32 $0x200, s26;
	v25 =	vshll.u32 v22, $0x10;
	v0 =	vadd.f32 v17, v0;
	v3 =	vadd.f32 v12, v3  }
0xa0: {  	v12 =	vand.u32 $0xFFFF0000, v22;
	v17 =	vand.u32 $0xFFFF0000, v19;
	v5 =	vadd.f32 v21, v5;
	v26 =	vld [tilespmem:s28+$0xCD50]  }
0xa1: {  	v13 =	vadd.f32 v25, v13;
	v21 =	vld [tilespmem:s28+$0xCD40];
	v27 =	vshll.u32 v24, $0x10;
	v22 =	vand.u32 $0xFFFF0000, v24  }
0xa2: {  	v14 =	vadd.f32 v12, v14;
	v12 =	vshll.u32 v19, $0x10;
	v25 =	vld [tilespmem:s28+$0xCD70];
	v24 =	vshll.u32 v23, $0x10  }
0xa3: {  	v10 =	vadd.f32 v17, v10;
	v18 =	vadd.f32 v22, v18;
	v17 =	vand.u32 $0xFFFF0000, v23;
	v28 =	vld [tilespmem:s28+$0xCD60]  }
0xa4: {  	v8 =	vadd.f32 v9, v8;
	v6 =	vshll.u32 v6, $0x10;
	v15 =	vadd.f32 v12, v15;
	v22 =	vld [tilespmem:s28+$0xCD10]  }
.Ltmp3:
0xa5: {  	v7 =	vadd.f32 v6, v7;
	v20 =	vadd.f32 v27, v20;
	v19 =	vld [tilespmem:s28+$0xCD20];
	(pc) =	sbr.rel @p1 .LBB2_9-.Ltmp3, $4  }
0xa6: {  	v16 =	vadd.f32 v24, v16;
	v11 =	vadd.f32 v17, v11;
	v29 =	vshll.u32 v21, $0x10  }
0xa7: {  	v24 =	vld [tilespmem:s28+$0xCD00];
	v2 =	vadd.f32 v29, v2;
	v17 =	vshll.u32 v25, $0x10;
	v12 =	vand.u32 $0xFFFF0000, v25  }
0xa8: {  	v9 =	vand.u32 $0xFFFF0000, v21;
	v25 =	vshll.u32 v26, $0x10;
	v23 =	vld [tilespmem:s28+$0xCD30];
	v27 =	vand.u32 $0xFFFF0000, v28;
	v6 =	vmovc v28  }
0xa9: {  	v21 =	vand.u32 $0xFFFF0000, v26;
	v4 =	vadd.f32 v25, v4;
	v1 =	vadd.f32 v27, v1  }
0xaa: {  	[tilespmem:s24+$0x15580] =	vst v2  }
0xab: {  	v8 =	vadd.f32 v9, v8;
	[tilespmem:s24+$0x155A0] =	vst v4  }
0xac: {  	v2 =	vadd.f32 v21, v5;
	[tilespmem:s24+$0x155D0] =	vst v1  }
0xad: {  	v5 =	vshll.u32 v6, $0x10;
	v0 =	vadd.f32 v17, v0;
	[tilespmem:s24+$0x15590] =	vst v8  }
0xae: {  	v5 =	vadd.f32 v5, v7;
	[tilespmem:s24+$0x155B0] =	vst v2  }
0xaf: {  	v25 =	vshll.u32 v24, $0x10;
	v2 =	vadd.f32 v12, v3;
	[tilespmem:s24+$0x155E0] =	vst v0  }
0xb0: {  	v24 =	vand.u32 $0xFFFF0000, v24;
	v20 =	vadd.f32 v25, v20;
	[tilespmem:s24+$0x155C0] =	vst v5  }
0xb1: {  	v25 =	vshll.u32 v22, $0x10;
	v18 =	vadd.f32 v24, v18;
	[tilespmem:s24+$0x155F0] =	vst v2  }
0xb2: {  	v22 =	vand.u32 $0xFFFF0000, v22;
	v13 =	vadd.f32 v25, v13;
	[tilespmem:s24+$0x15180] =	vst v20  }
0xb3: {  	v14 =	vadd.f32 v22, v14;
	v20 =	vshll.u32 v19, $0x10;
	[tilespmem:s24+$0x15190] =	vst v18  }
0xb4: {  	v18 =	vand.u32 $0xFFFF0000, v19;
	v15 =	vadd.f32 v20, v15;
	[tilespmem:s24+$0x151A0] =	vst v13  }
0xb5: {  	v13 =	vshll.u32 v23, $0x10;
	v10 =	vadd.f32 v18, v10;
	[tilespmem:s24+$0x151B0] =	vst v14  }
0xb6: {  	v14 =	vand.u32 $0xFFFF0000, v23;
	v13 =	vadd.f32 v13, v16;
	[tilespmem:s24+$0x151C0] =	vst v15  }
0xb7: {  	v11 =	vadd.f32 v14, v11;
	[tilespmem:s24+$0x151D0] =	vst v10  }
0xb8: {  	[tilespmem:s24+$0x151E0] =	vst v13  }
0xb9: {  	s26 =	sadd.s32 @!p0 $0x280, s25;
	s28 =	simm.s32 @!p0 $0x68;
	s29 =	simm.s32 @!p0 $0xB400;
	[tilespmem:s24+$0x151F0] =	vst v11  }
0xba: {  	[tilespmem:s29], [sflag:$0x2] =	stream.indirect.gather @!p0 [hbm4b:s3+s28], $0x80, s26, s28, $0xb8;
	[tilespmem:$0x19000] =	vst v63  }
0xbb: {  	_ =	swait.ge [sflag:s18], $0x3400  }
0xbc: {  	[sflag:s18] =	ssyncset.done $0x0  }
0xbd: {  	s31 =	simm.s32 $0x0;
	[sflag:s18] =	ssyncadd.s32 $0xFFFFCC00  }
0xbe: {  	v1 =	vld [tilespmem:s31+$0xE850]  }
0xbf: {  	v3 =	vld [tilespmem:s31+$0xE840]  }
0xc0: {  	v4 =	vld [tilespmem:s31+$0xE870]  }
0xc1: {  	v7 =	vimm.f32 $0.0e+00;
	v0 =	vimm.f32 $0.0e+00;
	v6 =	vld [tilespmem:s31+$0xE860]  }
0xc2: {  	v8 =	vimm.f32 $0.0e+00;
	v18 =	vimm.f32 $0.0e+00;
	v20 =	vimm.f32 $0.0e+00  }
0xc3: {  	v14 =	vimm.f32 $0.0e+00;
	v16 =	vimm.f32 $0.0e+00;
	v10 =	vimm.f32 $0.0e+00  }
0xc4: {  	v15 =	vimm.f32 $0.0e+00;
	v13 =	vimm.f32 $0.0e+00;
	v11 =	vimm.f32 $0.0e+00;
	v22 =	vld [tilespmem:s31+$0xE810]  }
0xc5: {  	v19 =	vld [tilespmem:s31+$0xE820];
	v2 =	vshll.u32 v3, $0x10;
	v17 =	vshll.u32 v4, $0x10;
	v12 =	vand.u32 $0xFFFF0000, v4  }
0xc6: {  	v24 =	vld [tilespmem:s31+$0xE800];
	v9 =	vand.u32 $0xFFFF0000, v3;
	v3 =	vshll.u32 v1, $0x10;
	v5 =	vand.u32 $0xFFFF0000, v6  }
0xc7: {  	v23 =	vld [tilespmem:s31+$0xE830];
	v21 =	vand.u32 $0xFFFF0000, v1;
	v2 =	vadd.f32 v2, v0;
	v4 =	vadd.f32 v3, v0  }
0xc8: {  	s26 =	simm.s32 $0x200;
	v1 =	vadd.f32 v5, v0;
	v3 =	vimm.f32 $0.0e+00;
	v5 =	vimm.f32 $0.0e+00  }
.LBB2_11:
0xc9: {  	s28 =	sshra.s32 s26, $0x2;
	p1 =	sne.s32 s26, $0x6200;
	s26 =	sadd.s32 $0x200, s26;
	v25 =	vshll.u32 v22, $0x10;
	v0 =	vadd.f32 v17, v0;
	v3 =	vadd.f32 v12, v3  }
0xca: {  	v12 =	vand.u32 $0xFFFF0000, v22;
	v17 =	vand.u32 $0xFFFF0000, v19;
	v5 =	vadd.f32 v21, v5;
	v26 =	vld [tilespmem:s28+$0xE850]  }
0xcb: {  	v13 =	vadd.f32 v25, v13;
	v21 =	vld [tilespmem:s28+$0xE840];
	v27 =	vshll.u32 v24, $0x10;
	v22 =	vand.u32 $0xFFFF0000, v24  }
0xcc: {  	v14 =	vadd.f32 v12, v14;
	v12 =	vshll.u32 v19, $0x10;
	v25 =	vld [tilespmem:s28+$0xE870];
	v24 =	vshll.u32 v23, $0x10  }
0xcd: {  	v10 =	vadd.f32 v17, v10;
	v18 =	vadd.f32 v22, v18;
	v17 =	vand.u32 $0xFFFF0000, v23;
	v28 =	vld [tilespmem:s28+$0xE860]  }
0xce: {  	v8 =	vadd.f32 v9, v8;
	v6 =	vshll.u32 v6, $0x10;
	v15 =	vadd.f32 v12, v15;
	v22 =	vld [tilespmem:s28+$0xE810]  }
.Ltmp4:
0xcf: {  	v7 =	vadd.f32 v6, v7;
	v20 =	vadd.f32 v27, v20;
	v19 =	vld [tilespmem:s28+$0xE820];
	(pc) =	sbr.rel @p1 .LBB2_11-.Ltmp4, $4  }
0xd0: {  	v16 =	vadd.f32 v24, v16;
	v11 =	vadd.f32 v17, v11;
	v29 =	vshll.u32 v21, $0x10  }
0xd1: {  	v24 =	vld [tilespmem:s28+$0xE800];
	v2 =	vadd.f32 v29, v2;
	v17 =	vshll.u32 v25, $0x10;
	v12 =	vand.u32 $0xFFFF0000, v25  }
0xd2: {  	v9 =	vand.u32 $0xFFFF0000, v21;
	v25 =	vshll.u32 v26, $0x10;
	v23 =	vld [tilespmem:s28+$0xE830];
	v27 =	vand.u32 $0xFFFF0000, v28;
	v6 =	vmovc v28  }
0xd3: {  	v21 =	vand.u32 $0xFFFF0000, v26;
	v4 =	vadd.f32 v25, v4;
	v1 =	vadd.f32 v27, v1  }
0xd4: {  	[tilespmem:s24+$0x15600] =	vst v2  }
0xd5: {  	v8 =	vadd.f32 v9, v8;
	[tilespmem:s24+$0x15620] =	vst v4  }
0xd6: {  	v2 =	vadd.f32 v21, v5;
	[tilespmem:s24+$0x15650] =	vst v1  }
0xd7: {  	v5 =	vshll.u32 v6, $0x10;
	v0 =	vadd.f32 v17, v0;
	[tilespmem:s24+$0x15610] =	vst v8  }
0xd8: {  	v5 =	vadd.f32 v5, v7;
	[tilespmem:s24+$0x15630] =	vst v2  }
0xd9: {  	v25 =	vshll.u32 v24, $0x10;
	v2 =	vadd.f32 v12, v3;
	[tilespmem:s24+$0x15660] =	vst v0  }
0xda: {  	v24 =	vand.u32 $0xFFFF0000, v24;
	v20 =	vadd.f32 v25, v20;
	[tilespmem:s24+$0x15640] =	vst v5  }
0xdb: {  	v25 =	vshll.u32 v22, $0x10;
	v18 =	vadd.f32 v24, v18;
	[tilespmem:s24+$0x15670] =	vst v2  }
0xdc: {  	v22 =	vand.u32 $0xFFFF0000, v22;
	v13 =	vadd.f32 v25, v13;
	[tilespmem:s24+$0x15200] =	vst v20  }
0xdd: {  	v14 =	vadd.f32 v22, v14;
	v20 =	vshll.u32 v19, $0x10;
	[tilespmem:s24+$0x15210] =	vst v18  }
0xde: {  	v18 =	vand.u32 $0xFFFF0000, v19;
	v15 =	vadd.f32 v20, v15;
	[tilespmem:s24+$0x15220] =	vst v13  }
0xdf: {  	v13 =	vshll.u32 v23, $0x10;
	v10 =	vadd.f32 v18, v10;
	[tilespmem:s24+$0x15230] =	vst v14  }
0xe0: {  	v14 =	vand.u32 $0xFFFF0000, v23;
	v13 =	vadd.f32 v13, v16;
	[tilespmem:s24+$0x15240] =	vst v15  }
0xe1: {  	v11 =	vadd.f32 v14, v11;
	[tilespmem:s24+$0x15250] =	vst v10  }
0xe2: {  	[tilespmem:s24+$0x15260] =	vst v13  }
0xe3: {  	s28 =	simm.s32 $0x0;
	[tilespmem:s24+$0x15270] =	vst v11  }
0xe4: {  	v1 =	vld [tilespmem:s28+$0x10150]  }
0xe5: {  	v3 =	vld [tilespmem:s28+$0x10140]  }
0xe6: {  	v4 =	vld [tilespmem:s28+$0x10170]  }
0xe7: {  	v7 =	vimm.f32 $0.0e+00;
	v0 =	vimm.f32 $0.0e+00;
	v6 =	vld [tilespmem:s28+$0x10160]  }
0xe8: {  	v8 =	vimm.f32 $0.0e+00;
	v18 =	vimm.f32 $0.0e+00;
	v20 =	vimm.f32 $0.0e+00  }
0xe9: {  	v14 =	vimm.f32 $0.0e+00;
	v16 =	vimm.f32 $0.0e+00;
	v10 =	vimm.f32 $0.0e+00  }
0xea: {  	v15 =	vimm.f32 $0.0e+00;
	v13 =	vimm.f32 $0.0e+00;
	v11 =	vimm.f32 $0.0e+00;
	v22 =	vld [tilespmem:s28+$0x10110]  }
0xeb: {  	v19 =	vld [tilespmem:s28+$0x10120];
	v2 =	vshll.u32 v3, $0x10;
	v17 =	vshll.u32 v4, $0x10;
	v12 =	vand.u32 $0xFFFF0000, v4  }
0xec: {  	v24 =	vld [tilespmem:s28+$0x10100];
	v9 =	vand.u32 $0xFFFF0000, v3;
	v3 =	vshll.u32 v1, $0x10;
	v5 =	vand.u32 $0xFFFF0000, v6  }
0xed: {  	v23 =	vld [tilespmem:s28+$0x10130];
	v21 =	vand.u32 $0xFFFF0000, v1;
	v2 =	vadd.f32 v2, v0;
	v4 =	vadd.f32 v3, v0  }
0xee: {  	s26 =	simm.s32 $0x200;
	v1 =	vadd.f32 v5, v0;
	v3 =	vimm.f32 $0.0e+00;
	v5 =	vimm.f32 $0.0e+00  }
.LBB2_13:
0xef: {  	s28 =	sshra.s32 s26, $0x2;
	p1 =	sne.s32 s26, $0x6200;
	s26 =	sadd.s32 $0x200, s26;
	v25 =	vshll.u32 v22, $0x10;
	v0 =	vadd.f32 v17, v0;
	v3 =	vadd.f32 v12, v3  }
0xf0: {  	v12 =	vand.u32 $0xFFFF0000, v22;
	v17 =	vand.u32 $0xFFFF0000, v19;
	v5 =	vadd.f32 v21, v5;
	v26 =	vld [tilespmem:s28+$0x10150]  }
0xf1: {  	v13 =	vadd.f32 v25, v13;
	v21 =	vld [tilespmem:s28+$0x10140];
	v27 =	vshll.u32 v24, $0x10;
	v22 =	vand.u32 $0xFFFF0000, v24  }
0xf2: {  	v14 =	vadd.f32 v12, v14;
	v12 =	vshll.u32 v19, $0x10;
	v25 =	vld [tilespmem:s28+$0x10170];
	v24 =	vshll.u32 v23, $0x10  }
0xf3: {  	v10 =	vadd.f32 v17, v10;
	v18 =	vadd.f32 v22, v18;
	v17 =	vand.u32 $0xFFFF0000, v23;
	v28 =	vld [tilespmem:s28+$0x10160]  }
0xf4: {  	v8 =	vadd.f32 v9, v8;
	v6 =	vshll.u32 v6, $0x10;
	v15 =	vadd.f32 v12, v15;
	v22 =	vld [tilespmem:s28+$0x10110]  }
.Ltmp5:
0xf5: {  	v7 =	vadd.f32 v6, v7;
	v20 =	vadd.f32 v27, v20;
	v19 =	vld [tilespmem:s28+$0x10120];
	(pc) =	sbr.rel @p1 .LBB2_13-.Ltmp5, $4  }
0xf6: {  	v16 =	vadd.f32 v24, v16;
	v11 =	vadd.f32 v17, v11;
	v29 =	vshll.u32 v21, $0x10  }
0xf7: {  	v24 =	vld [tilespmem:s28+$0x10100];
	v2 =	vadd.f32 v29, v2;
	v17 =	vshll.u32 v25, $0x10;
	v12 =	vand.u32 $0xFFFF0000, v25  }
0xf8: {  	v9 =	vand.u32 $0xFFFF0000, v21;
	v25 =	vshll.u32 v26, $0x10;
	v23 =	vld [tilespmem:s28+$0x10130];
	v27 =	vand.u32 $0xFFFF0000, v28;
	v6 =	vmovc v28  }
0xf9: {  	v21 =	vand.u32 $0xFFFF0000, v26;
	v4 =	vadd.f32 v25, v4;
	v1 =	vadd.f32 v27, v1  }
0xfa: {  	[tilespmem:s24+$0x15680] =	vst v2  }
0xfb: {  	v8 =	vadd.f32 v9, v8;
	[tilespmem:s24+$0x156A0] =	vst v4  }
0xfc: {  	v2 =	vadd.f32 v21, v5;
	[tilespmem:s24+$0x156D0] =	vst v1  }
0xfd: {  	v5 =	vshll.u32 v6, $0x10;
	v0 =	vadd.f32 v17, v0;
	[tilespmem:s24+$0x15690] =	vst v8  }
0xfe: {  	v5 =	vadd.f32 v5, v7;
	[tilespmem:s24+$0x156B0] =	vst v2  }
0xff: {  	v25 =	vshll.u32 v24, $0x10;
	v2 =	vadd.f32 v12, v3;
	[tilespmem:s24+$0x156E0] =	vst v0  }
0x100: {  	v24 =	vand.u32 $0xFFFF0000, v24;
	v20 =	vadd.f32 v25, v20;
	[tilespmem:s24+$0x156C0] =	vst v5  }
0x101: {  	v25 =	vshll.u32 v22, $0x10;
	v18 =	vadd.f32 v24, v18;
	[tilespmem:s24+$0x156F0] =	vst v2  }
0x102: {  	v22 =	vand.u32 $0xFFFF0000, v22;
	v13 =	vadd.f32 v25, v13;
	[tilespmem:s24+$0x15280] =	vst v20  }
0x103: {  	v14 =	vadd.f32 v22, v14;
	v20 =	vshll.u32 v19, $0x10;
	[tilespmem:s24+$0x15290] =	vst v18  }
0x104: {  	v18 =	vand.u32 $0xFFFF0000, v19;
	v15 =	vadd.f32 v20, v15;
	[tilespmem:s24+$0x152A0] =	vst v13  }
0x105: {  	v13 =	vshll.u32 v23, $0x10;
	v10 =	vadd.f32 v18, v10;
	[tilespmem:s24+$0x152B0] =	vst v14  }
0x106: {  	v14 =	vand.u32 $0xFFFF0000, v23;
	v13 =	vadd.f32 v13, v16;
	[tilespmem:s24+$0x152C0] =	vst v15  }
0x107: {  	v11 =	vadd.f32 v14, v11;
	[tilespmem:s24+$0x152D0] =	vst v10  }
0x108: {  	[tilespmem:s24+$0x152E0] =	vst v13  }
0x109: {  	s26 =	sadd.s32 @!p0 $0x300, s25;
	s28 =	simm.s32 @!p0 $0x68;
	s29 =	simm.s32 @!p0 $0xE800;
	[tilespmem:s24+$0x152F0] =	vst v11  }
0x10a: {  	[tilespmem:s29], [sflag:$0x3] =	stream.indirect.gather @!p0 [hbm4b:s3+s28], $0x80, s26, s28, $0xb8;
	[tilespmem:$0x19000] =	vst v63  }
0x10b: {  	_ =	swait.ge [sflag:s19], $0x3400  }
0x10c: {  	[sflag:s19] =	ssyncset.done $0x0  }
0x10d: {  	s31 =	simm.s32 $0x0;
	[sflag:s19] =	ssyncadd.s32 $0xFFFFCC00  }
0x10e: {  	v1 =	vld [tilespmem:s31+$0x11C50]  }
0x10f: {  	v3 =	vld [tilespmem:s31+$0x11C40]  }
0x110: {  	v4 =	vld [tilespmem:s31+$0x11C70]  }
0x111: {  	v7 =	vimm.f32 $0.0e+00;
	v0 =	vimm.f32 $0.0e+00;
	v6 =	vld [tilespmem:s31+$0x11C60]  }
0x112: {  	v8 =	vimm.f32 $0.0e+00;
	v18 =	vimm.f32 $0.0e+00;
	v20 =	vimm.f32 $0.0e+00  }
0x113: {  	v14 =	vimm.f32 $0.0e+00;
	v16 =	vimm.f32 $0.0e+00;
	v10 =	vimm.f32 $0.0e+00  }
0x114: {  	v15 =	vimm.f32 $0.0e+00;
	v13 =	vimm.f32 $0.0e+00;
	v11 =	vimm.f32 $0.0e+00;
	v22 =	vld [tilespmem:s31+$0x11C10]  }
0x115: {  	v19 =	vld [tilespmem:s31+$0x11C20];
	v2 =	vshll.u32 v3, $0x10;
	v17 =	vshll.u32 v4, $0x10;
	v12 =	vand.u32 $0xFFFF0000, v4  }
0x116: {  	v24 =	vld [tilespmem:s31+$0x11C00];
	v9 =	vand.u32 $0xFFFF0000, v3;
	v3 =	vshll.u32 v1, $0x10;
	v5 =	vand.u32 $0xFFFF0000, v6  }
0x117: {  	v23 =	vld [tilespmem:s31+$0x11C30];
	v21 =	vand.u32 $0xFFFF0000, v1;
	v2 =	vadd.f32 v2, v0;
	v4 =	vadd.f32 v3, v0  }
0x118: {  	s26 =	simm.s32 $0x200;
	v1 =	vadd.f32 v5, v0;
	v3 =	vimm.f32 $0.0e+00;
	v5 =	vimm.f32 $0.0e+00  }
.LBB2_15:
0x119: {  	s28 =	sshra.s32 s26, $0x2;
	p1 =	sne.s32 s26, $0x6200;
	s26 =	sadd.s32 $0x200, s26;
	v25 =	vshll.u32 v22, $0x10;
	v0 =	vadd.f32 v17, v0;
	v3 =	vadd.f32 v12, v3  }
0x11a: {  	v12 =	vand.u32 $0xFFFF0000, v22;
	v17 =	vand.u32 $0xFFFF0000, v19;
	v5 =	vadd.f32 v21, v5;
	v26 =	vld [tilespmem:s28+$0x11C50]  }
0x11b: {  	v13 =	vadd.f32 v25, v13;
	v21 =	vld [tilespmem:s28+$0x11C40];
	v27 =	vshll.u32 v24, $0x10;
	v22 =	vand.u32 $0xFFFF0000, v24  }
0x11c: {  	v14 =	vadd.f32 v12, v14;
	v12 =	vshll.u32 v19, $0x10;
	v25 =	vld [tilespmem:s28+$0x11C70];
	v24 =	vshll.u32 v23, $0x10  }
0x11d: {  	v10 =	vadd.f32 v17, v10;
	v18 =	vadd.f32 v22, v18;
	v17 =	vand.u32 $0xFFFF0000, v23;
	v28 =	vld [tilespmem:s28+$0x11C60]  }
0x11e: {  	v8 =	vadd.f32 v9, v8;
	v6 =	vshll.u32 v6, $0x10;
	v15 =	vadd.f32 v12, v15;
	v22 =	vld [tilespmem:s28+$0x11C10]  }
.Ltmp6:
0x11f: {  	v7 =	vadd.f32 v6, v7;
	v20 =	vadd.f32 v27, v20;
	v19 =	vld [tilespmem:s28+$0x11C20];
	(pc) =	sbr.rel @p1 .LBB2_15-.Ltmp6, $4  }
0x120: {  	v16 =	vadd.f32 v24, v16;
	v11 =	vadd.f32 v17, v11;
	v29 =	vshll.u32 v21, $0x10  }
0x121: {  	v24 =	vld [tilespmem:s28+$0x11C00];
	v2 =	vadd.f32 v29, v2;
	v17 =	vshll.u32 v25, $0x10;
	v12 =	vand.u32 $0xFFFF0000, v25  }
0x122: {  	v9 =	vand.u32 $0xFFFF0000, v21;
	v25 =	vshll.u32 v26, $0x10;
	v23 =	vld [tilespmem:s28+$0x11C30];
	v27 =	vand.u32 $0xFFFF0000, v28;
	v6 =	vmovc v28  }
0x123: {  	v21 =	vand.u32 $0xFFFF0000, v26;
	v4 =	vadd.f32 v25, v4;
	v1 =	vadd.f32 v27, v1  }
0x124: {  	[tilespmem:s24+$0x15700] =	vst v2  }
0x125: {  	v8 =	vadd.f32 v9, v8;
	[tilespmem:s24+$0x15720] =	vst v4  }
0x126: {  	v2 =	vadd.f32 v21, v5;
	[tilespmem:s24+$0x15750] =	vst v1  }
0x127: {  	v5 =	vshll.u32 v6, $0x10;
	v0 =	vadd.f32 v17, v0;
	[tilespmem:s24+$0x15710] =	vst v8  }
0x128: {  	v5 =	vadd.f32 v5, v7;
	[tilespmem:s24+$0x15730] =	vst v2  }
0x129: {  	v25 =	vshll.u32 v24, $0x10;
	v2 =	vadd.f32 v12, v3;
	[tilespmem:s24+$0x15760] =	vst v0  }
0x12a: {  	v24 =	vand.u32 $0xFFFF0000, v24;
	v20 =	vadd.f32 v25, v20;
	[tilespmem:s24+$0x15740] =	vst v5  }
0x12b: {  	v25 =	vshll.u32 v22, $0x10;
	v18 =	vadd.f32 v24, v18;
	[tilespmem:s24+$0x15770] =	vst v2  }
0x12c: {  	v22 =	vand.u32 $0xFFFF0000, v22;
	v13 =	vadd.f32 v25, v13;
	[tilespmem:s24+$0x15300] =	vst v20  }
0x12d: {  	v14 =	vadd.f32 v22, v14;
	v20 =	vshll.u32 v19, $0x10;
	[tilespmem:s24+$0x15310] =	vst v18  }
0x12e: {  	v18 =	vand.u32 $0xFFFF0000, v19;
	v15 =	vadd.f32 v20, v15;
	[tilespmem:s24+$0x15320] =	vst v13  }
0x12f: {  	v13 =	vshll.u32 v23, $0x10;
	v10 =	vadd.f32 v18, v10;
	[tilespmem:s24+$0x15330] =	vst v14  }
0x130: {  	v14 =	vand.u32 $0xFFFF0000, v23;
	v13 =	vadd.f32 v13, v16;
	[tilespmem:s24+$0x15340] =	vst v15  }
0x131: {  	v11 =	vadd.f32 v14, v11;
	[tilespmem:s24+$0x15350] =	vst v10  }
0x132: {  	[tilespmem:s24+$0x15360] =	vst v13  }
0x133: {  	s28 =	simm.s32 $0x0;
	[tilespmem:s24+$0x15370] =	vst v11  }
0x134: {  	v1 =	vld [tilespmem:s28+$0x13550]  }
0x135: {  	v3 =	vld [tilespmem:s28+$0x13540]  }
0x136: {  	v4 =	vld [tilespmem:s28+$0x13570]  }
0x137: {  	v7 =	vimm.f32 $0.0e+00;
	v0 =	vimm.f32 $0.0e+00;
	v6 =	vld [tilespmem:s28+$0x13560]  }
0x138: {  	v8 =	vimm.f32 $0.0e+00;
	v18 =	vimm.f32 $0.0e+00;
	v20 =	vimm.f32 $0.0e+00  }
0x139: {  	v14 =	vimm.f32 $0.0e+00;
	v16 =	vimm.f32 $0.0e+00;
	v10 =	vimm.f32 $0.0e+00  }
0x13a: {  	v15 =	vimm.f32 $0.0e+00;
	v13 =	vimm.f32 $0.0e+00;
	v11 =	vimm.f32 $0.0e+00;
	v22 =	vld [tilespmem:s28+$0x13510]  }
0x13b: {  	v19 =	vld [tilespmem:s28+$0x13520];
	v2 =	vshll.u32 v3, $0x10;
	v17 =	vshll.u32 v4, $0x10;
	v12 =	vand.u32 $0xFFFF0000, v4  }
0x13c: {  	v24 =	vld [tilespmem:s28+$0x13500];
	v9 =	vand.u32 $0xFFFF0000, v3;
	v3 =	vshll.u32 v1, $0x10;
	v5 =	vand.u32 $0xFFFF0000, v6  }
0x13d: {  	v23 =	vld [tilespmem:s28+$0x13530];
	v21 =	vand.u32 $0xFFFF0000, v1;
	v2 =	vadd.f32 v2, v0;
	v4 =	vadd.f32 v3, v0  }
0x13e: {  	s26 =	simm.s32 $0x200;
	v1 =	vadd.f32 v5, v0;
	v3 =	vimm.f32 $0.0e+00;
	v5 =	vimm.f32 $0.0e+00  }
.LBB2_17:
0x13f: {  	s28 =	sshra.s32 s26, $0x2;
	p1 =	sne.s32 s26, $0x6200;
	s26 =	sadd.s32 $0x200, s26;
	v25 =	vshll.u32 v22, $0x10;
	v0 =	vadd.f32 v17, v0;
	v3 =	vadd.f32 v12, v3  }
0x140: {  	v12 =	vand.u32 $0xFFFF0000, v22;
	v17 =	vand.u32 $0xFFFF0000, v19;
	v5 =	vadd.f32 v21, v5;
	v26 =	vld [tilespmem:s28+$0x13550]  }
0x141: {  	v13 =	vadd.f32 v25, v13;
	v21 =	vld [tilespmem:s28+$0x13540];
	v27 =	vshll.u32 v24, $0x10;
	v22 =	vand.u32 $0xFFFF0000, v24  }
0x142: {  	v14 =	vadd.f32 v12, v14;
	v12 =	vshll.u32 v19, $0x10;
	v25 =	vld [tilespmem:s28+$0x13570];
	v24 =	vshll.u32 v23, $0x10  }
0x143: {  	v10 =	vadd.f32 v17, v10;
	v18 =	vadd.f32 v22, v18;
	v17 =	vand.u32 $0xFFFF0000, v23;
	v28 =	vld [tilespmem:s28+$0x13560]  }
0x144: {  	v8 =	vadd.f32 v9, v8;
	v6 =	vshll.u32 v6, $0x10;
	v15 =	vadd.f32 v12, v15;
	v22 =	vld [tilespmem:s28+$0x13510]  }
.Ltmp7:
0x145: {  	v7 =	vadd.f32 v6, v7;
	v20 =	vadd.f32 v27, v20;
	v19 =	vld [tilespmem:s28+$0x13520];
	(pc) =	sbr.rel @p1 .LBB2_17-.Ltmp7, $4  }
0x146: {  	v16 =	vadd.f32 v24, v16;
	v11 =	vadd.f32 v17, v11;
	v29 =	vshll.u32 v21, $0x10  }
0x147: {  	v24 =	vld [tilespmem:s28+$0x13500];
	v2 =	vadd.f32 v29, v2;
	v17 =	vshll.u32 v25, $0x10;
	v12 =	vand.u32 $0xFFFF0000, v25  }
0x148: {  	v9 =	vand.u32 $0xFFFF0000, v21;
	v25 =	vshll.u32 v26, $0x10;
	v23 =	vld [tilespmem:s28+$0x13530];
	v27 =	vand.u32 $0xFFFF0000, v28;
	v6 =	vmovc v28  }
0x149: {  	v21 =	vand.u32 $0xFFFF0000, v26;
	v4 =	vadd.f32 v25, v4;
	v1 =	vadd.f32 v27, v1  }
0x14a: {  	[tilespmem:s24+$0x15780] =	vst v2  }
0x14b: {  	v8 =	vadd.f32 v9, v8;
	[tilespmem:s24+$0x157A0] =	vst v4  }
0x14c: {  	v61 =	vadd.f32 v21, v5;
	[tilespmem:s24+$0x157D0] =	vst v1  }
0x14d: {  	v0 =	vadd.f32 v17, v0;
	[tilespmem:s24+$0x15790] =	vst v8  }
0x14e: {  	v55 =	vshll.u32 v22, $0x10;
	v63 =	vadd.f32 v12, v3;
	[tilespmem:s24+$0x157B0] =	vst v61  }
0x14f: {  	v56 =	vand.u32 $0xFFFF0000, v22;
	v13 =	vadd.f32 v55, v13;
	[tilespmem:s24+$0x157E0] =	vst v0  }
0x150: {  	v57 =	vshll.u32 v19, $0x10;
	v14 =	vadd.f32 v56, v14;
	[tilespmem:s24+$0x157F0] =	vst v63  }
0x151: {  	v58 =	vand.u32 $0xFFFF0000, v19;
	v15 =	vadd.f32 v57, v15;
	[tilespmem:s24+$0x153A0] =	vst v13  }
0x152: {  	v62 =	vshll.u32 v6, $0x10;
	v10 =	vadd.f32 v58, v10;
	[tilespmem:s24+$0x153B0] =	vst v14  }
0x153: {  	v5 =	vadd.f32 v62, v7;
	v25 =	vshll.u32 v24, $0x10;
	[tilespmem:s24+$0x153C0] =	vst v15  }
0x154: {  	v54 =	vand.u32 $0xFFFF0000, v24;
	v20 =	vadd.f32 v25, v20;
	[tilespmem:s24+$0x153D0] =	vst v10  }
0x155: {  	v18 =	vadd.f32 v54, v18;
	v59 =	vshll.u32 v23, $0x10;
	[tilespmem:s24+$0x157C0] =	vst v5  }
0x156: {  	v60 =	vand.u32 $0xFFFF0000, v23;
	v13 =	vadd.f32 v59, v16;
	[tilespmem:s24+$0x15380] =	vst v20  }
0x157: {  	v11 =	vadd.f32 v60, v11;
	[tilespmem:s24+$0x15390] =	vst v18  }
0x158: {  	s26 =	simm.s32 @!p0 $0x11C00;
	[tilespmem:s24+$0x153E0] =	vst v13  }
0x159: {  	p1 =	sne.s32 @!p0 s23, $0x7;
	[tilespmem:s24+$0x153F0] =	vst v11;
	s24 =	sadd.s32 @!p0 $0x380, s25;
	s25 =	simm.s32 @!p0 $0x68  }
0x15a: {  	[tilespmem:s26], [sflag:$0x4] =	stream.indirect.gather @!p0 [hbm4b:s3+s25], $0x80, s24, s25, $0xb8;
	[tilespmem:$0x19000] =	vst v63  }
0x15b: {  	p0 =	por p0, !p1  }
0x15c: {  	s23 =	sshll.u32 @p0 s22, $0x8  }
0x15d: {  	s23 =	sand.u32 @p0 $0x3800, s23  }
0x15e: {  	s23 =	sadd.s32 @p0 s23, s5  }
0x15f: {  	[hbm4b:s23+s2] =	stream.linear.scatter @p0 [tilespmem:s20], [sflag:$0x5], $0x4000, $0x38;
	[tilespmem:$0x19000] =	vst v63  }
0x160: {  	_ =	swait.ge @p0 [sflag:s7], $0x4000  }
0x161: {  	s22 =	sadd.s32 $0x1, s22;
	[sflag:s7] =	ssyncset.done @p0 $0x0  }
0x162: {  	[sflag:s7] =	ssyncadd.s32 @p0 $0xFFFFC000;
	p0 =	sne.s32 s22, $0x40  }
.Ltmp8:
0x163: {  	_ = 	snop;
	(pc) =	sbr.rel @p0 .LBB2_2-.Ltmp8, $1  }
0x164: {  	_ =	sdelay $0x3  }
0x165: {  	s21 =	sadd.s32 $0x1, s21  }
0x166: {  	p0 =	sne.s32 s21, s6  }
.Ltmp9:
0x167: {  	_ = 	snop;
	(pc) =	sbr.rel @p0 .LBB2_1-.Ltmp9, $1  }
0x168: {  	_ =	sdelay $0x3  }
0x169: {  	_ =	sfence.sel $0x180000  }
0x16a: {  	[bflag:$0x0] =	sbarrier.arrive $0xFFFF  }
0x16b: {  	p0 =	sne.s32 s1, $0x0;
	_ =	strace $0x90000047  }
0x16c: {  	s0 =	sadd.s32 @!p0 $0x100000, s0;
	[bflag:$0x2] =	sbarrier.arrive $0xFFFF  }
0x16d: {  	[sflag:s0] =	ssyncadd.tile.s32 @!p0 $0x1;
	_ =	shalt  }
.Lfunc_end2:
_tile_overlayer_lowered:
.L_overlay_start_2:
0x16e: {  	(tag) =	ssettag $0x2  }
0x16f: {  	s0 =	rddreg [dreg:$0x0];
	s2 =	stileid.u32  }
0x170: {  	s1 =	rddreg [dreg:$0x1];
	p0 =	sne.s32 s2, $0x0  }
0x171: {  	s3 =	rddreg [dreg:$0x2];
	[bflag:$0x3] =	sbarrier.arrive $0xFFFF;
	s2 =	simm.s32 @!p0 $0x1C05  }
0x172: {  	[timem:s3], [sflag:s2] =	dma.local @!p0 [hbm:s0], s1  }
0x173: {  	s0 =	simm.s32 @!p0 $0x5  }
0x174: {  	_ =	swait.ge @!p0 [sflag:s0], s1  }
0x175: {  	s1 =	ssub.s32 @!p0 $0x0, s1;
	[sflag:s0] =	ssyncset.done @!p0 $0x0  }
0x176: {  	[sflag:s0] =	ssyncadd.s32 @!p0 s1  }
0x177: {  	[bflag:$0x3] =	sbarrier.arrive $0xFFFF  }
0x178: {  	_ =	shalt  }

</sc_bundles>
